<compile_context>
chip_gen: v7x
topology: tpu7x:2x2x1
jax: 0.10.2.dev20260603
libtpu: 0.0.44.dev20260713+nightly
codegen_flags: <defaults>
</compile_context>

<pallas_src>
import jax
import jax.numpy as jnp
from jax import lax
from jax.experimental import pallas as pl
from jax.experimental.pallas import tpu as pltpu
from jax.experimental.pallas import tpu_sc as plsc

_A = 12
_H = 40
_W = 40
_N = _H * _W * _A
_PRE = 2000
_POST = 300
_THR = 0.7

_NS = 16
_SHARD = _N // _NS
_SPW = _H * _W // _NS
_SPWA = _SPW + 4
_CHUNKS = _SHARD // 16
_CAP = 256
_CW = _NS * _CAP
_PADF = -3.0e38
_VALIDF = -1.0e38
_INT_MIN = -2147483648


def _sc_body(cls_hbm, pred_hbm, anc_hbm, clip_hbm, out_hbm,
             sc_scores, sc_keys, sc_idx, sc_raw_s, sc_raw_p, sc_anc, sc_cx,
             sc_clip, sc_xch, sc_all, sh_cnt):
    b = lax.axis_index("c")
    sid = lax.axis_index("s")
    gbase = sid * _SHARD
    iota = lax.iota(jnp.int32, 16)

    pad = (sid % 2) * 4
    wstart = pl.multiple_of(sid * _SPW - pad, 8)
    pltpu.sync_copy(
        cls_hbm.at[pl.ds(b * 2 * _A + _A, _A), pl.ds(wstart, _SPWA)],
        sc_raw_s)
    pltpu.sync_copy(
        pred_hbm.at[pl.ds(b * 4 * _A, 4 * _A), pl.ds(wstart, _SPWA)],
        sc_raw_p)
    pltpu.sync_copy(anc_hbm.at[pl.ds(gbase * 4, _SHARD * 4)], sc_anc)
    pltpu.sync_copy(clip_hbm.at[pl.ds(b * 32, 32)], sc_clip)

    def keys_body(i, _):
        liv = iota + i * 16
        s = plsc.load_gather(sc_raw_s, [liv % _A, pad + liv // _A])
        sc_scores[pl.ds(i * 16, 16)] = s
        k = lax.bitcast_convert_type(s, jnp.int32)
        sc_keys[pl.ds(i * 16, 16)] = jnp.where(
            k < 0, k ^ jnp.int32(0x7FFFFFFF), k)
        return 0
    lax.fori_loop(0, _CHUNKS, keys_body, 0)

    def xchg(cnt_scalar):
        sc_xch[...] = jnp.full((16,), cnt_scalar, jnp.int32)
        pltpu.sync_copy(sc_xch, sh_cnt.at[pl.ds(sid * 16, 16)])
        plsc.subcore_barrier()
        pltpu.sync_copy(sh_cnt, sc_all)
        tot = jnp.zeros((16,), jnp.int32)
        for r in range(16):
            tot = tot + sc_all[pl.ds(r * 16, 16)]
        plsc.subcore_barrier()
        return tot

    def count_keys(pred):
        def cbody(i, acc):
            kk = sc_keys[pl.ds(i * 16, 16)]
            gi = iota + (gbase + i * 16)
            return acc + jnp.sum(pred(kk, gi).astype(jnp.int32))
        return lax.fori_loop(0, _CHUNKS, cbody, jnp.int32(0))

    def kstep(t, lohi):
        lo, hi = lohi
        mid = (lo & hi) + ((lo ^ hi) >> 1)
        tot = xchg(count_keys(lambda kk, gi: kk > mid))
        ge = tot >= _PRE
        return jnp.where(ge, mid + 1, lo), jnp.where(ge, hi, mid)

    tau, _ = lax.fori_loop(0, 32, kstep,
                           (jnp.full((16,), _INT_MIN, jnp.int32),
                            jnp.full((16,), 2147483647, jnp.int32)))

    c_gt = xchg(count_keys(lambda kk, gi: kk > tau))
    m_need = _PRE - c_gt

    def istep(t, lohi):
        lo, hi = lohi
        mid = (lo + hi) >> 1
        tot = xchg(count_keys(lambda kk, gi: (kk == tau) & (gi <= mid)))
        ge = tot >= m_need
        return jnp.where(ge, lo, mid + 1), jnp.where(ge, mid, hi)

    ilo, _ = lax.fori_loop(0, 15, istep,
                           (jnp.zeros((16,), jnp.int32),
                            jnp.full((16,), _N - 1, jnp.int32)))

    def abody(i, off):
        kk = sc_keys[pl.ds(i * 16, 16)]
        gi = iota + (gbase + i * 16)
        msk = (kk > tau) | ((kk == tau) & (gi <= ilo))
        plsc.store_compressed(sc_idx.at[pl.ds(off, 16)], iota + i * 16,
                              mask=msk)
        return off + jnp.sum(msk.astype(jnp.int32))

    cnt = lax.fori_loop(0, _CHUNKS, abody, jnp.int32(0))
    cntc = jnp.minimum(cnt, _CAP)
    sc_idx[pl.ds(cntc, 16)] = jnp.zeros((16,), jnp.int32)

    clip_w = sc_clip[pl.ds(16, 16)]
    clip_h = sc_clip[pl.ds(0, 16)]
    zeros_f = jnp.zeros((16,), jnp.float32)

    def dbody(c, _):
        liv = sc_idx[pl.ds(c * 16, 16)]
        av = liv % _A
        slv = liv // _A
        dcol = lambda j: plsc.load_gather(sc_raw_p, [4 * av + j, pad + slv])
        acol = lambda j: plsc.load_gather(sc_anc, [liv * 4 + j])
        dx, dy, dw, dh = dcol(0), dcol(1), dcol(2), dcol(3)
        ax1, ay1, ax2, ay2 = acol(0), acol(1), acol(2), acol(3)
        sv = plsc.load_gather(sc_scores, [liv])
        aw = ax2 - ax1 + 1.0
        ah = ay2 - ay1 + 1.0
        pcx = dx * aw + (ax1 + 0.5 * aw)
        pcy = dy * ah + (ay1 + 0.5 * ah)
        pw = jnp.exp(dw) * aw
        ph = jnp.exp(dh) * ah
        x1 = jnp.minimum(jnp.maximum(pcx - 0.5 * pw, zeros_f), clip_w)
        y1 = jnp.minimum(jnp.maximum(pcy - 0.5 * ph, zeros_f), clip_h)
        x2 = jnp.minimum(jnp.maximum(pcx + 0.5 * pw, zeros_f), clip_w)
        y2 = jnp.minimum(jnp.maximum(pcy + 0.5 * ph, zeros_f), clip_h)
        sl = pl.ds(c * 16, 16)
        sc_cx[0, sl] = x1
        sc_cx[1, sl] = y1
        sc_cx[2, sl] = x2
        sc_cx[3, sl] = y2
        sc_cx[4, sl] = sv
        sc_cx[5, sl] = (liv + gbase).astype(jnp.float32)
        return 0

    lax.fori_loop(0, (cntc + 15) // 16, dbody, 0)

    for c in range(_CAP // 16):
        sl = pl.ds(c * 16, 16)
        slot = iota + c * 16
        pad = slot >= jnp.full((16,), 1, jnp.int32) * cntc
        sc_cx[4, sl] = jnp.where(pad, jnp.float32(_PADF), sc_cx[4, sl])
    last = pl.ds(_CAP - 16, 16)
    snt = iota == 15
    sc_cx[4, last] = jnp.where(snt, jnp.float32(-2.0e38), sc_cx[4, last])
    sc_cx[0, last] = jnp.where(snt, 0.0, sc_cx[0, last])
    sc_cx[1, last] = jnp.where(snt, 0.0, sc_cx[1, last])
    sc_cx[2, last] = jnp.where(snt, -1.0, sc_cx[2, last])
    sc_cx[3, last] = jnp.where(snt, -1.0, sc_cx[3, last])

    for r in range(6):
        pltpu.sync_copy(
            sc_cx.at[r],
            out_hbm.at[pl.ds((b * 6 + r) * _CW + sid * _CAP, _CAP)])


def _tc_nms(cb_ref, out_ref):
    nb = cb_ref.shape[0]
    x1 = [cb_ref[i, 0] for i in range(nb)]
    y1 = [cb_ref[i, 1] for i in range(nb)]
    x2 = [cb_ref[i, 2] for i in range(nb)]
    y2 = [cb_ref[i, 3] for i in range(nb)]
    sc = [cb_ref[i, 4] for i in range(nb)]
    area = [(x2[i] - x1[i] + 1.0) * (y2[i] - y1[i] + 1.0) for i in range(nb)]

    lane1 = lax.broadcasted_iota(jnp.int32, (1, 128), 1)
    siota = (lax.broadcasted_iota(jnp.int32, (32, 128), 0) * 128
             + lax.broadcasted_iota(jnp.int32, (32, 128), 1)).astype(
                 jnp.float32)

    def nms_body(k, carry):
        newc = []
        for i in range(nb):
            ascr = carry[i]
            mk = jnp.max(ascr)
            s_f = jnp.min(jnp.where(ascr == mk, siota, jnp.float32(8192.0)))
            s_i = jnp.minimum(s_f.astype(jnp.int32), 4095)
            r = s_i // 128
            l = s_i % 128
            lhot = lane1 == l
            ext = lambda c: jnp.max(jnp.where(
                lhot, cb_ref[i, c, pl.ds(r, 1), :], jnp.float32(_PADF)))
            bx1 = ext(0)
            by1 = ext(1)
            bx2 = ext(2)
            by2 = ext(3)
            z = jnp.float32(0.0)
            out_ref[i, 0, k] = jnp.maximum(bx1, z)
            out_ref[i, 1, k] = jnp.maximum(by1, z)
            out_ref[i, 2, k] = jnp.maximum(bx2, z)
            out_ref[i, 3, k] = jnp.maximum(by2, z)
            barea = (bx2 - bx1 + 1.0) * (by2 - by1 + 1.0)
            iw = jnp.maximum(
                jnp.minimum(x2[i], bx2) - jnp.maximum(x1[i], bx1) + 1.0, 0.0)
            ih = jnp.maximum(
                jnp.minimum(y2[i], by2) - jnp.maximum(y1[i], by1) + 1.0, 0.0)
            inter = iw * ih
            iou = inter / (area[i] + barea - inter)
            ascr = jnp.where(iou > _THR, jnp.float32(_PADF), ascr)
            newc.append(ascr)
        return tuple(newc)

    lax.fori_loop(0, _POST, nms_body, tuple(sc[i] for i in range(nb)))


def kernel(rpn_cls_prob, rpn_bbox_pred, im_info, all_anchors):
    b = rpn_cls_prob.shape[0]
    cls = rpn_cls_prob.reshape(b * 2 * _A, _H * _W)
    pred = rpn_bbox_pred.reshape(b * 4 * _A, _H * _W)
    anc = all_anchors.reshape(_N * 4)
    clip = jnp.repeat(im_info[:, 0:2] - 1.0, 16, axis=1).reshape(b * 32)

    mesh = plsc.VectorSubcoreMesh(core_axis_name="c", subcore_axis_name="s")
    sc_call = pl.kernel(
        _sc_body, mesh=mesh,
        compiler_params=pltpu.CompilerParams(
            needs_layout_passes=False, use_tc_tiling_on_sc=False),
        out_type=jax.ShapeDtypeStruct((b * 6 * _CW,), jnp.float32),
        scratch_types=[
            pltpu.VMEM((_SHARD,), jnp.float32),
            pltpu.VMEM((_SHARD,), jnp.int32),
            pltpu.VMEM((_SHARD + 16,), jnp.int32),
            pltpu.VMEM((_A, _SPWA), jnp.float32),
            pltpu.VMEM((4 * _A, _SPWA), jnp.float32),
            pltpu.VMEM((_SHARD * 4,), jnp.float32),
            pltpu.VMEM((6, _CAP), jnp.float32),
            pltpu.VMEM((32,), jnp.float32),
            pltpu.VMEM((16,), jnp.int32),
            pltpu.VMEM((256,), jnp.int32),
            pltpu.VMEM_SHARED((256,), jnp.int32),
        ])
    compact = sc_call(cls, pred, anc, clip).reshape(b, 6, 32, 128)

    out = pl.pallas_call(
        _tc_nms,
        out_specs=pl.BlockSpec(memory_space=pltpu.SMEM),
        out_shape=jax.ShapeDtypeStruct((b, 4, _POST), jnp.float32),
    )(compact)

    coords = jnp.transpose(out, (0, 2, 1))
    col0 = jnp.broadcast_to(
        jnp.arange(b, dtype=jnp.float32)[:, None, None], (b, _POST, 1))
    return jnp.concatenate([col0, coords], axis=2)

# --- scband reference (transcript-rebuilt; emitter-appended) ---
"""Pipeline reference for scband-proposal-layer-78297253806351 (READ-ONLY COPY).

The authoritative reference and input builder live on the scoring server;
editing this copy changes nothing except your own understanding.
"""

import jax, jax.numpy as jnp
import numpy as np

B = 2
H = 40
W = 40
STRIDE = 16
A = 12
PRE_NMS_TOP_N = 2000
POST_NMS_TOP_N = 300
NMS_THRESH = 0.7


def _base_anchors():
    base = 16.0
    x_ctr = 0.5 * (base - 1.0)
    y_ctr = 0.5 * (base - 1.0)
    size = base * base
    anchors = []
    for r in [0.5, 1.0, 2.0]:
        ws = np.round(np.sqrt(size / r))
        hs = np.round(ws * r)
        for s in [4.0, 8.0, 16.0, 32.0]:
            w_ = ws * s
            h_ = hs * s
            anchors.append([x_ctr - 0.5 * (w_ - 1.0), y_ctr - 0.5 * (h_ - 1.0), x_ctr + 0.5 * (w_ - 1.0), y_ctr + 0.5 * (h_ - 1.0)])
    return np.asarray(anchors, dtype=np.float32)


def _all_anchors_np():
    ba = _base_anchors()
    sx = np.arange(W, dtype=np.float32) * STRIDE
    sy = np.arange(H, dtype=np.float32) * STRIDE
    mx, my = np.meshgrid(sx, sy)
    shifts = np.stack([mx.ravel(), my.ravel(), mx.ravel(), my.ravel()], axis=1)
    return (shifts[:, None, :] + ba[None, :, :]).reshape(-1, 4).astype(np.float32)


def setup_inputs(seed: int = 0):
    key = jax.random.key(seed)
    k1, k2 = jax.random.split(key)
    rpn_cls_prob = jax.random.normal(k1, (B, 2 * A, H, W), dtype=jnp.float32)
    rpn_bbox_pred = jax.random.normal(k2, (B, 4 * A, H, W), dtype=jnp.float32) * 0.1
    im_info = jnp.tile(jnp.array([[float(H * STRIDE), float(W * STRIDE), 1.0]], dtype=jnp.float32), (B, 1))
    all_anchors = jnp.asarray(_all_anchors_np())
    return {"rpn_cls_prob": rpn_cls_prob, "rpn_bbox_pred": rpn_bbox_pred, "im_info": im_info, "all_anchors": all_anchors}


def _bbox_transform_inv(anchors, deltas):
    w = anchors[:, 2] - anchors[:, 0] + 1.0
    h = anchors[:, 3] - anchors[:, 1] + 1.0
    cx = anchors[:, 0] + 0.5 * w
    cy = anchors[:, 1] + 0.5 * h
    dx, dy, dw, dh = deltas[:, 0], deltas[:, 1], deltas[:, 2], deltas[:, 3]
    pcx = dx * w + cx
    pcy = dy * h + cy
    pw = jnp.exp(dw) * w
    ph = jnp.exp(dh) * h
    return jnp.stack([pcx - 0.5 * pw, pcy - 0.5 * ph, pcx + 0.5 * pw, pcy + 0.5 * ph], axis=1)


def _clip_boxes(boxes, iminfo):
    x1 = jnp.clip(boxes[:, 0], 0.0, iminfo[1] - 1.0)
    y1 = jnp.clip(boxes[:, 1], 0.0, iminfo[0] - 1.0)
    x2 = jnp.clip(boxes[:, 2], 0.0, iminfo[1] - 1.0)
    y2 = jnp.clip(boxes[:, 3], 0.0, iminfo[0] - 1.0)
    return jnp.stack([x1, y1, x2, y2], axis=1)


def _nms_keep(boxes, thresh):
    n = boxes.shape[0]
    b = jax.lax.stop_gradient(boxes)
    areas = (b[:, 2] - b[:, 0] + 1.0) * (b[:, 3] - b[:, 1] + 1.0)
    xx1 = jnp.maximum(b[:, None, 0], b[None, :, 0])
    yy1 = jnp.maximum(b[:, None, 1], b[None, :, 1])
    xx2 = jnp.minimum(b[:, None, 2], b[None, :, 2])
    yy2 = jnp.minimum(b[:, None, 3], b[None, :, 3])
    iw = jnp.maximum(xx2 - xx1 + 1.0, 0.0)
    ih = jnp.maximum(yy2 - yy1 + 1.0, 0.0)
    inter = iw * ih
    ious = inter / (areas[:, None] + areas[None, :] - inter)
    idxs = jnp.arange(n)

    def body(i, keep):
        sup = (ious[i] > thresh) & keep[i] & (idxs > i)
        return keep & (~sup)

    return jax.lax.fori_loop(0, n, body, jnp.ones((n,), dtype=bool))


def reference(rpn_cls_prob, rpn_bbox_pred, im_info, all_anchors):
    batch = rpn_cls_prob.shape[0]
    scores = rpn_cls_prob[:, A:, :, :]
    deltas = jnp.transpose(rpn_bbox_pred, (0, 2, 3, 1)).reshape(batch, -1, 4)
    scores = jnp.transpose(scores, (0, 2, 3, 1)).reshape(batch, -1)
    outs = []
    for i in range(batch):
        proposals = _bbox_transform_inv(all_anchors, deltas[i])
        proposals = _clip_boxes(proposals, im_info[i])
        order = jnp.argsort(-scores[i])[:PRE_NMS_TOP_N]
        p = proposals[order]
        keep = _nms_keep(p, NMS_THRESH)
        rank = jnp.cumsum(keep.astype(jnp.int32)) - 1
        valid = keep & (rank < POST_NMS_TOP_N)
        slot = jnp.where(valid, rank, POST_NMS_TOP_N)
        out = jnp.zeros((POST_NMS_TOP_N + 1, 5), dtype=jnp.float32)
        out = out.at[:, 0].set(jnp.float32(i))
        out = out.at[slot, 1:].set(jnp.where(valid[:, None], p, 0.0))
        outs.append(out[:POST_NMS_TOP_N])
    return jnp.stack(outs, axis=0)

if __name__ == "__main__":
    import jax
    _d = setup_inputs()
    print(jax.jit(kernel)(*tuple(_d.values())))

</pallas_src>

<mosaic_0001>
#map = affine_map<(d0, d1) -> (0, 0)>
#map1 = affine_map<(d0, d1) -> (0)>
module attributes {stable_mosaic.version = 14 : i64} {
  func.func @_sc_body(%arg0: i32, %arg1: i32, %arg2: memref<48x1600xf32, #tpu.memory_space<hbm>>, %arg3: memref<96x1600xf32, #tpu.memory_space<hbm>>, %arg4: memref<76800xf32, #tpu.memory_space<hbm>>, %arg5: memref<64xf32, #tpu.memory_space<hbm>>, %arg6: memref<49152xf32, #tpu.memory_space<hbm>>, %arg7: memref<1200xf32, #tpu.memory_space<vmem>>, %arg8: memref<1200xi32, #tpu.memory_space<vmem>>, %arg9: memref<1216xi32, #tpu.memory_space<vmem>>, %arg10: memref<12x104xf32, #tpu.memory_space<vmem>>, %arg11: memref<48x104xf32, #tpu.memory_space<vmem>>, %arg12: memref<4800xf32, #tpu.memory_space<vmem>>, %arg13: memref<6x256xf32, #tpu.memory_space<vmem>>, %arg14: memref<32xf32, #tpu.memory_space<vmem>>, %arg15: memref<16xi32, #tpu.memory_space<vmem>>, %arg16: memref<256xi32, #tpu.memory_space<vmem>>, %arg17: memref<256xi32, #tpu.memory_space<vmem_shared>>) attributes {dimension_semantics = [#tpu.dimension_semantics<core_parallel>, #tpu.dimension_semantics<subcore_parallel>], iteration_bounds = array<i64: 2, 16>, scalar_prefetch = 0 : i64, scratch_operands = 11 : i64, tpu.core_type = #tpu.core_type<sc_vector_subcore>, window_params = [{transform_indices = #map}, {transform_indices = #map}, {transform_indices = #map1}, {transform_indices = #map1}, {transform_indices = #map1}]} {
    %mul3A = arith.constant 1200 : i32
    %mul3A_0 = arith.muli %arg1, %mul3A : i32
    %iota3A = tpu.iota {dimensions = array<i32: 0>} : vector<16xi32>
    %jit3A = arith.constant 2 : i32
    %eq3A = arith.constant 0 : i32
    %eq3A_1 = arith.cmpi eq, %jit3A, %eq3A : i32
    %jit3A_2 = arith.constant 1 : i32
    %select_n3A = arith.select %eq3A_1, %jit3A_2, %jit3A : i32
    %rem3A = arith.remsi %arg1, %select_n3A : i32
    %ne3A = arith.constant 0 : i32
    %ne3A_3 = arith.cmpi ne, %rem3A, %ne3A : i32
    %lt3A = arith.constant 0 : i32
    %lt3A_4 = arith.cmpi slt, %rem3A, %lt3A : i32
    %lt3A_5 = arith.constant 0 : i32
    %lt3A_6 = arith.cmpi slt, %select_n3A, %lt3A_5 : i32
    %ne3A_7 = arith.xori %lt3A_4, %lt3A_6 : i1
    %and3A = arith.andi %ne3A_7, %ne3A_3 : i1
    %add3A = arith.addi %rem3A, %select_n3A : i32
    %select_n3A_8 = arith.select %and3A, %add3A, %rem3A : i32
    %mul3A_9 = arith.constant 4 : i32
    %mul3A_10 = arith.muli %select_n3A_8, %mul3A_9 : i32
    %mul3A_11 = arith.constant 100 : i32
    %mul3A_12 = arith.muli %arg1, %mul3A_11 : i32
    %sub3A = arith.subi %mul3A_12, %mul3A_10 : i32
    %multiple_of3A = tpu.assume_multiple %sub3A, 8 : i32
    %mul3A_13 = arith.constant 2 : i32
    %mul3A_14 = arith.muli %arg0, %mul3A_13 : i32
    %mul3A_15 = arith.constant 12 : i32
    %mul3A_16 = arith.muli %mul3A_14, %mul3A_15 : i32
    %add3A_17 = arith.constant 12 : i32
    %add3A_18 = arith.addi %mul3A_16, %add3A_17 : i32
    "tpu.region"() ({
      %run_scoped3A_589 = tpu.sem_alloc : memref<!tpu.dma_semaphore, #tpu.memory_space<semaphore_mem>>
      %dma_start3A = tpu.memref_slice %arg2[%add3A_18, %multiple_of3A] : memref<48x1600xf32, #tpu.memory_space<hbm>> -> memref<12x104xf32, #tpu.memory_space<hbm>>
      %dma_start3A_590 = tpu.memref_slice %arg2[%add3A_18, %multiple_of3A] : memref<48x1600xf32, #tpu.memory_space<hbm>> -> memref<12x104xf32, #tpu.memory_space<hbm>>
      tpu.enqueue_dma source(%dma_start3A_590 : memref<12x104xf32, #tpu.memory_space<hbm>>) target(%arg10 : memref<12x104xf32, #tpu.memory_space<vmem>>) target_semaphore(%run_scoped3A_589 : memref<!tpu.dma_semaphore, #tpu.memory_space<semaphore_mem>>)
      %dma_wait3A = tpu.memref_slice %arg2[%add3A_18, %multiple_of3A] : memref<48x1600xf32, #tpu.memory_space<hbm>> -> memref<12x104xf32, #tpu.memory_space<hbm>>
      %dma_wait3A_591 = tpu.memref_slice %arg2[%add3A_18, %multiple_of3A] : memref<48x1600xf32, #tpu.memory_space<hbm>> -> memref<12x104xf32, #tpu.memory_space<hbm>>
      tpu.wait_dma2 semaphore(%run_scoped3A_589 : memref<!tpu.dma_semaphore, #tpu.memory_space<semaphore_mem>>) src(%dma_wait3A_591 : memref<12x104xf32, #tpu.memory_space<hbm>>) dst(%arg10 : memref<12x104xf32, #tpu.memory_space<vmem>>)
      tpu.yield
    }) : () -> ()
    %mul3A_19 = arith.constant 4 : i32
    %mul3A_20 = arith.muli %arg0, %mul3A_19 : i32
    %mul3A_21 = arith.constant 12 : i32
    %mul3A_22 = arith.muli %mul3A_20, %mul3A_21 : i32
    "tpu.region"() ({
      %run_scoped3A_589 = tpu.sem_alloc : memref<!tpu.dma_semaphore, #tpu.memory_space<semaphore_mem>>
      %dma_start3A = tpu.memref_slice %arg3[%mul3A_22, %multiple_of3A] : memref<96x1600xf32, #tpu.memory_space<hbm>> -> memref<48x104xf32, #tpu.memory_space<hbm>>
      %dma_start3A_590 = tpu.memref_slice %arg3[%mul3A_22, %multiple_of3A] : memref<96x1600xf32, #tpu.memory_space<hbm>> -> memref<48x104xf32, #tpu.memory_space<hbm>>
      tpu.enqueue_dma source(%dma_start3A_590 : memref<48x104xf32, #tpu.memory_space<hbm>>) target(%arg11 : memref<48x104xf32, #tpu.memory_space<vmem>>) target_semaphore(%run_scoped3A_589 : memref<!tpu.dma_semaphore, #tpu.memory_space<semaphore_mem>>)
      %dma_wait3A = tpu.memref_slice %arg3[%mul3A_22, %multiple_of3A] : memref<96x1600xf32, #tpu.memory_space<hbm>> -> memref<48x104xf32, #tpu.memory_space<hbm>>
      %dma_wait3A_591 = tpu.memref_slice %arg3[%mul3A_22, %multiple_of3A] : memref<96x1600xf32, #tpu.memory_space<hbm>> -> memref<48x104xf32, #tpu.memory_space<hbm>>
      tpu.wait_dma2 semaphore(%run_scoped3A_589 : memref<!tpu.dma_semaphore, #tpu.memory_space<semaphore_mem>>) src(%dma_wait3A_591 : memref<48x104xf32, #tpu.memory_space<hbm>>) dst(%arg11 : memref<48x104xf32, #tpu.memory_space<vmem>>)
      tpu.yield
    }) : () -> ()
    %mul3A_23 = arith.constant 4 : i32
    %mul3A_24 = arith.muli %mul3A_0, %mul3A_23 : i32
    "tpu.region"() ({
      %run_scoped3A_589 = tpu.sem_alloc : memref<!tpu.dma_semaphore, #tpu.memory_space<semaphore_mem>>
      %dma_start3A = tpu.memref_slice %arg4[%mul3A_24] : memref<76800xf32, #tpu.memory_space<hbm>> -> memref<4800xf32, #tpu.memory_space<hbm>>
      %dma_start3A_590 = tpu.memref_slice %arg4[%mul3A_24] : memref<76800xf32, #tpu.memory_space<hbm>> -> memref<4800xf32, #tpu.memory_space<hbm>>
      tpu.enqueue_dma source(%dma_start3A_590 : memref<4800xf32, #tpu.memory_space<hbm>>) target(%arg12 : memref<4800xf32, #tpu.memory_space<vmem>>) target_semaphore(%run_scoped3A_589 : memref<!tpu.dma_semaphore, #tpu.memory_space<semaphore_mem>>)
      %dma_wait3A = tpu.memref_slice %arg4[%mul3A_24] : memref<76800xf32, #tpu.memory_space<hbm>> -> memref<4800xf32, #tpu.memory_space<hbm>>
      %dma_wait3A_591 = tpu.memref_slice %arg4[%mul3A_24] : memref<76800xf32, #tpu.memory_space<hbm>> -> memref<4800xf32, #tpu.memory_space<hbm>>
      tpu.wait_dma2 semaphore(%run_scoped3A_589 : memref<!tpu.dma_semaphore, #tpu.memory_space<semaphore_mem>>) src(%dma_wait3A_591 : memref<4800xf32, #tpu.memory_space<hbm>>) dst(%arg12 : memref<4800xf32, #tpu.memory_space<vmem>>)
      tpu.yield
    }) : () -> ()
    %mul3A_25 = arith.constant 32 : i32
    %mul3A_26 = arith.muli %arg0, %mul3A_25 : i32
    "tpu.region"() ({
      %run_scoped3A_589 = tpu.sem_alloc : memref<!tpu.dma_semaphore, #tpu.memory_space<semaphore_mem>>
      %dma_start3A = tpu.memref_slice %arg5[%mul3A_26] : memref<64xf32, #tpu.memory_space<hbm>> -> memref<32xf32, #tpu.memory_space<hbm>>
      %dma_start3A_590 = tpu.memref_slice %arg5[%mul3A_26] : memref<64xf32, #tpu.memory_space<hbm>> -> memref<32xf32, #tpu.memory_space<hbm>>
      tpu.enqueue_dma source(%dma_start3A_590 : memref<32xf32, #tpu.memory_space<hbm>>) target(%arg14 : memref<32xf32, #tpu.memory_space<vmem>>) target_semaphore(%run_scoped3A_589 : memref<!tpu.dma_semaphore, #tpu.memory_space<semaphore_mem>>)
      %dma_wait3A = tpu.memref_slice %arg5[%mul3A_26] : memref<64xf32, #tpu.memory_space<hbm>> -> memref<32xf32, #tpu.memory_space<hbm>>
      %dma_wait3A_591 = tpu.memref_slice %arg5[%mul3A_26] : memref<64xf32, #tpu.memory_space<hbm>> -> memref<32xf32, #tpu.memory_space<hbm>>
      tpu.wait_dma2 semaphore(%run_scoped3A_589 : memref<!tpu.dma_semaphore, #tpu.memory_space<semaphore_mem>>) src(%dma_wait3A_591 : memref<32xf32, #tpu.memory_space<hbm>>) dst(%arg14 : memref<32xf32, #tpu.memory_space<vmem>>)
      tpu.yield
    }) : () -> ()
    %scan3A = arith.constant 0 : i32
    %scan3A_27 = arith.constant 0 : i32
    %scan3A_28 = arith.constant 75 : i32
    %scan3A_29 = arith.addi %scan3A_27, %scan3A_28 : i32
    %scan3A_30 = arith.constant 1 : i32
    %scan3A_31 = scf.for %scan3A_589 = %scan3A_27 to %scan3A_29 step %scan3A_30 iter_args(%scan3A_590 = %scan3A) -> (i32)  : i32 {
      %mul3A_591 = arith.constant 16 : i32
      %mul3A_592 = arith.muli %scan3A_589, %mul3A_591 : i32
      %add3A_593 = vector.broadcast %mul3A_592 : i32 to vector<16xi32>
      %add3A_594 = arith.addi %iota3A, %add3A_593 : vector<16xi32>
      %jit3A_595 = arith.constant 12 : i32
      %eq3A_596 = arith.constant 0 : i32
      %eq3A_597 = arith.cmpi eq, %jit3A_595, %eq3A_596 : i32
      %jit3A_598 = arith.constant 1 : i32
      %select_n3A_599 = arith.select %eq3A_597, %jit3A_598, %jit3A_595 : i32
      %rem3A_600 = vector.broadcast %select_n3A_599 : i32 to vector<16xi32>
      %rem3A_601 = arith.remsi %add3A_594, %rem3A_600 : vector<16xi32>
      %ne3A_602 = arith.constant 0 : i32
      %ne3A_603 = vector.broadcast %ne3A_602 : i32 to vector<16xi32>
      %ne3A_604 = arith.cmpi ne, %rem3A_601, %ne3A_603 : vector<16xi32>
      %lt3A_605 = arith.constant 0 : i32
      %lt3A_606 = vector.broadcast %lt3A_605 : i32 to vector<16xi32>
      %lt3A_607 = arith.cmpi slt, %rem3A_601, %lt3A_606 : vector<16xi32>
      %lt3A_608 = arith.constant 0 : i32
      %lt3A_609 = arith.cmpi slt, %select_n3A_599, %lt3A_608 : i32
      %ne3A_610 = vector.broadcast %lt3A_609 : i1 to vector<16xi1>
      %ne3A_611 = vector.broadcast %ne3A_610 : vector<16xi1> to vector<16xi1>
      %ne3A_612 = arith.xori %lt3A_607, %ne3A_611 : vector<16xi1>
      %and3A_613 = arith.andi %ne3A_612, %ne3A_604 : vector<16xi1>
      %add3A_614 = vector.broadcast %select_n3A_599 : i32 to vector<16xi32>
      %add3A_615 = arith.addi %rem3A_601, %add3A_614 : vector<16xi32>
      %select_n3A_616 = arith.select %and3A_613, %add3A_615, %rem3A_601 : vector<16xi1>, vector<16xi32>
      %jit3A_617 = arith.constant 12 : i32
      %div3A_618 = vector.broadcast %jit3A_617 : i32 to vector<16xi32>
      %div3A_619 = arith.divsi %add3A_594, %div3A_618 : vector<16xi32>
      %sign3A_620 = arith.constant 0 : i32
      %sign3A_621 = vector.broadcast %sign3A_620 : i32 to vector<16xi32>
      %sign3A_622 = arith.cmpi sgt, %add3A_594, %sign3A_621 : vector<16xi32>
      %sign3A_623 = arith.extui %sign3A_622 : vector<16xi1> to vector<16xi32>
      %sign3A_624 = arith.constant 0 : i32
      %sign3A_625 = vector.broadcast %sign3A_624 : i32 to vector<16xi32>
      %sign3A_626 = arith.cmpi slt, %add3A_594, %sign3A_625 : vector<16xi32>
      %sign3A_627 = arith.extui %sign3A_626 : vector<16xi1> to vector<16xi32>
      %sign3A_628 = arith.subi %sign3A_623, %sign3A_627 : vector<16xi32>
      %sign3A_629 = arith.constant 0 : i32
      %sign3A_630 = arith.cmpi sgt, %jit3A_617, %sign3A_629 : i32
      %sign3A_631 = arith.extui %sign3A_630 : i1 to i32
      %sign3A_632 = arith.constant 0 : i32
      %sign3A_633 = arith.cmpi slt, %jit3A_617, %sign3A_632 : i32
      %sign3A_634 = arith.extui %sign3A_633 : i1 to i32
      %sign3A_635 = arith.subi %sign3A_631, %sign3A_634 : i32
      %ne3A_636 = vector.broadcast %sign3A_635 : i32 to vector<16xi32>
      %ne3A_637 = arith.cmpi ne, %sign3A_628, %ne3A_636 : vector<16xi32>
      %rem3A_638 = vector.broadcast %jit3A_617 : i32 to vector<16xi32>
      %rem3A_639 = arith.remsi %add3A_594, %rem3A_638 : vector<16xi32>
      %ne3A_640 = arith.constant 0 : i32
      %ne3A_641 = vector.broadcast %ne3A_640 : i32 to vector<16xi32>
      %ne3A_642 = arith.cmpi ne, %rem3A_639, %ne3A_641 : vector<16xi32>
      %and3A_643 = arith.andi %ne3A_637, %ne3A_642 : vector<16xi1>
      %sub3A_644 = arith.constant 1 : i32
      %sub3A_645 = vector.broadcast %sub3A_644 : i32 to vector<16xi32>
      %sub3A_646 = arith.subi %div3A_619, %sub3A_645 : vector<16xi32>
      %select_n3A_647 = arith.select %and3A_643, %sub3A_646, %div3A_619 : vector<16xi1>, vector<16xi32>
      %add3A_648 = vector.broadcast %mul3A_10 : i32 to vector<16xi32>
      %add3A_649 = arith.addi %add3A_648, %select_n3A_647 : vector<16xi32>
      %gather3A = tpu.vector_load_idx %arg10[%select_n3A_616, %add3A_649] : memref<12x104xf32, #tpu.memory_space<vmem>>[vector<16xi32>, vector<16xi32>], vector<16xf32>,
      %mul3A_650 = arith.constant 16 : i32
      %mul3A_651 = arith.muli %scan3A_589, %mul3A_650 : i32
      %swap3A_652 = arith.index_cast %mul3A_651 : i32 to index
      %swap3A_653 = tpu.vector_load %arg7[%swap3A_652] {strides = array<i32>} : memref<1200xf32, #tpu.memory_space<vmem>>, vector<16xf32>,
      tpu.vector_store %arg7[%swap3A_652], %gather3A {strides = array<i32>} : memref<1200xf32, #tpu.memory_space<vmem>>, vector<16xf32>,
      %bitcast_convert_type3A = tpu.bitcast %gather3A : vector<16xf32> -> vector<16xi32>
      %lt3A_654 = arith.constant 0 : i32
      %lt3A_655 = vector.broadcast %lt3A_654 : i32 to vector<16xi32>
      %lt3A_656 = arith.cmpi slt, %bitcast_convert_type3A, %lt3A_655 : vector<16xi32>
      %xor3A = arith.constant 2147483647 : i32
      %xor3A_657 = vector.broadcast %xor3A : i32 to vector<16xi32>
      %xor3A_658 = arith.xori %bitcast_convert_type3A, %xor3A_657 : vector<16xi32>
      %select_n3A_659 = arith.select %lt3A_656, %xor3A_658, %bitcast_convert_type3A : vector<16xi1>, vector<16xi32>
      %mul3A_660 = arith.constant 16 : i32
      %mul3A_661 = arith.muli %scan3A_589, %mul3A_660 : i32
      %swap3A_662 = arith.index_cast %mul3A_661 : i32 to index
      %swap3A_663 = tpu.vector_load %arg8[%swap3A_662] {strides = array<i32>} : memref<1200xi32, #tpu.memory_space<vmem>>, vector<16xi32>,
      tpu.vector_store %arg8[%swap3A_662], %select_n3A_659 {strides = array<i32>} : memref<1200xi32, #tpu.memory_space<vmem>>, vector<16xi32>,
      %scan3A_664 = arith.constant 0 : i32
      scf.yield %scan3A_664 : i32
    }
    %scan3A_32 = arith.constant 75 : i32
    %broadcast_in_dim3A = arith.constant -2147483648 : i32
    %broadcast_in_dim3A_33 = vector.broadcast %broadcast_in_dim3A : i32 to vector<16xi32>
    %broadcast_in_dim3A_34 = arith.constant 2147483647 : i32
    %broadcast_in_dim3A_35 = vector.broadcast %broadcast_in_dim3A_34 : i32 to vector<16xi32>
    %scan3A_36 = arith.constant 0 : i32
    %scan3A_37 = arith.constant 32 : i32
    %scan3A_38 = arith.addi %scan3A_36, %scan3A_37 : i32
    %scan3A_39 = arith.constant 1 : i32
    %scan3A_40:2 = scf.for %scan3A_589 = %scan3A_36 to %scan3A_38 step %scan3A_39 iter_args(%scan3A_590 = %broadcast_in_dim3A_33, %scan3A_591 = %broadcast_in_dim3A_35) -> (vector<16xi32>, vector<16xi32>)  : i32 {
      %and3A_592 = arith.andi %scan3A_590, %scan3A_591 : vector<16xi32>
      %xor3A = arith.xori %scan3A_590, %scan3A_591 : vector<16xi32>
      %shift_right_arithmetic3A = arith.constant 1 : i32
      %shift_right_arithmetic3A_593 = vector.broadcast %shift_right_arithmetic3A : i32 to vector<16xi32>
      %shift_right_arithmetic3A_594 = arith.shrsi %xor3A, %shift_right_arithmetic3A_593 : vector<16xi32>
      %add3A_595 = arith.addi %and3A_592, %shift_right_arithmetic3A_594 : vector<16xi32>
      %scan3A_596 = arith.constant 0 : i32
      %scan3A_597 = arith.constant 0 : i32
      %scan3A_598 = arith.constant 75 : i32
      %scan3A_599 = arith.addi %scan3A_597, %scan3A_598 : i32
      %scan3A_600 = arith.constant 1 : i32
      %scan3A_601 = scf.for %scan3A_668 = %scan3A_597 to %scan3A_599 step %scan3A_600 iter_args(%scan3A_669 = %scan3A_596) -> (i32)  : i32 {
        %mul3A_670 = arith.constant 16 : i32
        %mul3A_671 = arith.muli %scan3A_668, %mul3A_670 : i32
        %get3A_672 = arith.index_cast %mul3A_671 : i32 to index
        %get3A_673 = tpu.vector_load %arg8[%get3A_672] {strides = array<i32>} : memref<1200xi32, #tpu.memory_space<vmem>>, vector<16xi32>,
        %mul3A_674 = arith.constant 16 : i32
        %mul3A_675 = arith.muli %scan3A_668, %mul3A_674 : i32
        %add3A_676 = arith.addi %mul3A_0, %mul3A_675 : i32
        %add3A_677 = vector.broadcast %add3A_676 : i32 to vector<16xi32>
        %add3A_678 = arith.addi %iota3A, %add3A_677 : vector<16xi32>
        %gt3A = arith.cmpi sgt, %get3A_673, %add3A_595 : vector<16xi32>
        %convert_element_type3A = arith.extui %gt3A : vector<16xi1> to vector<16xi32>
        %reduce_sum3A = arith.constant true
        %reduce_sum3A_679 = vector.broadcast %reduce_sum3A : i1 to vector<16xi1>
        %reduce_sum3A_680 = tpu.scan <sum>, %convert_element_type3A masked %reduce_sum3A_679 : vector<16xi32>, vector<16xi1> -> vector<16xi32>
        %reduce_sum3A_681 = vector.extract %reduce_sum3A_680[15] : i32 from vector<16xi32>
        %add3A_682 = arith.addi %scan3A_669, %reduce_sum3A_681 : i32
        scf.yield %add3A_682 : i32
      }
      %scan3A_602 = arith.constant 75 : i32
      %broadcast_in_dim3A_603 = vector.broadcast %scan3A_601 : i32 to vector<16xi32>
      %swap3A_604 = arith.constant 0 : index
      %swap3A_605 = tpu.vector_load %arg15[%swap3A_604] {strides = array<i32>} : memref<16xi32, #tpu.memory_space<vmem>>, vector<16xi32>,
      tpu.vector_store %arg15[%swap3A_604], %broadcast_in_dim3A_603 {strides = array<i32>} : memref<16xi32, #tpu.memory_space<vmem>>, vector<16xi32>,
      %mul3A_606 = arith.constant 16 : i32
      %mul3A_607 = arith.muli %arg1, %mul3A_606 : i32
      "tpu.region"() ({
        %run_scoped3A_668 = tpu.sem_alloc : memref<!tpu.dma_semaphore, #tpu.memory_space<semaphore_mem>>
        %dma_start3A = tpu.memref_slice %arg17[%mul3A_607] : memref<256xi32, #tpu.memory_space<vmem_shared>> -> memref<16xi32, #tpu.memory_space<vmem_shared>>
        %dma_start3A_669 = tpu.memref_slice %arg17[%mul3A_607] : memref<256xi32, #tpu.memory_space<vmem_shared>> -> memref<16xi32, #tpu.memory_space<vmem_shared>>
        tpu.enqueue_dma source(%arg15 : memref<16xi32, #tpu.memory_space<vmem>>) target(%dma_start3A_669 : memref<16xi32, #tpu.memory_space<vmem_shared>>) target_semaphore(%run_scoped3A_668 : memref<!tpu.dma_semaphore, #tpu.memory_space<semaphore_mem>>)
        %dma_wait3A = tpu.memref_slice %arg17[%mul3A_607] : memref<256xi32, #tpu.memory_space<vmem_shared>> -> memref<16xi32, #tpu.memory_space<vmem_shared>>
        %dma_wait3A_670 = tpu.memref_slice %arg17[%mul3A_607] : memref<256xi32, #tpu.memory_space<vmem_shared>> -> memref<16xi32, #tpu.memory_space<vmem_shared>>
        tpu.wait_dma2 semaphore(%run_scoped3A_668 : memref<!tpu.dma_semaphore, #tpu.memory_space<semaphore_mem>>) src(%arg15 : memref<16xi32, #tpu.memory_space<vmem>>) dst(%dma_wait3A_670 : memref<16xi32, #tpu.memory_space<vmem_shared>>)
        tpu.yield
      }) : () -> ()
      %barrier3A_608 = arith.constant 0 : index
      tpu.barrier barrier_id(%barrier3A_608)
      "tpu.region"() ({
        %run_scoped3A_668 = tpu.sem_alloc : memref<!tpu.dma_semaphore, #tpu.memory_space<semaphore_mem>>
        tpu.enqueue_dma source(%arg17 : memref<256xi32, #tpu.memory_space<vmem_shared>>) target(%arg16 : memref<256xi32, #tpu.memory_space<vmem>>) target_semaphore(%run_scoped3A_668 : memref<!tpu.dma_semaphore, #tpu.memory_space<semaphore_mem>>)
        tpu.wait_dma2 semaphore(%run_scoped3A_668 : memref<!tpu.dma_semaphore, #tpu.memory_space<semaphore_mem>>) src(%arg17 : memref<256xi32, #tpu.memory_space<vmem_shared>>) dst(%arg16 : memref<256xi32, #tpu.memory_space<vmem>>)
        tpu.yield
      }) : () -> ()
      %broadcast_in_dim3A_609 = arith.constant 0 : i32
      %broadcast_in_dim3A_610 = vector.broadcast %broadcast_in_dim3A_609 : i32 to vector<16xi32>
      %get3A_611 = arith.constant 0 : index
      %get3A_612 = tpu.vector_load %arg16[%get3A_611] {strides = array<i32>} : memref<256xi32, #tpu.memory_space<vmem>>, vector<16xi32>,
      %add3A_613 = arith.addi %broadcast_in_dim3A_610, %get3A_612 : vector<16xi32>
      %get3A_614 = arith.constant 16 : index
      %get3A_615 = tpu.vector_load %arg16[%get3A_614] {strides = array<i32>} : memref<256xi32, #tpu.memory_space<vmem>>, vector<16xi32>,
      %add3A_616 = arith.addi %add3A_613, %get3A_615 : vector<16xi32>
      %get3A_617 = arith.constant 32 : index
      %get3A_618 = tpu.vector_load %arg16[%get3A_617] {strides = array<i32>} : memref<256xi32, #tpu.memory_space<vmem>>, vector<16xi32>,
      %add3A_619 = arith.addi %add3A_616, %get3A_618 : vector<16xi32>
      %get3A_620 = arith.constant 48 : index
      %get3A_621 = tpu.vector_load %arg16[%get3A_620] {strides = array<i32>} : memref<256xi32, #tpu.memory_space<vmem>>, vector<16xi32>,
      %add3A_622 = arith.addi %add3A_619, %get3A_621 : vector<16xi32>
      %get3A_623 = arith.constant 64 : index
      %get3A_624 = tpu.vector_load %arg16[%get3A_623] {strides = array<i32>} : memref<256xi32, #tpu.memory_space<vmem>>, vector<16xi32>,
      %add3A_625 = arith.addi %add3A_622, %get3A_624 : vector<16xi32>
      %get3A_626 = arith.constant 80 : index
      %get3A_627 = tpu.vector_load %arg16[%get3A_626] {strides = array<i32>} : memref<256xi32, #tpu.memory_space<vmem>>, vector<16xi32>,
      %add3A_628 = arith.addi %add3A_625, %get3A_627 : vector<16xi32>
      %get3A_629 = arith.constant 96 : index
      %get3A_630 = tpu.vector_load %arg16[%get3A_629] {strides = array<i32>} : memref<256xi32, #tpu.memory_space<vmem>>, vector<16xi32>,
      %add3A_631 = arith.addi %add3A_628, %get3A_630 : vector<16xi32>
      %get3A_632 = arith.constant 112 : index
      %get3A_633 = tpu.vector_load %arg16[%get3A_632] {strides = array<i32>} : memref<256xi32, #tpu.memory_space<vmem>>, vector<16xi32>,
      %add3A_634 = arith.addi %add3A_631, %get3A_633 : vector<16xi32>
      %get3A_635 = arith.constant 128 : index
      %get3A_636 = tpu.vector_load %arg16[%get3A_635] {strides = array<i32>} : memref<256xi32, #tpu.memory_space<vmem>>, vector<16xi32>,
      %add3A_637 = arith.addi %add3A_634, %get3A_636 : vector<16xi32>
      %get3A_638 = arith.constant 144 : index
      %get3A_639 = tpu.vector_load %arg16[%get3A_638] {strides = array<i32>} : memref<256xi32, #tpu.memory_space<vmem>>, vector<16xi32>,
      %add3A_640 = arith.addi %add3A_637, %get3A_639 : vector<16xi32>
      %get3A_641 = arith.constant 160 : index
      %get3A_642 = tpu.vector_load %arg16[%get3A_641] {strides = array<i32>} : memref<256xi32, #tpu.memory_space<vmem>>, vector<16xi32>,
      %add3A_643 = arith.addi %add3A_640, %get3A_642 : vector<16xi32>
      %get3A_644 = arith.constant 176 : index
      %get3A_645 = tpu.vector_load %arg16[%get3A_644] {strides = array<i32>} : memref<256xi32, #tpu.memory_space<vmem>>, vector<16xi32>,
      %add3A_646 = arith.addi %add3A_643, %get3A_645 : vector<16xi32>
      %get3A_647 = arith.constant 192 : index
      %get3A_648 = tpu.vector_load %arg16[%get3A_647] {strides = array<i32>} : memref<256xi32, #tpu.memory_space<vmem>>, vector<16xi32>,
      %add3A_649 = arith.addi %add3A_646, %get3A_648 : vector<16xi32>
      %get3A_650 = arith.constant 208 : index
      %get3A_651 = tpu.vector_load %arg16[%get3A_650] {strides = array<i32>} : memref<256xi32, #tpu.memory_space<vmem>>, vector<16xi32>,
      %add3A_652 = arith.addi %add3A_649, %get3A_651 : vector<16xi32>
      %get3A_653 = arith.constant 224 : index
      %get3A_654 = tpu.vector_load %arg16[%get3A_653] {strides = array<i32>} : memref<256xi32, #tpu.memory_space<vmem>>, vector<16xi32>,
      %add3A_655 = arith.addi %add3A_652, %get3A_654 : vector<16xi32>
      %get3A_656 = arith.constant 240 : index
      %get3A_657 = tpu.vector_load %arg16[%get3A_656] {strides = array<i32>} : memref<256xi32, #tpu.memory_space<vmem>>, vector<16xi32>,
      %add3A_658 = arith.addi %add3A_655, %get3A_657 : vector<16xi32>
      %barrier3A_659 = arith.constant 0 : index
      tpu.barrier barrier_id(%barrier3A_659)
      %ge3A_660 = arith.constant 2000 : i32
      %ge3A_661 = vector.broadcast %ge3A_660 : i32 to vector<16xi32>
      %ge3A_662 = arith.cmpi sge, %add3A_658, %ge3A_661 : vector<16xi32>
      %add3A_663 = arith.constant 1 : i32
      %add3A_664 = vector.broadcast %add3A_663 : i32 to vector<16xi32>
      %add3A_665 = arith.addi %add3A_595, %add3A_664 : vector<16xi32>
      %select_n3A_666 = arith.select %ge3A_662, %add3A_665, %scan3A_590 : vector<16xi1>, vector<16xi32>
      %select_n3A_667 = arith.select %ge3A_662, %scan3A_591, %add3A_595 : vector<16xi1>, vector<16xi32>
      scf.yield %select_n3A_666, %select_n3A_667 : vector<16xi32>, vector<16xi32>
    }
    %scan3A_41 = arith.constant 32 : i32
    %scan3A_42 = arith.constant 0 : i32
    %scan3A_43 = arith.constant 0 : i32
    %scan3A_44 = arith.constant 75 : i32
    %scan3A_45 = arith.addi %scan3A_43, %scan3A_44 : i32
    %scan3A_46 = arith.constant 1 : i32
    %scan3A_47 = scf.for %scan3A_589 = %scan3A_43 to %scan3A_45 step %scan3A_46 iter_args(%scan3A_590 = %scan3A_42) -> (i32)  : i32 {
      %mul3A_591 = arith.constant 16 : i32
      %mul3A_592 = arith.muli %scan3A_589, %mul3A_591 : i32
      %get3A_593 = arith.index_cast %mul3A_592 : i32 to index
      %get3A_594 = tpu.vector_load %arg8[%get3A_593] {strides = array<i32>} : memref<1200xi32, #tpu.memory_space<vmem>>, vector<16xi32>,
      %mul3A_595 = arith.constant 16 : i32
      %mul3A_596 = arith.muli %scan3A_589, %mul3A_595 : i32
      %add3A_597 = arith.addi %mul3A_0, %mul3A_596 : i32
      %add3A_598 = vector.broadcast %add3A_597 : i32 to vector<16xi32>
      %add3A_599 = arith.addi %iota3A, %add3A_598 : vector<16xi32>
      %gt3A = arith.cmpi sgt, %get3A_594, %scan3A_40#0 : vector<16xi32>
      %convert_element_type3A = arith.extui %gt3A : vector<16xi1> to vector<16xi32>
      %reduce_sum3A = arith.constant true
      %reduce_sum3A_600 = vector.broadcast %reduce_sum3A : i1 to vector<16xi1>
      %reduce_sum3A_601 = tpu.scan <sum>, %convert_element_type3A masked %reduce_sum3A_600 : vector<16xi32>, vector<16xi1> -> vector<16xi32>
      %reduce_sum3A_602 = vector.extract %reduce_sum3A_601[15] : i32 from vector<16xi32>
      %add3A_603 = arith.addi %scan3A_590, %reduce_sum3A_602 : i32
      scf.yield %add3A_603 : i32
    }
    %scan3A_48 = arith.constant 75 : i32
    %broadcast_in_dim3A_49 = vector.broadcast %scan3A_47 : i32 to vector<16xi32>
    %swap3A = arith.constant 0 : index
    %swap3A_50 = tpu.vector_load %arg15[%swap3A] {strides = array<i32>} : memref<16xi32, #tpu.memory_space<vmem>>, vector<16xi32>,
    tpu.vector_store %arg15[%swap3A], %broadcast_in_dim3A_49 {strides = array<i32>} : memref<16xi32, #tpu.memory_space<vmem>>, vector<16xi32>,
    %mul3A_51 = arith.constant 16 : i32
    %mul3A_52 = arith.muli %arg1, %mul3A_51 : i32
    "tpu.region"() ({
      %run_scoped3A_589 = tpu.sem_alloc : memref<!tpu.dma_semaphore, #tpu.memory_space<semaphore_mem>>
      %dma_start3A = tpu.memref_slice %arg17[%mul3A_52] : memref<256xi32, #tpu.memory_space<vmem_shared>> -> memref<16xi32, #tpu.memory_space<vmem_shared>>
      %dma_start3A_590 = tpu.memref_slice %arg17[%mul3A_52] : memref<256xi32, #tpu.memory_space<vmem_shared>> -> memref<16xi32, #tpu.memory_space<vmem_shared>>
      tpu.enqueue_dma source(%arg15 : memref<16xi32, #tpu.memory_space<vmem>>) target(%dma_start3A_590 : memref<16xi32, #tpu.memory_space<vmem_shared>>) target_semaphore(%run_scoped3A_589 : memref<!tpu.dma_semaphore, #tpu.memory_space<semaphore_mem>>)
      %dma_wait3A = tpu.memref_slice %arg17[%mul3A_52] : memref<256xi32, #tpu.memory_space<vmem_shared>> -> memref<16xi32, #tpu.memory_space<vmem_shared>>
      %dma_wait3A_591 = tpu.memref_slice %arg17[%mul3A_52] : memref<256xi32, #tpu.memory_space<vmem_shared>> -> memref<16xi32, #tpu.memory_space<vmem_shared>>
      tpu.wait_dma2 semaphore(%run_scoped3A_589 : memref<!tpu.dma_semaphore, #tpu.memory_space<semaphore_mem>>) src(%arg15 : memref<16xi32, #tpu.memory_space<vmem>>) dst(%dma_wait3A_591 : memref<16xi32, #tpu.memory_space<vmem_shared>>)
      tpu.yield
    }) : () -> ()
    %barrier3A = arith.constant 0 : index
    tpu.barrier barrier_id(%barrier3A)
    "tpu.region"() ({
      %run_scoped3A_589 = tpu.sem_alloc : memref<!tpu.dma_semaphore, #tpu.memory_space<semaphore_mem>>
      tpu.enqueue_dma source(%arg17 : memref<256xi32, #tpu.memory_space<vmem_shared>>) target(%arg16 : memref<256xi32, #tpu.memory_space<vmem>>) target_semaphore(%run_scoped3A_589 : memref<!tpu.dma_semaphore, #tpu.memory_space<semaphore_mem>>)
      tpu.wait_dma2 semaphore(%run_scoped3A_589 : memref<!tpu.dma_semaphore, #tpu.memory_space<semaphore_mem>>) src(%arg17 : memref<256xi32, #tpu.memory_space<vmem_shared>>) dst(%arg16 : memref<256xi32, #tpu.memory_space<vmem>>)
      tpu.yield
    }) : () -> ()
    %broadcast_in_dim3A_53 = arith.constant 0 : i32
    %broadcast_in_dim3A_54 = vector.broadcast %broadcast_in_dim3A_53 : i32 to vector<16xi32>
    %get3A = arith.constant 0 : index
    %get3A_55 = tpu.vector_load %arg16[%get3A] {strides = array<i32>} : memref<256xi32, #tpu.memory_space<vmem>>, vector<16xi32>,
    %add3A_56 = arith.addi %broadcast_in_dim3A_54, %get3A_55 : vector<16xi32>
    %get3A_57 = arith.constant 16 : index
    %get3A_58 = tpu.vector_load %arg16[%get3A_57] {strides = array<i32>} : memref<256xi32, #tpu.memory_space<vmem>>, vector<16xi32>,
    %add3A_59 = arith.addi %add3A_56, %get3A_58 : vector<16xi32>
    %get3A_60 = arith.constant 32 : index
    %get3A_61 = tpu.vector_load %arg16[%get3A_60] {strides = array<i32>} : memref<256xi32, #tpu.memory_space<vmem>>, vector<16xi32>,
    %add3A_62 = arith.addi %add3A_59, %get3A_61 : vector<16xi32>
    %get3A_63 = arith.constant 48 : index
    %get3A_64 = tpu.vector_load %arg16[%get3A_63] {strides = array<i32>} : memref<256xi32, #tpu.memory_space<vmem>>, vector<16xi32>,
    %add3A_65 = arith.addi %add3A_62, %get3A_64 : vector<16xi32>
    %get3A_66 = arith.constant 64 : index
    %get3A_67 = tpu.vector_load %arg16[%get3A_66] {strides = array<i32>} : memref<256xi32, #tpu.memory_space<vmem>>, vector<16xi32>,
    %add3A_68 = arith.addi %add3A_65, %get3A_67 : vector<16xi32>
    %get3A_69 = arith.constant 80 : index
    %get3A_70 = tpu.vector_load %arg16[%get3A_69] {strides = array<i32>} : memref<256xi32, #tpu.memory_space<vmem>>, vector<16xi32>,
    %add3A_71 = arith.addi %add3A_68, %get3A_70 : vector<16xi32>
    %get3A_72 = arith.constant 96 : index
    %get3A_73 = tpu.vector_load %arg16[%get3A_72] {strides = array<i32>} : memref<256xi32, #tpu.memory_space<vmem>>, vector<16xi32>,
    %add3A_74 = arith.addi %add3A_71, %get3A_73 : vector<16xi32>
    %get3A_75 = arith.constant 112 : index
    %get3A_76 = tpu.vector_load %arg16[%get3A_75] {strides = array<i32>} : memref<256xi32, #tpu.memory_space<vmem>>, vector<16xi32>,
    %add3A_77 = arith.addi %add3A_74, %get3A_76 : vector<16xi32>
    %get3A_78 = arith.constant 128 : index
    %get3A_79 = tpu.vector_load %arg16[%get3A_78] {strides = array<i32>} : memref<256xi32, #tpu.memory_space<vmem>>, vector<16xi32>,
    %add3A_80 = arith.addi %add3A_77, %get3A_79 : vector<16xi32>
    %get3A_81 = arith.constant 144 : index
    %get3A_82 = tpu.vector_load %arg16[%get3A_81] {strides = array<i32>} : memref<256xi32, #tpu.memory_space<vmem>>, vector<16xi32>,
    %add3A_83 = arith.addi %add3A_80, %get3A_82 : vector<16xi32>
    %get3A_84 = arith.constant 160 : index
    %get3A_85 = tpu.vector_load %arg16[%get3A_84] {strides = array<i32>} : memref<256xi32, #tpu.memory_space<vmem>>, vector<16xi32>,
    %add3A_86 = arith.addi %add3A_83, %get3A_85 : vector<16xi32>
    %get3A_87 = arith.constant 176 : index
    %get3A_88 = tpu.vector_load %arg16[%get3A_87] {strides = array<i32>} : memref<256xi32, #tpu.memory_space<vmem>>, vector<16xi32>,
    %add3A_89 = arith.addi %add3A_86, %get3A_88 : vector<16xi32>
    %get3A_90 = arith.constant 192 : index
    %get3A_91 = tpu.vector_load %arg16[%get3A_90] {strides = array<i32>} : memref<256xi32, #tpu.memory_space<vmem>>, vector<16xi32>,
    %add3A_92 = arith.addi %add3A_89, %get3A_91 : vector<16xi32>
    %get3A_93 = arith.constant 208 : index
    %get3A_94 = tpu.vector_load %arg16[%get3A_93] {strides = array<i32>} : memref<256xi32, #tpu.memory_space<vmem>>, vector<16xi32>,
    %add3A_95 = arith.addi %add3A_92, %get3A_94 : vector<16xi32>
    %get3A_96 = arith.constant 224 : index
    %get3A_97 = tpu.vector_load %arg16[%get3A_96] {strides = array<i32>} : memref<256xi32, #tpu.memory_space<vmem>>, vector<16xi32>,
    %add3A_98 = arith.addi %add3A_95, %get3A_97 : vector<16xi32>
    %get3A_99 = arith.constant 240 : index
    %get3A_100 = tpu.vector_load %arg16[%get3A_99] {strides = array<i32>} : memref<256xi32, #tpu.memory_space<vmem>>, vector<16xi32>,
    %add3A_101 = arith.addi %add3A_98, %get3A_100 : vector<16xi32>
    %barrier3A_102 = arith.constant 0 : index
    tpu.barrier barrier_id(%barrier3A_102)
    %sub3A_103 = arith.constant 2000 : i32
    %sub3A_104 = vector.broadcast %sub3A_103 : i32 to vector<16xi32>
    %sub3A_105 = arith.subi %sub3A_104, %add3A_101 : vector<16xi32>
    %broadcast_in_dim3A_106 = arith.constant 0 : i32
    %broadcast_in_dim3A_107 = vector.broadcast %broadcast_in_dim3A_106 : i32 to vector<16xi32>
    %broadcast_in_dim3A_108 = arith.constant 19199 : i32
    %broadcast_in_dim3A_109 = vector.broadcast %broadcast_in_dim3A_108 : i32 to vector<16xi32>
    %scan3A_110 = arith.constant 0 : i32
    %scan3A_111 = arith.constant 15 : i32
    %scan3A_112 = arith.addi %scan3A_110, %scan3A_111 : i32
    %scan3A_113 = arith.constant 1 : i32
    %scan3A_114:2 = scf.for %scan3A_589 = %scan3A_110 to %scan3A_112 step %scan3A_113 iter_args(%scan3A_590 = %broadcast_in_dim3A_107, %scan3A_591 = %broadcast_in_dim3A_109) -> (vector<16xi32>, vector<16xi32>)  : i32 {
      %add3A_592 = arith.addi %scan3A_590, %scan3A_591 : vector<16xi32>
      %shift_right_arithmetic3A = arith.constant 1 : i32
      %shift_right_arithmetic3A_593 = vector.broadcast %shift_right_arithmetic3A : i32 to vector<16xi32>
      %shift_right_arithmetic3A_594 = arith.shrsi %add3A_592, %shift_right_arithmetic3A_593 : vector<16xi32>
      %scan3A_595 = arith.constant 0 : i32
      %scan3A_596 = arith.constant 0 : i32
      %scan3A_597 = arith.constant 75 : i32
      %scan3A_598 = arith.addi %scan3A_596, %scan3A_597 : i32
      %scan3A_599 = arith.constant 1 : i32
      %scan3A_600 = scf.for %scan3A_665 = %scan3A_596 to %scan3A_598 step %scan3A_599 iter_args(%scan3A_666 = %scan3A_595) -> (i32)  : i32 {
        %mul3A_667 = arith.constant 16 : i32
        %mul3A_668 = arith.muli %scan3A_665, %mul3A_667 : i32
        %get3A_669 = arith.index_cast %mul3A_668 : i32 to index
        %get3A_670 = tpu.vector_load %arg8[%get3A_669] {strides = array<i32>} : memref<1200xi32, #tpu.memory_space<vmem>>, vector<16xi32>,
        %mul3A_671 = arith.constant 16 : i32
        %mul3A_672 = arith.muli %scan3A_665, %mul3A_671 : i32
        %add3A_673 = arith.addi %mul3A_0, %mul3A_672 : i32
        %add3A_674 = vector.broadcast %add3A_673 : i32 to vector<16xi32>
        %add3A_675 = arith.addi %iota3A, %add3A_674 : vector<16xi32>
        %eq3A_676 = arith.cmpi eq, %get3A_670, %scan3A_40#0 : vector<16xi32>
        %le3A = arith.cmpi sle, %add3A_675, %shift_right_arithmetic3A_594 : vector<16xi32>
        %and3A_677 = arith.andi %eq3A_676, %le3A : vector<16xi1>
        %convert_element_type3A = arith.extui %and3A_677 : vector<16xi1> to vector<16xi32>
        %reduce_sum3A = arith.constant true
        %reduce_sum3A_678 = vector.broadcast %reduce_sum3A : i1 to vector<16xi1>
        %reduce_sum3A_679 = tpu.scan <sum>, %convert_element_type3A masked %reduce_sum3A_678 : vector<16xi32>, vector<16xi1> -> vector<16xi32>
        %reduce_sum3A_680 = vector.extract %reduce_sum3A_679[15] : i32 from vector<16xi32>
        %add3A_681 = arith.addi %scan3A_666, %reduce_sum3A_680 : i32
        scf.yield %add3A_681 : i32
      }
      %scan3A_601 = arith.constant 75 : i32
      %broadcast_in_dim3A_602 = vector.broadcast %scan3A_600 : i32 to vector<16xi32>
      %swap3A_603 = arith.constant 0 : index
      %swap3A_604 = tpu.vector_load %arg15[%swap3A_603] {strides = array<i32>} : memref<16xi32, #tpu.memory_space<vmem>>, vector<16xi32>,
      tpu.vector_store %arg15[%swap3A_603], %broadcast_in_dim3A_602 {strides = array<i32>} : memref<16xi32, #tpu.memory_space<vmem>>, vector<16xi32>,
      %mul3A_605 = arith.constant 16 : i32
      %mul3A_606 = arith.muli %arg1, %mul3A_605 : i32
      "tpu.region"() ({
        %run_scoped3A_665 = tpu.sem_alloc : memref<!tpu.dma_semaphore, #tpu.memory_space<semaphore_mem>>
        %dma_start3A = tpu.memref_slice %arg17[%mul3A_606] : memref<256xi32, #tpu.memory_space<vmem_shared>> -> memref<16xi32, #tpu.memory_space<vmem_shared>>
        %dma_start3A_666 = tpu.memref_slice %arg17[%mul3A_606] : memref<256xi32, #tpu.memory_space<vmem_shared>> -> memref<16xi32, #tpu.memory_space<vmem_shared>>
        tpu.enqueue_dma source(%arg15 : memref<16xi32, #tpu.memory_space<vmem>>) target(%dma_start3A_666 : memref<16xi32, #tpu.memory_space<vmem_shared>>) target_semaphore(%run_scoped3A_665 : memref<!tpu.dma_semaphore, #tpu.memory_space<semaphore_mem>>)
        %dma_wait3A = tpu.memref_slice %arg17[%mul3A_606] : memref<256xi32, #tpu.memory_space<vmem_shared>> -> memref<16xi32, #tpu.memory_space<vmem_shared>>
        %dma_wait3A_667 = tpu.memref_slice %arg17[%mul3A_606] : memref<256xi32, #tpu.memory_space<vmem_shared>> -> memref<16xi32, #tpu.memory_space<vmem_shared>>
        tpu.wait_dma2 semaphore(%run_scoped3A_665 : memref<!tpu.dma_semaphore, #tpu.memory_space<semaphore_mem>>) src(%arg15 : memref<16xi32, #tpu.memory_space<vmem>>) dst(%dma_wait3A_667 : memref<16xi32, #tpu.memory_space<vmem_shared>>)
        tpu.yield
      }) : () -> ()
      %barrier3A_607 = arith.constant 0 : index
      tpu.barrier barrier_id(%barrier3A_607)
      "tpu.region"() ({
        %run_scoped3A_665 = tpu.sem_alloc : memref<!tpu.dma_semaphore, #tpu.memory_space<semaphore_mem>>
        tpu.enqueue_dma source(%arg17 : memref<256xi32, #tpu.memory_space<vmem_shared>>) target(%arg16 : memref<256xi32, #tpu.memory_space<vmem>>) target_semaphore(%run_scoped3A_665 : memref<!tpu.dma_semaphore, #tpu.memory_space<semaphore_mem>>)
        tpu.wait_dma2 semaphore(%run_scoped3A_665 : memref<!tpu.dma_semaphore, #tpu.memory_space<semaphore_mem>>) src(%arg17 : memref<256xi32, #tpu.memory_space<vmem_shared>>) dst(%arg16 : memref<256xi32, #tpu.memory_space<vmem>>)
        tpu.yield
      }) : () -> ()
      %broadcast_in_dim3A_608 = arith.constant 0 : i32
      %broadcast_in_dim3A_609 = vector.broadcast %broadcast_in_dim3A_608 : i32 to vector<16xi32>
      %get3A_610 = arith.constant 0 : index
      %get3A_611 = tpu.vector_load %arg16[%get3A_610] {strides = array<i32>} : memref<256xi32, #tpu.memory_space<vmem>>, vector<16xi32>,
      %add3A_612 = arith.addi %broadcast_in_dim3A_609, %get3A_611 : vector<16xi32>
      %get3A_613 = arith.constant 16 : index
      %get3A_614 = tpu.vector_load %arg16[%get3A_613] {strides = array<i32>} : memref<256xi32, #tpu.memory_space<vmem>>, vector<16xi32>,
      %add3A_615 = arith.addi %add3A_612, %get3A_614 : vector<16xi32>
      %get3A_616 = arith.constant 32 : index
      %get3A_617 = tpu.vector_load %arg16[%get3A_616] {strides = array<i32>} : memref<256xi32, #tpu.memory_space<vmem>>, vector<16xi32>,
      %add3A_618 = arith.addi %add3A_615, %get3A_617 : vector<16xi32>
      %get3A_619 = arith.constant 48 : index
      %get3A_620 = tpu.vector_load %arg16[%get3A_619] {strides = array<i32>} : memref<256xi32, #tpu.memory_space<vmem>>, vector<16xi32>,
      %add3A_621 = arith.addi %add3A_618, %get3A_620 : vector<16xi32>
      %get3A_622 = arith.constant 64 : index
      %get3A_623 = tpu.vector_load %arg16[%get3A_622] {strides = array<i32>} : memref<256xi32, #tpu.memory_space<vmem>>, vector<16xi32>,
      %add3A_624 = arith.addi %add3A_621, %get3A_623 : vector<16xi32>
      %get3A_625 = arith.constant 80 : index
      %get3A_626 = tpu.vector_load %arg16[%get3A_625] {strides = array<i32>} : memref<256xi32, #tpu.memory_space<vmem>>, vector<16xi32>,
      %add3A_627 = arith.addi %add3A_624, %get3A_626 : vector<16xi32>
      %get3A_628 = arith.constant 96 : index
      %get3A_629 = tpu.vector_load %arg16[%get3A_628] {strides = array<i32>} : memref<256xi32, #tpu.memory_space<vmem>>, vector<16xi32>,
      %add3A_630 = arith.addi %add3A_627, %get3A_629 : vector<16xi32>
      %get3A_631 = arith.constant 112 : index
      %get3A_632 = tpu.vector_load %arg16[%get3A_631] {strides = array<i32>} : memref<256xi32, #tpu.memory_space<vmem>>, vector<16xi32>,
      %add3A_633 = arith.addi %add3A_630, %get3A_632 : vector<16xi32>
      %get3A_634 = arith.constant 128 : index
      %get3A_635 = tpu.vector_load %arg16[%get3A_634] {strides = array<i32>} : memref<256xi32, #tpu.memory_space<vmem>>, vector<16xi32>,
      %add3A_636 = arith.addi %add3A_633, %get3A_635 : vector<16xi32>
      %get3A_637 = arith.constant 144 : index
      %get3A_638 = tpu.vector_load %arg16[%get3A_637] {strides = array<i32>} : memref<256xi32, #tpu.memory_space<vmem>>, vector<16xi32>,
      %add3A_639 = arith.addi %add3A_636, %get3A_638 : vector<16xi32>
      %get3A_640 = arith.constant 160 : index
      %get3A_641 = tpu.vector_load %arg16[%get3A_640] {strides = array<i32>} : memref<256xi32, #tpu.memory_space<vmem>>, vector<16xi32>,
      %add3A_642 = arith.addi %add3A_639, %get3A_641 : vector<16xi32>
      %get3A_643 = arith.constant 176 : index
      %get3A_644 = tpu.vector_load %arg16[%get3A_643] {strides = array<i32>} : memref<256xi32, #tpu.memory_space<vmem>>, vector<16xi32>,
      %add3A_645 = arith.addi %add3A_642, %get3A_644 : vector<16xi32>
      %get3A_646 = arith.constant 192 : index
      %get3A_647 = tpu.vector_load %arg16[%get3A_646] {strides = array<i32>} : memref<256xi32, #tpu.memory_space<vmem>>, vector<16xi32>,
      %add3A_648 = arith.addi %add3A_645, %get3A_647 : vector<16xi32>
      %get3A_649 = arith.constant 208 : index
      %get3A_650 = tpu.vector_load %arg16[%get3A_649] {strides = array<i32>} : memref<256xi32, #tpu.memory_space<vmem>>, vector<16xi32>,
      %add3A_651 = arith.addi %add3A_648, %get3A_650 : vector<16xi32>
      %get3A_652 = arith.constant 224 : index
      %get3A_653 = tpu.vector_load %arg16[%get3A_652] {strides = array<i32>} : memref<256xi32, #tpu.memory_space<vmem>>, vector<16xi32>,
      %add3A_654 = arith.addi %add3A_651, %get3A_653 : vector<16xi32>
      %get3A_655 = arith.constant 240 : index
      %get3A_656 = tpu.vector_load %arg16[%get3A_655] {strides = array<i32>} : memref<256xi32, #tpu.memory_space<vmem>>, vector<16xi32>,
      %add3A_657 = arith.addi %add3A_654, %get3A_656 : vector<16xi32>
      %barrier3A_658 = arith.constant 0 : index
      tpu.barrier barrier_id(%barrier3A_658)
      %ge3A_659 = arith.cmpi sge, %add3A_657, %sub3A_105 : vector<16xi32>
      %add3A_660 = arith.constant 1 : i32
      %add3A_661 = vector.broadcast %add3A_660 : i32 to vector<16xi32>
      %add3A_662 = arith.addi %shift_right_arithmetic3A_594, %add3A_661 : vector<16xi32>
      %select_n3A_663 = arith.select %ge3A_659, %scan3A_590, %add3A_662 : vector<16xi1>, vector<16xi32>
      %select_n3A_664 = arith.select %ge3A_659, %shift_right_arithmetic3A_594, %scan3A_591 : vector<16xi1>, vector<16xi32>
      scf.yield %select_n3A_663, %select_n3A_664 : vector<16xi32>, vector<16xi32>
    }
    %scan3A_115 = arith.constant 15 : i32
    %scan3A_116 = arith.constant 0 : i32
    %scan3A_117 = arith.constant 0 : i32
    %scan3A_118 = arith.constant 75 : i32
    %scan3A_119 = arith.addi %scan3A_117, %scan3A_118 : i32
    %scan3A_120 = arith.constant 1 : i32
    %scan3A_121 = scf.for %scan3A_589 = %scan3A_117 to %scan3A_119 step %scan3A_120 iter_args(%scan3A_590 = %scan3A_116) -> (i32)  : i32 {
      %mul3A_591 = arith.constant 16 : i32
      %mul3A_592 = arith.muli %scan3A_589, %mul3A_591 : i32
      %get3A_593 = arith.index_cast %mul3A_592 : i32 to index
      %get3A_594 = tpu.vector_load %arg8[%get3A_593] {strides = array<i32>} : memref<1200xi32, #tpu.memory_space<vmem>>, vector<16xi32>,
      %mul3A_595 = arith.constant 16 : i32
      %mul3A_596 = arith.muli %scan3A_589, %mul3A_595 : i32
      %add3A_597 = arith.addi %mul3A_0, %mul3A_596 : i32
      %add3A_598 = vector.broadcast %add3A_597 : i32 to vector<16xi32>
      %add3A_599 = arith.addi %iota3A, %add3A_598 : vector<16xi32>
      %gt3A = arith.cmpi sgt, %get3A_594, %scan3A_40#0 : vector<16xi32>
      %eq3A_600 = arith.cmpi eq, %get3A_594, %scan3A_40#0 : vector<16xi32>
      %le3A = arith.cmpi sle, %add3A_599, %scan3A_114#0 : vector<16xi32>
      %and3A_601 = arith.andi %eq3A_600, %le3A : vector<16xi1>
      %or3A = arith.ori %gt3A, %and3A_601 : vector<16xi1>
      %mul3A_602 = arith.constant 16 : i32
      %mul3A_603 = arith.muli %scan3A_589, %mul3A_602 : i32
      %add3A_604 = vector.broadcast %mul3A_603 : i32 to vector<16xi32>
      %add3A_605 = arith.addi %iota3A, %add3A_604 : vector<16xi32>
      %swap3A_606 = arith.index_cast %scan3A_590 : i32 to index
      %swap3A_607 = tpu.vector_load %arg9[%swap3A_606] masked %or3A {strides = array<i32>} : memref<1216xi32, #tpu.memory_space<vmem>>, vector<16xi32>, vector<16xi1>
      tpu.vector_store %arg9[%swap3A_606], %add3A_605 masked %or3A {strides = array<i32>} : memref<1216xi32, #tpu.memory_space<vmem>>, vector<16xi32>, vector<16xi1>
      %convert_element_type3A = arith.extui %or3A : vector<16xi1> to vector<16xi32>
      %reduce_sum3A = arith.constant true
      %reduce_sum3A_608 = vector.broadcast %reduce_sum3A : i1 to vector<16xi1>
      %reduce_sum3A_609 = tpu.scan <sum>, %convert_element_type3A masked %reduce_sum3A_608 : vector<16xi32>, vector<16xi1> -> vector<16xi32>
      %reduce_sum3A_610 = vector.extract %reduce_sum3A_609[15] : i32 from vector<16xi32>
      %add3A_611 = arith.addi %scan3A_590, %reduce_sum3A_610 : i32
      scf.yield %add3A_611 : i32
    }
    %scan3A_122 = arith.constant 75 : i32
    %min3A = arith.constant 256 : i32
    %min3A_123 = arith.minsi %scan3A_121, %min3A : i32
    %broadcast_in_dim3A_124 = arith.constant 0 : i32
    %broadcast_in_dim3A_125 = vector.broadcast %broadcast_in_dim3A_124 : i32 to vector<16xi32>
    %swap3A_126 = arith.index_cast %min3A_123 : i32 to index
    %swap3A_127 = tpu.vector_load %arg9[%swap3A_126] {strides = array<i32>} : memref<1216xi32, #tpu.memory_space<vmem>>, vector<16xi32>,
    tpu.vector_store %arg9[%swap3A_126], %broadcast_in_dim3A_125 {strides = array<i32>} : memref<1216xi32, #tpu.memory_space<vmem>>, vector<16xi32>,
    %get3A_128 = arith.constant 16 : index
    %get3A_129 = tpu.vector_load %arg14[%get3A_128] {strides = array<i32>} : memref<32xf32, #tpu.memory_space<vmem>>, vector<16xf32>,
    %get3A_130 = arith.constant 0 : index
    %get3A_131 = tpu.vector_load %arg14[%get3A_130] {strides = array<i32>} : memref<32xf32, #tpu.memory_space<vmem>>, vector<16xf32>,
    %broadcast_in_dim3A_132 = arith.constant 0.000000e+00 : f32
    %broadcast_in_dim3A_133 = vector.broadcast %broadcast_in_dim3A_132 : f32 to vector<16xf32>
    %add3A_134 = arith.constant 15 : i32
    %add3A_135 = arith.addi %min3A_123, %add3A_134 : i32
    %jit3A_136 = arith.constant 16 : i32
    %div3A = arith.divsi %add3A_135, %jit3A_136 : i32
    %sign3A = arith.constant 0 : i32
    %sign3A_137 = arith.cmpi sgt, %add3A_135, %sign3A : i32
    %sign3A_138 = arith.extui %sign3A_137 : i1 to i32
    %sign3A_139 = arith.constant 0 : i32
    %sign3A_140 = arith.cmpi slt, %add3A_135, %sign3A_139 : i32
    %sign3A_141 = arith.extui %sign3A_140 : i1 to i32
    %sign3A_142 = arith.subi %sign3A_138, %sign3A_141 : i32
    %sign3A_143 = arith.constant 0 : i32
    %sign3A_144 = arith.cmpi sgt, %jit3A_136, %sign3A_143 : i32
    %sign3A_145 = arith.extui %sign3A_144 : i1 to i32
    %sign3A_146 = arith.constant 0 : i32
    %sign3A_147 = arith.cmpi slt, %jit3A_136, %sign3A_146 : i32
    %sign3A_148 = arith.extui %sign3A_147 : i1 to i32
    %sign3A_149 = arith.subi %sign3A_145, %sign3A_148 : i32
    %ne3A_150 = arith.cmpi ne, %sign3A_142, %sign3A_149 : i32
    %rem3A_151 = arith.remsi %add3A_135, %jit3A_136 : i32
    %ne3A_152 = arith.constant 0 : i32
    %ne3A_153 = arith.cmpi ne, %rem3A_151, %ne3A_152 : i32
    %and3A_154 = arith.andi %ne3A_150, %ne3A_153 : i1
    %sub3A_155 = arith.constant 1 : i32
    %sub3A_156 = arith.subi %div3A, %sub3A_155 : i32
    %select_n3A_157 = arith.select %and3A_154, %sub3A_156, %div3A : i32
    %while3A = arith.constant 0 : i32
    %while3A_158 = arith.constant 0 : i32
    %while3A_159 = arith.subi %select_n3A_157, %while3A : i32
    %while3A_160 = arith.addi %while3A, %while3A_159 : i32
    %while3A_161 = arith.constant 1 : i32
    %while3A_162 = arith.divsi %while3A_159, %while3A_161 : i32
    %while3A_163 = arith.muli %while3A_162, %while3A_161 : i32
    %while3A_164 = arith.addi %while3A, %while3A_163 : i32
    %while3A_165 = arith.constant 1 : i32
    %while3A_166 = scf.for %while3A_589 = %while3A to %while3A_164 step %while3A_165 iter_args(%while3A_590 = %while3A_158) -> (i32)  : i32 {
      %mul3A_591 = arith.constant 16 : i32
      %mul3A_592 = arith.muli %while3A_589, %mul3A_591 : i32
      %get3A_593 = arith.index_cast %mul3A_592 : i32 to index
      %get3A_594 = tpu.vector_load %arg9[%get3A_593] {strides = array<i32>} : memref<1216xi32, #tpu.memory_space<vmem>>, vector<16xi32>,
      %jit3A_595 = arith.constant 12 : i32
      %eq3A_596 = arith.constant 0 : i32
      %eq3A_597 = arith.cmpi eq, %jit3A_595, %eq3A_596 : i32
      %jit3A_598 = arith.constant 1 : i32
      %select_n3A_599 = arith.select %eq3A_597, %jit3A_598, %jit3A_595 : i32
      %rem3A_600 = vector.broadcast %select_n3A_599 : i32 to vector<16xi32>
      %rem3A_601 = arith.remsi %get3A_594, %rem3A_600 : vector<16xi32>
      %ne3A_602 = arith.constant 0 : i32
      %ne3A_603 = vector.broadcast %ne3A_602 : i32 to vector<16xi32>
      %ne3A_604 = arith.cmpi ne, %rem3A_601, %ne3A_603 : vector<16xi32>
      %lt3A_605 = arith.constant 0 : i32
      %lt3A_606 = vector.broadcast %lt3A_605 : i32 to vector<16xi32>
      %lt3A_607 = arith.cmpi slt, %rem3A_601, %lt3A_606 : vector<16xi32>
      %lt3A_608 = arith.constant 0 : i32
      %lt3A_609 = arith.cmpi slt, %select_n3A_599, %lt3A_608 : i32
      %ne3A_610 = vector.broadcast %lt3A_609 : i1 to vector<16xi1>
      %ne3A_611 = vector.broadcast %ne3A_610 : vector<16xi1> to vector<16xi1>
      %ne3A_612 = arith.xori %lt3A_607, %ne3A_611 : vector<16xi1>
      %and3A_613 = arith.andi %ne3A_612, %ne3A_604 : vector<16xi1>
      %add3A_614 = vector.broadcast %select_n3A_599 : i32 to vector<16xi32>
      %add3A_615 = arith.addi %rem3A_601, %add3A_614 : vector<16xi32>
      %select_n3A_616 = arith.select %and3A_613, %add3A_615, %rem3A_601 : vector<16xi1>, vector<16xi32>
      %jit3A_617 = arith.constant 12 : i32
      %div3A_618 = vector.broadcast %jit3A_617 : i32 to vector<16xi32>
      %div3A_619 = arith.divsi %get3A_594, %div3A_618 : vector<16xi32>
      %sign3A_620 = arith.constant 0 : i32
      %sign3A_621 = vector.broadcast %sign3A_620 : i32 to vector<16xi32>
      %sign3A_622 = arith.cmpi sgt, %get3A_594, %sign3A_621 : vector<16xi32>
      %sign3A_623 = arith.extui %sign3A_622 : vector<16xi1> to vector<16xi32>
      %sign3A_624 = arith.constant 0 : i32
      %sign3A_625 = vector.broadcast %sign3A_624 : i32 to vector<16xi32>
      %sign3A_626 = arith.cmpi slt, %get3A_594, %sign3A_625 : vector<16xi32>
      %sign3A_627 = arith.extui %sign3A_626 : vector<16xi1> to vector<16xi32>
      %sign3A_628 = arith.subi %sign3A_623, %sign3A_627 : vector<16xi32>
      %sign3A_629 = arith.constant 0 : i32
      %sign3A_630 = arith.cmpi sgt, %jit3A_617, %sign3A_629 : i32
      %sign3A_631 = arith.extui %sign3A_630 : i1 to i32
      %sign3A_632 = arith.constant 0 : i32
      %sign3A_633 = arith.cmpi slt, %jit3A_617, %sign3A_632 : i32
      %sign3A_634 = arith.extui %sign3A_633 : i1 to i32
      %sign3A_635 = arith.subi %sign3A_631, %sign3A_634 : i32
      %ne3A_636 = vector.broadcast %sign3A_635 : i32 to vector<16xi32>
      %ne3A_637 = arith.cmpi ne, %sign3A_628, %ne3A_636 : vector<16xi32>
      %rem3A_638 = vector.broadcast %jit3A_617 : i32 to vector<16xi32>
      %rem3A_639 = arith.remsi %get3A_594, %rem3A_638 : vector<16xi32>
      %ne3A_640 = arith.constant 0 : i32
      %ne3A_641 = vector.broadcast %ne3A_640 : i32 to vector<16xi32>
      %ne3A_642 = arith.cmpi ne, %rem3A_639, %ne3A_641 : vector<16xi32>
      %and3A_643 = arith.andi %ne3A_637, %ne3A_642 : vector<16xi1>
      %sub3A_644 = arith.constant 1 : i32
      %sub3A_645 = vector.broadcast %sub3A_644 : i32 to vector<16xi32>
      %sub3A_646 = arith.subi %div3A_619, %sub3A_645 : vector<16xi32>
      %select_n3A_647 = arith.select %and3A_643, %sub3A_646, %div3A_619 : vector<16xi1>, vector<16xi32>
      %mul3A_648 = arith.constant 4 : i32
      %mul3A_649 = vector.broadcast %mul3A_648 : i32 to vector<16xi32>
      %mul3A_650 = arith.muli %mul3A_649, %select_n3A_616 : vector<16xi32>
      %add3A_651 = arith.constant 0 : i32
      %add3A_652 = vector.broadcast %add3A_651 : i32 to vector<16xi32>
      %add3A_653 = arith.addi %mul3A_650, %add3A_652 : vector<16xi32>
      %add3A_654 = vector.broadcast %mul3A_10 : i32 to vector<16xi32>
      %add3A_655 = arith.addi %add3A_654, %select_n3A_647 : vector<16xi32>
      %gather3A = tpu.vector_load_idx %arg11[%add3A_653, %add3A_655] : memref<48x104xf32, #tpu.memory_space<vmem>>[vector<16xi32>, vector<16xi32>], vector<16xf32>,
      %mul3A_656 = arith.constant 4 : i32
      %mul3A_657 = vector.broadcast %mul3A_656 : i32 to vector<16xi32>
      %mul3A_658 = arith.muli %mul3A_657, %select_n3A_616 : vector<16xi32>
      %add3A_659 = arith.constant 1 : i32
      %add3A_660 = vector.broadcast %add3A_659 : i32 to vector<16xi32>
      %add3A_661 = arith.addi %mul3A_658, %add3A_660 : vector<16xi32>
      %add3A_662 = vector.broadcast %mul3A_10 : i32 to vector<16xi32>
      %add3A_663 = arith.addi %add3A_662, %select_n3A_647 : vector<16xi32>
      %gather3A_664 = tpu.vector_load_idx %arg11[%add3A_661, %add3A_663] : memref<48x104xf32, #tpu.memory_space<vmem>>[vector<16xi32>, vector<16xi32>], vector<16xf32>,
      %mul3A_665 = arith.constant 4 : i32
      %mul3A_666 = vector.broadcast %mul3A_665 : i32 to vector<16xi32>
      %mul3A_667 = arith.muli %mul3A_666, %select_n3A_616 : vector<16xi32>
      %add3A_668 = arith.constant 2 : i32
      %add3A_669 = vector.broadcast %add3A_668 : i32 to vector<16xi32>
      %add3A_670 = arith.addi %mul3A_667, %add3A_669 : vector<16xi32>
      %add3A_671 = vector.broadcast %mul3A_10 : i32 to vector<16xi32>
      %add3A_672 = arith.addi %add3A_671, %select_n3A_647 : vector<16xi32>
      %gather3A_673 = tpu.vector_load_idx %arg11[%add3A_670, %add3A_672] : memref<48x104xf32, #tpu.memory_space<vmem>>[vector<16xi32>, vector<16xi32>], vector<16xf32>,
      %mul3A_674 = arith.constant 4 : i32
      %mul3A_675 = vector.broadcast %mul3A_674 : i32 to vector<16xi32>
      %mul3A_676 = arith.muli %mul3A_675, %select_n3A_616 : vector<16xi32>
      %add3A_677 = arith.constant 3 : i32
      %add3A_678 = vector.broadcast %add3A_677 : i32 to vector<16xi32>
      %add3A_679 = arith.addi %mul3A_676, %add3A_678 : vector<16xi32>
      %add3A_680 = vector.broadcast %mul3A_10 : i32 to vector<16xi32>
      %add3A_681 = arith.addi %add3A_680, %select_n3A_647 : vector<16xi32>
      %gather3A_682 = tpu.vector_load_idx %arg11[%add3A_679, %add3A_681] : memref<48x104xf32, #tpu.memory_space<vmem>>[vector<16xi32>, vector<16xi32>], vector<16xf32>,
      %mul3A_683 = arith.constant 4 : i32
      %mul3A_684 = vector.broadcast %mul3A_683 : i32 to vector<16xi32>
      %mul3A_685 = arith.muli %get3A_594, %mul3A_684 : vector<16xi32>
      %add3A_686 = arith.constant 0 : i32
      %add3A_687 = vector.broadcast %add3A_686 : i32 to vector<16xi32>
      %add3A_688 = arith.addi %mul3A_685, %add3A_687 : vector<16xi32>
      %gather3A_689 = tpu.vector_load_idx %arg12[%add3A_688] : memref<4800xf32, #tpu.memory_space<vmem>>[vector<16xi32>], vector<16xf32>,
      %mul3A_690 = arith.constant 4 : i32
      %mul3A_691 = vector.broadcast %mul3A_690 : i32 to vector<16xi32>
      %mul3A_692 = arith.muli %get3A_594, %mul3A_691 : vector<16xi32>
      %add3A_693 = arith.constant 1 : i32
      %add3A_694 = vector.broadcast %add3A_693 : i32 to vector<16xi32>
      %add3A_695 = arith.addi %mul3A_692, %add3A_694 : vector<16xi32>
      %gather3A_696 = tpu.vector_load_idx %arg12[%add3A_695] : memref<4800xf32, #tpu.memory_space<vmem>>[vector<16xi32>], vector<16xf32>,
      %mul3A_697 = arith.constant 4 : i32
      %mul3A_698 = vector.broadcast %mul3A_697 : i32 to vector<16xi32>
      %mul3A_699 = arith.muli %get3A_594, %mul3A_698 : vector<16xi32>
      %add3A_700 = arith.constant 2 : i32
      %add3A_701 = vector.broadcast %add3A_700 : i32 to vector<16xi32>
      %add3A_702 = arith.addi %mul3A_699, %add3A_701 : vector<16xi32>
      %gather3A_703 = tpu.vector_load_idx %arg12[%add3A_702] : memref<4800xf32, #tpu.memory_space<vmem>>[vector<16xi32>], vector<16xf32>,
      %mul3A_704 = arith.constant 4 : i32
      %mul3A_705 = vector.broadcast %mul3A_704 : i32 to vector<16xi32>
      %mul3A_706 = arith.muli %get3A_594, %mul3A_705 : vector<16xi32>
      %add3A_707 = arith.constant 3 : i32
      %add3A_708 = vector.broadcast %add3A_707 : i32 to vector<16xi32>
      %add3A_709 = arith.addi %mul3A_706, %add3A_708 : vector<16xi32>
      %gather3A_710 = tpu.vector_load_idx %arg12[%add3A_709] : memref<4800xf32, #tpu.memory_space<vmem>>[vector<16xi32>], vector<16xf32>,
      %gather3A_711 = tpu.vector_load_idx %arg7[%get3A_594] : memref<1200xf32, #tpu.memory_space<vmem>>[vector<16xi32>], vector<16xf32>,
      %sub3A_712 = arith.subf %gather3A_703, %gather3A_689 : vector<16xf32>
      %add3A_713 = arith.constant 1.000000e+00 : f32
      %add3A_714 = vector.broadcast %add3A_713 : f32 to vector<16xf32>
      %add3A_715 = arith.addf %sub3A_712, %add3A_714 : vector<16xf32>
      %sub3A_716 = arith.subf %gather3A_710, %gather3A_696 : vector<16xf32>
      %add3A_717 = arith.constant 1.000000e+00 : f32
      %add3A_718 = vector.broadcast %add3A_717 : f32 to vector<16xf32>
      %add3A_719 = arith.addf %sub3A_716, %add3A_718 : vector<16xf32>
      %mul3A_720 = arith.mulf %gather3A, %add3A_715 : vector<16xf32>
      %mul3A_721 = arith.constant 5.000000e-01 : f32
      %mul3A_722 = vector.broadcast %mul3A_721 : f32 to vector<16xf32>
      %mul3A_723 = arith.mulf %mul3A_722, %add3A_715 : vector<16xf32>
      %add3A_724 = arith.addf %gather3A_689, %mul3A_723 : vector<16xf32>
      %add3A_725 = arith.addf %mul3A_720, %add3A_724 : vector<16xf32>
      %mul3A_726 = arith.mulf %gather3A_664, %add3A_719 : vector<16xf32>
      %mul3A_727 = arith.constant 5.000000e-01 : f32
      %mul3A_728 = vector.broadcast %mul3A_727 : f32 to vector<16xf32>
      %mul3A_729 = arith.mulf %mul3A_728, %add3A_719 : vector<16xf32>
      %add3A_730 = arith.addf %gather3A_696, %mul3A_729 : vector<16xf32>
      %add3A_731 = arith.addf %mul3A_726, %add3A_730 : vector<16xf32>
      %exp3A = math.exp %gather3A_673 : vector<16xf32>
      %mul3A_732 = arith.mulf %exp3A, %add3A_715 : vector<16xf32>
      %exp3A_733 = math.exp %gather3A_682 : vector<16xf32>
      %mul3A_734 = arith.mulf %exp3A_733, %add3A_719 : vector<16xf32>
      %mul3A_735 = arith.constant 5.000000e-01 : f32
      %mul3A_736 = vector.broadcast %mul3A_735 : f32 to vector<16xf32>
      %mul3A_737 = arith.mulf %mul3A_736, %mul3A_732 : vector<16xf32>
      %sub3A_738 = arith.subf %add3A_725, %mul3A_737 : vector<16xf32>
      %max3A = arith.maximumf %sub3A_738, %broadcast_in_dim3A_133 : vector<16xf32>
      %min3A_739 = arith.minimumf %max3A, %get3A_129 : vector<16xf32>
      %mul3A_740 = arith.constant 5.000000e-01 : f32
      %mul3A_741 = vector.broadcast %mul3A_740 : f32 to vector<16xf32>
      %mul3A_742 = arith.mulf %mul3A_741, %mul3A_734 : vector<16xf32>
      %sub3A_743 = arith.subf %add3A_731, %mul3A_742 : vector<16xf32>
      %max3A_744 = arith.maximumf %sub3A_743, %broadcast_in_dim3A_133 : vector<16xf32>
      %min3A_745 = arith.minimumf %max3A_744, %get3A_131 : vector<16xf32>
      %mul3A_746 = arith.constant 5.000000e-01 : f32
      %mul3A_747 = vector.broadcast %mul3A_746 : f32 to vector<16xf32>
      %mul3A_748 = arith.mulf %mul3A_747, %mul3A_732 : vector<16xf32>
      %add3A_749 = arith.addf %add3A_725, %mul3A_748 : vector<16xf32>
      %max3A_750 = arith.maximumf %add3A_749, %broadcast_in_dim3A_133 : vector<16xf32>
      %min3A_751 = arith.minimumf %max3A_750, %get3A_129 : vector<16xf32>
      %mul3A_752 = arith.constant 5.000000e-01 : f32
      %mul3A_753 = vector.broadcast %mul3A_752 : f32 to vector<16xf32>
      %mul3A_754 = arith.mulf %mul3A_753, %mul3A_734 : vector<16xf32>
      %add3A_755 = arith.addf %add3A_731, %mul3A_754 : vector<16xf32>
      %max3A_756 = arith.maximumf %add3A_755, %broadcast_in_dim3A_133 : vector<16xf32>
      %min3A_757 = arith.minimumf %max3A_756, %get3A_131 : vector<16xf32>
      %mul3A_758 = arith.constant 16 : i32
      %mul3A_759 = arith.muli %while3A_589, %mul3A_758 : i32
      %swap3A_760 = arith.constant 0 : i32
      %swap3A_761 = arith.index_cast %swap3A_760 : i32 to index
      %swap3A_762 = arith.index_cast %mul3A_759 : i32 to index
      %swap3A_763 = tpu.vector_load %arg13[%swap3A_761, %swap3A_762] {strides = array<i32>} : memref<6x256xf32, #tpu.memory_space<vmem>>, vector<16xf32>,
      tpu.vector_store %arg13[%swap3A_761, %swap3A_762], %min3A_739 {strides = array<i32>} : memref<6x256xf32, #tpu.memory_space<vmem>>, vector<16xf32>,
      %swap3A_764 = arith.constant 1 : i32
      %swap3A_765 = arith.index_cast %swap3A_764 : i32 to index
      %swap3A_766 = arith.index_cast %mul3A_759 : i32 to index
      %swap3A_767 = tpu.vector_load %arg13[%swap3A_765, %swap3A_766] {strides = array<i32>} : memref<6x256xf32, #tpu.memory_space<vmem>>, vector<16xf32>,
      tpu.vector_store %arg13[%swap3A_765, %swap3A_766], %min3A_745 {strides = array<i32>} : memref<6x256xf32, #tpu.memory_space<vmem>>, vector<16xf32>,
      %swap3A_768 = arith.constant 2 : i32
      %swap3A_769 = arith.index_cast %swap3A_768 : i32 to index
      %swap3A_770 = arith.index_cast %mul3A_759 : i32 to index
      %swap3A_771 = tpu.vector_load %arg13[%swap3A_769, %swap3A_770] {strides = array<i32>} : memref<6x256xf32, #tpu.memory_space<vmem>>, vector<16xf32>,
      tpu.vector_store %arg13[%swap3A_769, %swap3A_770], %min3A_751 {strides = array<i32>} : memref<6x256xf32, #tpu.memory_space<vmem>>, vector<16xf32>,
      %swap3A_772 = arith.constant 3 : i32
      %swap3A_773 = arith.index_cast %swap3A_772 : i32 to index
      %swap3A_774 = arith.index_cast %mul3A_759 : i32 to index
      %swap3A_775 = tpu.vector_load %arg13[%swap3A_773, %swap3A_774] {strides = array<i32>} : memref<6x256xf32, #tpu.memory_space<vmem>>, vector<16xf32>,
      tpu.vector_store %arg13[%swap3A_773, %swap3A_774], %min3A_757 {strides = array<i32>} : memref<6x256xf32, #tpu.memory_space<vmem>>, vector<16xf32>,
      %swap3A_776 = arith.constant 4 : i32
      %swap3A_777 = arith.index_cast %swap3A_776 : i32 to index
      %swap3A_778 = arith.index_cast %mul3A_759 : i32 to index
      %swap3A_779 = tpu.vector_load %arg13[%swap3A_777, %swap3A_778] {strides = array<i32>} : memref<6x256xf32, #tpu.memory_space<vmem>>, vector<16xf32>,
      tpu.vector_store %arg13[%swap3A_777, %swap3A_778], %gather3A_711 {strides = array<i32>} : memref<6x256xf32, #tpu.memory_space<vmem>>, vector<16xf32>,
      %add3A_780 = vector.broadcast %mul3A_0 : i32 to vector<16xi32>
      %add3A_781 = arith.addi %get3A_594, %add3A_780 : vector<16xi32>
      %convert_element_type3A = arith.sitofp %add3A_781 : vector<16xi32> to vector<16xf32>
      %swap3A_782 = arith.constant 5 : i32
      %swap3A_783 = arith.index_cast %swap3A_782 : i32 to index
      %swap3A_784 = arith.index_cast %mul3A_759 : i32 to index
      %swap3A_785 = tpu.vector_load %arg13[%swap3A_783, %swap3A_784] {strides = array<i32>} : memref<6x256xf32, #tpu.memory_space<vmem>>, vector<16xf32>,
      tpu.vector_store %arg13[%swap3A_783, %swap3A_784], %convert_element_type3A {strides = array<i32>} : memref<6x256xf32, #tpu.memory_space<vmem>>, vector<16xf32>,
      %while3A_786 = arith.constant 0 : i32
      scf.yield %while3A_786 : i32
    }
    %while3A_167 = arith.constant 1 : i32
    %while3A_168 = scf.for %while3A_589 = %while3A_164 to %while3A_160 step %while3A_167 iter_args(%while3A_590 = %while3A_166) -> (i32)  : i32 {
      %mul3A_591 = arith.constant 16 : i32
      %mul3A_592 = arith.muli %while3A_589, %mul3A_591 : i32
      %get3A_593 = arith.index_cast %mul3A_592 : i32 to index
      %get3A_594 = tpu.vector_load %arg9[%get3A_593] {strides = array<i32>} : memref<1216xi32, #tpu.memory_space<vmem>>, vector<16xi32>,
      %jit3A_595 = arith.constant 12 : i32
      %eq3A_596 = arith.constant 0 : i32
      %eq3A_597 = arith.cmpi eq, %jit3A_595, %eq3A_596 : i32
      %jit3A_598 = arith.constant 1 : i32
      %select_n3A_599 = arith.select %eq3A_597, %jit3A_598, %jit3A_595 : i32
      %rem3A_600 = vector.broadcast %select_n3A_599 : i32 to vector<16xi32>
      %rem3A_601 = arith.remsi %get3A_594, %rem3A_600 : vector<16xi32>
      %ne3A_602 = arith.constant 0 : i32
      %ne3A_603 = vector.broadcast %ne3A_602 : i32 to vector<16xi32>
      %ne3A_604 = arith.cmpi ne, %rem3A_601, %ne3A_603 : vector<16xi32>
      %lt3A_605 = arith.constant 0 : i32
      %lt3A_606 = vector.broadcast %lt3A_605 : i32 to vector<16xi32>
      %lt3A_607 = arith.cmpi slt, %rem3A_601, %lt3A_606 : vector<16xi32>
      %lt3A_608 = arith.constant 0 : i32
      %lt3A_609 = arith.cmpi slt, %select_n3A_599, %lt3A_608 : i32
      %ne3A_610 = vector.broadcast %lt3A_609 : i1 to vector<16xi1>
      %ne3A_611 = vector.broadcast %ne3A_610 : vector<16xi1> to vector<16xi1>
      %ne3A_612 = arith.xori %lt3A_607, %ne3A_611 : vector<16xi1>
      %and3A_613 = arith.andi %ne3A_612, %ne3A_604 : vector<16xi1>
      %add3A_614 = vector.broadcast %select_n3A_599 : i32 to vector<16xi32>
      %add3A_615 = arith.addi %rem3A_601, %add3A_614 : vector<16xi32>
      %select_n3A_616 = arith.select %and3A_613, %add3A_615, %rem3A_601 : vector<16xi1>, vector<16xi32>
      %jit3A_617 = arith.constant 12 : i32
      %div3A_618 = vector.broadcast %jit3A_617 : i32 to vector<16xi32>
      %div3A_619 = arith.divsi %get3A_594, %div3A_618 : vector<16xi32>
      %sign3A_620 = arith.constant 0 : i32
      %sign3A_621 = vector.broadcast %sign3A_620 : i32 to vector<16xi32>
      %sign3A_622 = arith.cmpi sgt, %get3A_594, %sign3A_621 : vector<16xi32>
      %sign3A_623 = arith.extui %sign3A_622 : vector<16xi1> to vector<16xi32>
      %sign3A_624 = arith.constant 0 : i32
      %sign3A_625 = vector.broadcast %sign3A_624 : i32 to vector<16xi32>
      %sign3A_626 = arith.cmpi slt, %get3A_594, %sign3A_625 : vector<16xi32>
      %sign3A_627 = arith.extui %sign3A_626 : vector<16xi1> to vector<16xi32>
      %sign3A_628 = arith.subi %sign3A_623, %sign3A_627 : vector<16xi32>
      %sign3A_629 = arith.constant 0 : i32
      %sign3A_630 = arith.cmpi sgt, %jit3A_617, %sign3A_629 : i32
      %sign3A_631 = arith.extui %sign3A_630 : i1 to i32
      %sign3A_632 = arith.constant 0 : i32
      %sign3A_633 = arith.cmpi slt, %jit3A_617, %sign3A_632 : i32
      %sign3A_634 = arith.extui %sign3A_633 : i1 to i32
      %sign3A_635 = arith.subi %sign3A_631, %sign3A_634 : i32
      %ne3A_636 = vector.broadcast %sign3A_635 : i32 to vector<16xi32>
      %ne3A_637 = arith.cmpi ne, %sign3A_628, %ne3A_636 : vector<16xi32>
      %rem3A_638 = vector.broadcast %jit3A_617 : i32 to vector<16xi32>
      %rem3A_639 = arith.remsi %get3A_594, %rem3A_638 : vector<16xi32>
      %ne3A_640 = arith.constant 0 : i32
      %ne3A_641 = vector.broadcast %ne3A_640 : i32 to vector<16xi32>
      %ne3A_642 = arith.cmpi ne, %rem3A_639, %ne3A_641 : vector<16xi32>
      %and3A_643 = arith.andi %ne3A_637, %ne3A_642 : vector<16xi1>
      %sub3A_644 = arith.constant 1 : i32
      %sub3A_645 = vector.broadcast %sub3A_644 : i32 to vector<16xi32>
      %sub3A_646 = arith.subi %div3A_619, %sub3A_645 : vector<16xi32>
      %select_n3A_647 = arith.select %and3A_643, %sub3A_646, %div3A_619 : vector<16xi1>, vector<16xi32>
      %mul3A_648 = arith.constant 4 : i32
      %mul3A_649 = vector.broadcast %mul3A_648 : i32 to vector<16xi32>
      %mul3A_650 = arith.muli %mul3A_649, %select_n3A_616 : vector<16xi32>
      %add3A_651 = arith.constant 0 : i32
      %add3A_652 = vector.broadcast %add3A_651 : i32 to vector<16xi32>
      %add3A_653 = arith.addi %mul3A_650, %add3A_652 : vector<16xi32>
      %add3A_654 = vector.broadcast %mul3A_10 : i32 to vector<16xi32>
      %add3A_655 = arith.addi %add3A_654, %select_n3A_647 : vector<16xi32>
      %gather3A = tpu.vector_load_idx %arg11[%add3A_653, %add3A_655] : memref<48x104xf32, #tpu.memory_space<vmem>>[vector<16xi32>, vector<16xi32>], vector<16xf32>,
      %mul3A_656 = arith.constant 4 : i32
      %mul3A_657 = vector.broadcast %mul3A_656 : i32 to vector<16xi32>
      %mul3A_658 = arith.muli %mul3A_657, %select_n3A_616 : vector<16xi32>
      %add3A_659 = arith.constant 1 : i32
      %add3A_660 = vector.broadcast %add3A_659 : i32 to vector<16xi32>
      %add3A_661 = arith.addi %mul3A_658, %add3A_660 : vector<16xi32>
      %add3A_662 = vector.broadcast %mul3A_10 : i32 to vector<16xi32>
      %add3A_663 = arith.addi %add3A_662, %select_n3A_647 : vector<16xi32>
      %gather3A_664 = tpu.vector_load_idx %arg11[%add3A_661, %add3A_663] : memref<48x104xf32, #tpu.memory_space<vmem>>[vector<16xi32>, vector<16xi32>], vector<16xf32>,
      %mul3A_665 = arith.constant 4 : i32
      %mul3A_666 = vector.broadcast %mul3A_665 : i32 to vector<16xi32>
      %mul3A_667 = arith.muli %mul3A_666, %select_n3A_616 : vector<16xi32>
      %add3A_668 = arith.constant 2 : i32
      %add3A_669 = vector.broadcast %add3A_668 : i32 to vector<16xi32>
      %add3A_670 = arith.addi %mul3A_667, %add3A_669 : vector<16xi32>
      %add3A_671 = vector.broadcast %mul3A_10 : i32 to vector<16xi32>
      %add3A_672 = arith.addi %add3A_671, %select_n3A_647 : vector<16xi32>
      %gather3A_673 = tpu.vector_load_idx %arg11[%add3A_670, %add3A_672] : memref<48x104xf32, #tpu.memory_space<vmem>>[vector<16xi32>, vector<16xi32>], vector<16xf32>,
      %mul3A_674 = arith.constant 4 : i32
      %mul3A_675 = vector.broadcast %mul3A_674 : i32 to vector<16xi32>
      %mul3A_676 = arith.muli %mul3A_675, %select_n3A_616 : vector<16xi32>
      %add3A_677 = arith.constant 3 : i32
      %add3A_678 = vector.broadcast %add3A_677 : i32 to vector<16xi32>
      %add3A_679 = arith.addi %mul3A_676, %add3A_678 : vector<16xi32>
      %add3A_680 = vector.broadcast %mul3A_10 : i32 to vector<16xi32>
      %add3A_681 = arith.addi %add3A_680, %select_n3A_647 : vector<16xi32>
      %gather3A_682 = tpu.vector_load_idx %arg11[%add3A_679, %add3A_681] : memref<48x104xf32, #tpu.memory_space<vmem>>[vector<16xi32>, vector<16xi32>], vector<16xf32>,
      %mul3A_683 = arith.constant 4 : i32
      %mul3A_684 = vector.broadcast %mul3A_683 : i32 to vector<16xi32>
      %mul3A_685 = arith.muli %get3A_594, %mul3A_684 : vector<16xi32>
      %add3A_686 = arith.constant 0 : i32
      %add3A_687 = vector.broadcast %add3A_686 : i32 to vector<16xi32>
      %add3A_688 = arith.addi %mul3A_685, %add3A_687 : vector<16xi32>
      %gather3A_689 = tpu.vector_load_idx %arg12[%add3A_688] : memref<4800xf32, #tpu.memory_space<vmem>>[vector<16xi32>], vector<16xf32>,
      %mul3A_690 = arith.constant 4 : i32
      %mul3A_691 = vector.broadcast %mul3A_690 : i32 to vector<16xi32>
      %mul3A_692 = arith.muli %get3A_594, %mul3A_691 : vector<16xi32>
      %add3A_693 = arith.constant 1 : i32
      %add3A_694 = vector.broadcast %add3A_693 : i32 to vector<16xi32>
      %add3A_695 = arith.addi %mul3A_692, %add3A_694 : vector<16xi32>
      %gather3A_696 = tpu.vector_load_idx %arg12[%add3A_695] : memref<4800xf32, #tpu.memory_space<vmem>>[vector<16xi32>], vector<16xf32>,
      %mul3A_697 = arith.constant 4 : i32
      %mul3A_698 = vector.broadcast %mul3A_697 : i32 to vector<16xi32>
      %mul3A_699 = arith.muli %get3A_594, %mul3A_698 : vector<16xi32>
      %add3A_700 = arith.constant 2 : i32
      %add3A_701 = vector.broadcast %add3A_700 : i32 to vector<16xi32>
      %add3A_702 = arith.addi %mul3A_699, %add3A_701 : vector<16xi32>
      %gather3A_703 = tpu.vector_load_idx %arg12[%add3A_702] : memref<4800xf32, #tpu.memory_space<vmem>>[vector<16xi32>], vector<16xf32>,
      %mul3A_704 = arith.constant 4 : i32
      %mul3A_705 = vector.broadcast %mul3A_704 : i32 to vector<16xi32>
      %mul3A_706 = arith.muli %get3A_594, %mul3A_705 : vector<16xi32>
      %add3A_707 = arith.constant 3 : i32
      %add3A_708 = vector.broadcast %add3A_707 : i32 to vector<16xi32>
      %add3A_709 = arith.addi %mul3A_706, %add3A_708 : vector<16xi32>
      %gather3A_710 = tpu.vector_load_idx %arg12[%add3A_709] : memref<4800xf32, #tpu.memory_space<vmem>>[vector<16xi32>], vector<16xf32>,
      %gather3A_711 = tpu.vector_load_idx %arg7[%get3A_594] : memref<1200xf32, #tpu.memory_space<vmem>>[vector<16xi32>], vector<16xf32>,
      %sub3A_712 = arith.subf %gather3A_703, %gather3A_689 : vector<16xf32>
      %add3A_713 = arith.constant 1.000000e+00 : f32
      %add3A_714 = vector.broadcast %add3A_713 : f32 to vector<16xf32>
      %add3A_715 = arith.addf %sub3A_712, %add3A_714 : vector<16xf32>
      %sub3A_716 = arith.subf %gather3A_710, %gather3A_696 : vector<16xf32>
      %add3A_717 = arith.constant 1.000000e+00 : f32
      %add3A_718 = vector.broadcast %add3A_717 : f32 to vector<16xf32>
      %add3A_719 = arith.addf %sub3A_716, %add3A_718 : vector<16xf32>
      %mul3A_720 = arith.mulf %gather3A, %add3A_715 : vector<16xf32>
      %mul3A_721 = arith.constant 5.000000e-01 : f32
      %mul3A_722 = vector.broadcast %mul3A_721 : f32 to vector<16xf32>
      %mul3A_723 = arith.mulf %mul3A_722, %add3A_715 : vector<16xf32>
      %add3A_724 = arith.addf %gather3A_689, %mul3A_723 : vector<16xf32>
      %add3A_725 = arith.addf %mul3A_720, %add3A_724 : vector<16xf32>
      %mul3A_726 = arith.mulf %gather3A_664, %add3A_719 : vector<16xf32>
      %mul3A_727 = arith.constant 5.000000e-01 : f32
      %mul3A_728 = vector.broadcast %mul3A_727 : f32 to vector<16xf32>
      %mul3A_729 = arith.mulf %mul3A_728, %add3A_719 : vector<16xf32>
      %add3A_730 = arith.addf %gather3A_696, %mul3A_729 : vector<16xf32>
      %add3A_731 = arith.addf %mul3A_726, %add3A_730 : vector<16xf32>
      %exp3A = math.exp %gather3A_673 : vector<16xf32>
      %mul3A_732 = arith.mulf %exp3A, %add3A_715 : vector<16xf32>
      %exp3A_733 = math.exp %gather3A_682 : vector<16xf32>
      %mul3A_734 = arith.mulf %exp3A_733, %add3A_719 : vector<16xf32>
      %mul3A_735 = arith.constant 5.000000e-01 : f32
      %mul3A_736 = vector.broadcast %mul3A_735 : f32 to vector<16xf32>
      %mul3A_737 = arith.mulf %mul3A_736, %mul3A_732 : vector<16xf32>
      %sub3A_738 = arith.subf %add3A_725, %mul3A_737 : vector<16xf32>
      %max3A = arith.maximumf %sub3A_738, %broadcast_in_dim3A_133 : vector<16xf32>
      %min3A_739 = arith.minimumf %max3A, %get3A_129 : vector<16xf32>
      %mul3A_740 = arith.constant 5.000000e-01 : f32
      %mul3A_741 = vector.broadcast %mul3A_740 : f32 to vector<16xf32>
      %mul3A_742 = arith.mulf %mul3A_741, %mul3A_734 : vector<16xf32>
      %sub3A_743 = arith.subf %add3A_731, %mul3A_742 : vector<16xf32>
      %max3A_744 = arith.maximumf %sub3A_743, %broadcast_in_dim3A_133 : vector<16xf32>
      %min3A_745 = arith.minimumf %max3A_744, %get3A_131 : vector<16xf32>
      %mul3A_746 = arith.constant 5.000000e-01 : f32
      %mul3A_747 = vector.broadcast %mul3A_746 : f32 to vector<16xf32>
      %mul3A_748 = arith.mulf %mul3A_747, %mul3A_732 : vector<16xf32>
      %add3A_749 = arith.addf %add3A_725, %mul3A_748 : vector<16xf32>
      %max3A_750 = arith.maximumf %add3A_749, %broadcast_in_dim3A_133 : vector<16xf32>
      %min3A_751 = arith.minimumf %max3A_750, %get3A_129 : vector<16xf32>
      %mul3A_752 = arith.constant 5.000000e-01 : f32
      %mul3A_753 = vector.broadcast %mul3A_752 : f32 to vector<16xf32>
      %mul3A_754 = arith.mulf %mul3A_753, %mul3A_734 : vector<16xf32>
      %add3A_755 = arith.addf %add3A_731, %mul3A_754 : vector<16xf32>
      %max3A_756 = arith.maximumf %add3A_755, %broadcast_in_dim3A_133 : vector<16xf32>
      %min3A_757 = arith.minimumf %max3A_756, %get3A_131 : vector<16xf32>
      %mul3A_758 = arith.constant 16 : i32
      %mul3A_759 = arith.muli %while3A_589, %mul3A_758 : i32
      %swap3A_760 = arith.constant 0 : i32
      %swap3A_761 = arith.index_cast %swap3A_760 : i32 to index
      %swap3A_762 = arith.index_cast %mul3A_759 : i32 to index
      %swap3A_763 = tpu.vector_load %arg13[%swap3A_761, %swap3A_762] {strides = array<i32>} : memref<6x256xf32, #tpu.memory_space<vmem>>, vector<16xf32>,
      tpu.vector_store %arg13[%swap3A_761, %swap3A_762], %min3A_739 {strides = array<i32>} : memref<6x256xf32, #tpu.memory_space<vmem>>, vector<16xf32>,
      %swap3A_764 = arith.constant 1 : i32
      %swap3A_765 = arith.index_cast %swap3A_764 : i32 to index
      %swap3A_766 = arith.index_cast %mul3A_759 : i32 to index
      %swap3A_767 = tpu.vector_load %arg13[%swap3A_765, %swap3A_766] {strides = array<i32>} : memref<6x256xf32, #tpu.memory_space<vmem>>, vector<16xf32>,
      tpu.vector_store %arg13[%swap3A_765, %swap3A_766], %min3A_745 {strides = array<i32>} : memref<6x256xf32, #tpu.memory_space<vmem>>, vector<16xf32>,
      %swap3A_768 = arith.constant 2 : i32
      %swap3A_769 = arith.index_cast %swap3A_768 : i32 to index
      %swap3A_770 = arith.index_cast %mul3A_759 : i32 to index
      %swap3A_771 = tpu.vector_load %arg13[%swap3A_769, %swap3A_770] {strides = array<i32>} : memref<6x256xf32, #tpu.memory_space<vmem>>, vector<16xf32>,
      tpu.vector_store %arg13[%swap3A_769, %swap3A_770], %min3A_751 {strides = array<i32>} : memref<6x256xf32, #tpu.memory_space<vmem>>, vector<16xf32>,
      %swap3A_772 = arith.constant 3 : i32
      %swap3A_773 = arith.index_cast %swap3A_772 : i32 to index
      %swap3A_774 = arith.index_cast %mul3A_759 : i32 to index
      %swap3A_775 = tpu.vector_load %arg13[%swap3A_773, %swap3A_774] {strides = array<i32>} : memref<6x256xf32, #tpu.memory_space<vmem>>, vector<16xf32>,
      tpu.vector_store %arg13[%swap3A_773, %swap3A_774], %min3A_757 {strides = array<i32>} : memref<6x256xf32, #tpu.memory_space<vmem>>, vector<16xf32>,
      %swap3A_776 = arith.constant 4 : i32
      %swap3A_777 = arith.index_cast %swap3A_776 : i32 to index
      %swap3A_778 = arith.index_cast %mul3A_759 : i32 to index
      %swap3A_779 = tpu.vector_load %arg13[%swap3A_777, %swap3A_778] {strides = array<i32>} : memref<6x256xf32, #tpu.memory_space<vmem>>, vector<16xf32>,
      tpu.vector_store %arg13[%swap3A_777, %swap3A_778], %gather3A_711 {strides = array<i32>} : memref<6x256xf32, #tpu.memory_space<vmem>>, vector<16xf32>,
      %add3A_780 = vector.broadcast %mul3A_0 : i32 to vector<16xi32>
      %add3A_781 = arith.addi %get3A_594, %add3A_780 : vector<16xi32>
      %convert_element_type3A = arith.sitofp %add3A_781 : vector<16xi32> to vector<16xf32>
      %swap3A_782 = arith.constant 5 : i32
      %swap3A_783 = arith.index_cast %swap3A_782 : i32 to index
      %swap3A_784 = arith.index_cast %mul3A_759 : i32 to index
      %swap3A_785 = tpu.vector_load %arg13[%swap3A_783, %swap3A_784] {strides = array<i32>} : memref<6x256xf32, #tpu.memory_space<vmem>>, vector<16xf32>,
      tpu.vector_store %arg13[%swap3A_783, %swap3A_784], %convert_element_type3A {strides = array<i32>} : memref<6x256xf32, #tpu.memory_space<vmem>>, vector<16xf32>,
      %while3A_786 = arith.constant 0 : i32
      scf.yield %while3A_786 : i32
    }
    %add3A_169 = arith.constant 0 : i32
    %add3A_170 = vector.broadcast %add3A_169 : i32 to vector<16xi32>
    %add3A_171 = arith.addi %iota3A, %add3A_170 : vector<16xi32>
    %broadcast_in_dim3A_172 = arith.constant 1 : i32
    %broadcast_in_dim3A_173 = vector.broadcast %broadcast_in_dim3A_172 : i32 to vector<16xi32>
    %mul3A_174 = vector.broadcast %min3A_123 : i32 to vector<16xi32>
    %mul3A_175 = arith.muli %broadcast_in_dim3A_173, %mul3A_174 : vector<16xi32>
    %ge3A = arith.cmpi sge, %add3A_171, %mul3A_175 : vector<16xi32>
    %get3A_176 = arith.constant 4 : i32
    %get3A_177 = arith.index_cast %get3A_176 : i32 to index
    %get3A_178 = arith.constant 0 : index
    %get3A_179 = tpu.vector_load %arg13[%get3A_177, %get3A_178] {strides = array<i32>} : memref<6x256xf32, #tpu.memory_space<vmem>>, vector<16xf32>,
    %jit3A_180 = arith.constant -3.000000e+38 : f32
    %broadcast_in_dim3A_181 = vector.broadcast %jit3A_180 : f32 to vector<16xf32>
    %select_n3A_182 = arith.select %ge3A, %broadcast_in_dim3A_181, %get3A_179 : vector<16xi1>, vector<16xf32>
    %swap3A_183 = arith.constant 4 : i32
    %swap3A_184 = arith.index_cast %swap3A_183 : i32 to index
    %swap3A_185 = arith.constant 0 : index
    %swap3A_186 = tpu.vector_load %arg13[%swap3A_184, %swap3A_185] {strides = array<i32>} : memref<6x256xf32, #tpu.memory_space<vmem>>, vector<16xf32>,
    tpu.vector_store %arg13[%swap3A_184, %swap3A_185], %select_n3A_182 {strides = array<i32>} : memref<6x256xf32, #tpu.memory_space<vmem>>, vector<16xf32>,
    %add3A_187 = arith.constant 16 : i32
    %add3A_188 = vector.broadcast %add3A_187 : i32 to vector<16xi32>
    %add3A_189 = arith.addi %iota3A, %add3A_188 : vector<16xi32>
    %broadcast_in_dim3A_190 = arith.constant 1 : i32
    %broadcast_in_dim3A_191 = vector.broadcast %broadcast_in_dim3A_190 : i32 to vector<16xi32>
    %mul3A_192 = vector.broadcast %min3A_123 : i32 to vector<16xi32>
    %mul3A_193 = arith.muli %broadcast_in_dim3A_191, %mul3A_192 : vector<16xi32>
    %ge3A_194 = arith.cmpi sge, %add3A_189, %mul3A_193 : vector<16xi32>
    %get3A_195 = arith.constant 4 : i32
    %get3A_196 = arith.index_cast %get3A_195 : i32 to index
    %get3A_197 = arith.constant 16 : index
    %get3A_198 = tpu.vector_load %arg13[%get3A_196, %get3A_197] {strides = array<i32>} : memref<6x256xf32, #tpu.memory_space<vmem>>, vector<16xf32>,
    %jit3A_199 = arith.constant -3.000000e+38 : f32
    %broadcast_in_dim3A_200 = vector.broadcast %jit3A_199 : f32 to vector<16xf32>
    %select_n3A_201 = arith.select %ge3A_194, %broadcast_in_dim3A_200, %get3A_198 : vector<16xi1>, vector<16xf32>
    %swap3A_202 = arith.constant 4 : i32
    %swap3A_203 = arith.index_cast %swap3A_202 : i32 to index
    %swap3A_204 = arith.constant 16 : index
    %swap3A_205 = tpu.vector_load %arg13[%swap3A_203, %swap3A_204] {strides = array<i32>} : memref<6x256xf32, #tpu.memory_space<vmem>>, vector<16xf32>,
    tpu.vector_store %arg13[%swap3A_203, %swap3A_204], %select_n3A_201 {strides = array<i32>} : memref<6x256xf32, #tpu.memory_space<vmem>>, vector<16xf32>,
    %add3A_206 = arith.constant 32 : i32
    %add3A_207 = vector.broadcast %add3A_206 : i32 to vector<16xi32>
    %add3A_208 = arith.addi %iota3A, %add3A_207 : vector<16xi32>
    %broadcast_in_dim3A_209 = arith.constant 1 : i32
    %broadcast_in_dim3A_210 = vector.broadcast %broadcast_in_dim3A_209 : i32 to vector<16xi32>
    %mul3A_211 = vector.broadcast %min3A_123 : i32 to vector<16xi32>
    %mul3A_212 = arith.muli %broadcast_in_dim3A_210, %mul3A_211 : vector<16xi32>
    %ge3A_213 = arith.cmpi sge, %add3A_208, %mul3A_212 : vector<16xi32>
    %get3A_214 = arith.constant 4 : i32
    %get3A_215 = arith.index_cast %get3A_214 : i32 to index
    %get3A_216 = arith.constant 32 : index
    %get3A_217 = tpu.vector_load %arg13[%get3A_215, %get3A_216] {strides = array<i32>} : memref<6x256xf32, #tpu.memory_space<vmem>>, vector<16xf32>,
    %jit3A_218 = arith.constant -3.000000e+38 : f32
    %broadcast_in_dim3A_219 = vector.broadcast %jit3A_218 : f32 to vector<16xf32>
    %select_n3A_220 = arith.select %ge3A_213, %broadcast_in_dim3A_219, %get3A_217 : vector<16xi1>, vector<16xf32>
    %swap3A_221 = arith.constant 4 : i32
    %swap3A_222 = arith.index_cast %swap3A_221 : i32 to index
    %swap3A_223 = arith.constant 32 : index
    %swap3A_224 = tpu.vector_load %arg13[%swap3A_222, %swap3A_223] {strides = array<i32>} : memref<6x256xf32, #tpu.memory_space<vmem>>, vector<16xf32>,
    tpu.vector_store %arg13[%swap3A_222, %swap3A_223], %select_n3A_220 {strides = array<i32>} : memref<6x256xf32, #tpu.memory_space<vmem>>, vector<16xf32>,
    %add3A_225 = arith.constant 48 : i32
    %add3A_226 = vector.broadcast %add3A_225 : i32 to vector<16xi32>
    %add3A_227 = arith.addi %iota3A, %add3A_226 : vector<16xi32>
    %broadcast_in_dim3A_228 = arith.constant 1 : i32
    %broadcast_in_dim3A_229 = vector.broadcast %broadcast_in_dim3A_228 : i32 to vector<16xi32>
    %mul3A_230 = vector.broadcast %min3A_123 : i32 to vector<16xi32>
    %mul3A_231 = arith.muli %broadcast_in_dim3A_229, %mul3A_230 : vector<16xi32>
    %ge3A_232 = arith.cmpi sge, %add3A_227, %mul3A_231 : vector<16xi32>
    %get3A_233 = arith.constant 4 : i32
    %get3A_234 = arith.index_cast %get3A_233 : i32 to index
    %get3A_235 = arith.constant 48 : index
    %get3A_236 = tpu.vector_load %arg13[%get3A_234, %get3A_235] {strides = array<i32>} : memref<6x256xf32, #tpu.memory_space<vmem>>, vector<16xf32>,
    %jit3A_237 = arith.constant -3.000000e+38 : f32
    %broadcast_in_dim3A_238 = vector.broadcast %jit3A_237 : f32 to vector<16xf32>
    %select_n3A_239 = arith.select %ge3A_232, %broadcast_in_dim3A_238, %get3A_236 : vector<16xi1>, vector<16xf32>
    %swap3A_240 = arith.constant 4 : i32
    %swap3A_241 = arith.index_cast %swap3A_240 : i32 to index
    %swap3A_242 = arith.constant 48 : index
    %swap3A_243 = tpu.vector_load %arg13[%swap3A_241, %swap3A_242] {strides = array<i32>} : memref<6x256xf32, #tpu.memory_space<vmem>>, vector<16xf32>,
    tpu.vector_store %arg13[%swap3A_241, %swap3A_242], %select_n3A_239 {strides = array<i32>} : memref<6x256xf32, #tpu.memory_space<vmem>>, vector<16xf32>,
    %add3A_244 = arith.constant 64 : i32
    %add3A_245 = vector.broadcast %add3A_244 : i32 to vector<16xi32>
    %add3A_246 = arith.addi %iota3A, %add3A_245 : vector<16xi32>
    %broadcast_in_dim3A_247 = arith.constant 1 : i32
    %broadcast_in_dim3A_248 = vector.broadcast %broadcast_in_dim3A_247 : i32 to vector<16xi32>
    %mul3A_249 = vector.broadcast %min3A_123 : i32 to vector<16xi32>
    %mul3A_250 = arith.muli %broadcast_in_dim3A_248, %mul3A_249 : vector<16xi32>
    %ge3A_251 = arith.cmpi sge, %add3A_246, %mul3A_250 : vector<16xi32>
    %get3A_252 = arith.constant 4 : i32
    %get3A_253 = arith.index_cast %get3A_252 : i32 to index
    %get3A_254 = arith.constant 64 : index
    %get3A_255 = tpu.vector_load %arg13[%get3A_253, %get3A_254] {strides = array<i32>} : memref<6x256xf32, #tpu.memory_space<vmem>>, vector<16xf32>,
    %jit3A_256 = arith.constant -3.000000e+38 : f32
    %broadcast_in_dim3A_257 = vector.broadcast %jit3A_256 : f32 to vector<16xf32>
    %select_n3A_258 = arith.select %ge3A_251, %broadcast_in_dim3A_257, %get3A_255 : vector<16xi1>, vector<16xf32>
    %swap3A_259 = arith.constant 4 : i32
    %swap3A_260 = arith.index_cast %swap3A_259 : i32 to index
    %swap3A_261 = arith.constant 64 : index
    %swap3A_262 = tpu.vector_load %arg13[%swap3A_260, %swap3A_261] {strides = array<i32>} : memref<6x256xf32, #tpu.memory_space<vmem>>, vector<16xf32>,
    tpu.vector_store %arg13[%swap3A_260, %swap3A_261], %select_n3A_258 {strides = array<i32>} : memref<6x256xf32, #tpu.memory_space<vmem>>, vector<16xf32>,
    %add3A_263 = arith.constant 80 : i32
    %add3A_264 = vector.broadcast %add3A_263 : i32 to vector<16xi32>
    %add3A_265 = arith.addi %iota3A, %add3A_264 : vector<16xi32>
    %broadcast_in_dim3A_266 = arith.constant 1 : i32
    %broadcast_in_dim3A_267 = vector.broadcast %broadcast_in_dim3A_266 : i32 to vector<16xi32>
    %mul3A_268 = vector.broadcast %min3A_123 : i32 to vector<16xi32>
    %mul3A_269 = arith.muli %broadcast_in_dim3A_267, %mul3A_268 : vector<16xi32>
    %ge3A_270 = arith.cmpi sge, %add3A_265, %mul3A_269 : vector<16xi32>
    %get3A_271 = arith.constant 4 : i32
    %get3A_272 = arith.index_cast %get3A_271 : i32 to index
    %get3A_273 = arith.constant 80 : index
    %get3A_274 = tpu.vector_load %arg13[%get3A_272, %get3A_273] {strides = array<i32>} : memref<6x256xf32, #tpu.memory_space<vmem>>, vector<16xf32>,
    %jit3A_275 = arith.constant -3.000000e+38 : f32
    %broadcast_in_dim3A_276 = vector.broadcast %jit3A_275 : f32 to vector<16xf32>
    %select_n3A_277 = arith.select %ge3A_270, %broadcast_in_dim3A_276, %get3A_274 : vector<16xi1>, vector<16xf32>
    %swap3A_278 = arith.constant 4 : i32
    %swap3A_279 = arith.index_cast %swap3A_278 : i32 to index
    %swap3A_280 = arith.constant 80 : index
    %swap3A_281 = tpu.vector_load %arg13[%swap3A_279, %swap3A_280] {strides = array<i32>} : memref<6x256xf32, #tpu.memory_space<vmem>>, vector<16xf32>,
    tpu.vector_store %arg13[%swap3A_279, %swap3A_280], %select_n3A_277 {strides = array<i32>} : memref<6x256xf32, #tpu.memory_space<vmem>>, vector<16xf32>,
    %add3A_282 = arith.constant 96 : i32
    %add3A_283 = vector.broadcast %add3A_282 : i32 to vector<16xi32>
    %add3A_284 = arith.addi %iota3A, %add3A_283 : vector<16xi32>
    %broadcast_in_dim3A_285 = arith.constant 1 : i32
    %broadcast_in_dim3A_286 = vector.broadcast %broadcast_in_dim3A_285 : i32 to vector<16xi32>
    %mul3A_287 = vector.broadcast %min3A_123 : i32 to vector<16xi32>
    %mul3A_288 = arith.muli %broadcast_in_dim3A_286, %mul3A_287 : vector<16xi32>
    %ge3A_289 = arith.cmpi sge, %add3A_284, %mul3A_288 : vector<16xi32>
    %get3A_290 = arith.constant 4 : i32
    %get3A_291 = arith.index_cast %get3A_290 : i32 to index
    %get3A_292 = arith.constant 96 : index
    %get3A_293 = tpu.vector_load %arg13[%get3A_291, %get3A_292] {strides = array<i32>} : memref<6x256xf32, #tpu.memory_space<vmem>>, vector<16xf32>,
    %jit3A_294 = arith.constant -3.000000e+38 : f32
    %broadcast_in_dim3A_295 = vector.broadcast %jit3A_294 : f32 to vector<16xf32>
    %select_n3A_296 = arith.select %ge3A_289, %broadcast_in_dim3A_295, %get3A_293 : vector<16xi1>, vector<16xf32>
    %swap3A_297 = arith.constant 4 : i32
    %swap3A_298 = arith.index_cast %swap3A_297 : i32 to index
    %swap3A_299 = arith.constant 96 : index
    %swap3A_300 = tpu.vector_load %arg13[%swap3A_298, %swap3A_299] {strides = array<i32>} : memref<6x256xf32, #tpu.memory_space<vmem>>, vector<16xf32>,
    tpu.vector_store %arg13[%swap3A_298, %swap3A_299], %select_n3A_296 {strides = array<i32>} : memref<6x256xf32, #tpu.memory_space<vmem>>, vector<16xf32>,
    %add3A_301 = arith.constant 112 : i32
    %add3A_302 = vector.broadcast %add3A_301 : i32 to vector<16xi32>
    %add3A_303 = arith.addi %iota3A, %add3A_302 : vector<16xi32>
    %broadcast_in_dim3A_304 = arith.constant 1 : i32
    %broadcast_in_dim3A_305 = vector.broadcast %broadcast_in_dim3A_304 : i32 to vector<16xi32>
    %mul3A_306 = vector.broadcast %min3A_123 : i32 to vector<16xi32>
    %mul3A_307 = arith.muli %broadcast_in_dim3A_305, %mul3A_306 : vector<16xi32>
    %ge3A_308 = arith.cmpi sge, %add3A_303, %mul3A_307 : vector<16xi32>
    %get3A_309 = arith.constant 4 : i32
    %get3A_310 = arith.index_cast %get3A_309 : i32 to index
    %get3A_311 = arith.constant 112 : index
    %get3A_312 = tpu.vector_load %arg13[%get3A_310, %get3A_311] {strides = array<i32>} : memref<6x256xf32, #tpu.memory_space<vmem>>, vector<16xf32>,
    %jit3A_313 = arith.constant -3.000000e+38 : f32
    %broadcast_in_dim3A_314 = vector.broadcast %jit3A_313 : f32 to vector<16xf32>
    %select_n3A_315 = arith.select %ge3A_308, %broadcast_in_dim3A_314, %get3A_312 : vector<16xi1>, vector<16xf32>
    %swap3A_316 = arith.constant 4 : i32
    %swap3A_317 = arith.index_cast %swap3A_316 : i32 to index
    %swap3A_318 = arith.constant 112 : index
    %swap3A_319 = tpu.vector_load %arg13[%swap3A_317, %swap3A_318] {strides = array<i32>} : memref<6x256xf32, #tpu.memory_space<vmem>>, vector<16xf32>,
    tpu.vector_store %arg13[%swap3A_317, %swap3A_318], %select_n3A_315 {strides = array<i32>} : memref<6x256xf32, #tpu.memory_space<vmem>>, vector<16xf32>,
    %add3A_320 = arith.constant 128 : i32
    %add3A_321 = vector.broadcast %add3A_320 : i32 to vector<16xi32>
    %add3A_322 = arith.addi %iota3A, %add3A_321 : vector<16xi32>
    %broadcast_in_dim3A_323 = arith.constant 1 : i32
    %broadcast_in_dim3A_324 = vector.broadcast %broadcast_in_dim3A_323 : i32 to vector<16xi32>
    %mul3A_325 = vector.broadcast %min3A_123 : i32 to vector<16xi32>
    %mul3A_326 = arith.muli %broadcast_in_dim3A_324, %mul3A_325 : vector<16xi32>
    %ge3A_327 = arith.cmpi sge, %add3A_322, %mul3A_326 : vector<16xi32>
    %get3A_328 = arith.constant 4 : i32
    %get3A_329 = arith.index_cast %get3A_328 : i32 to index
    %get3A_330 = arith.constant 128 : index
    %get3A_331 = tpu.vector_load %arg13[%get3A_329, %get3A_330] {strides = array<i32>} : memref<6x256xf32, #tpu.memory_space<vmem>>, vector<16xf32>,
    %jit3A_332 = arith.constant -3.000000e+38 : f32
    %broadcast_in_dim3A_333 = vector.broadcast %jit3A_332 : f32 to vector<16xf32>
    %select_n3A_334 = arith.select %ge3A_327, %broadcast_in_dim3A_333, %get3A_331 : vector<16xi1>, vector<16xf32>
    %swap3A_335 = arith.constant 4 : i32
    %swap3A_336 = arith.index_cast %swap3A_335 : i32 to index
    %swap3A_337 = arith.constant 128 : index
    %swap3A_338 = tpu.vector_load %arg13[%swap3A_336, %swap3A_337] {strides = array<i32>} : memref<6x256xf32, #tpu.memory_space<vmem>>, vector<16xf32>,
    tpu.vector_store %arg13[%swap3A_336, %swap3A_337], %select_n3A_334 {strides = array<i32>} : memref<6x256xf32, #tpu.memory_space<vmem>>, vector<16xf32>,
    %add3A_339 = arith.constant 144 : i32
    %add3A_340 = vector.broadcast %add3A_339 : i32 to vector<16xi32>
    %add3A_341 = arith.addi %iota3A, %add3A_340 : vector<16xi32>
    %broadcast_in_dim3A_342 = arith.constant 1 : i32
    %broadcast_in_dim3A_343 = vector.broadcast %broadcast_in_dim3A_342 : i32 to vector<16xi32>
    %mul3A_344 = vector.broadcast %min3A_123 : i32 to vector<16xi32>
    %mul3A_345 = arith.muli %broadcast_in_dim3A_343, %mul3A_344 : vector<16xi32>
    %ge3A_346 = arith.cmpi sge, %add3A_341, %mul3A_345 : vector<16xi32>
    %get3A_347 = arith.constant 4 : i32
    %get3A_348 = arith.index_cast %get3A_347 : i32 to index
    %get3A_349 = arith.constant 144 : index
    %get3A_350 = tpu.vector_load %arg13[%get3A_348, %get3A_349] {strides = array<i32>} : memref<6x256xf32, #tpu.memory_space<vmem>>, vector<16xf32>,
    %jit3A_351 = arith.constant -3.000000e+38 : f32
    %broadcast_in_dim3A_352 = vector.broadcast %jit3A_351 : f32 to vector<16xf32>
    %select_n3A_353 = arith.select %ge3A_346, %broadcast_in_dim3A_352, %get3A_350 : vector<16xi1>, vector<16xf32>
    %swap3A_354 = arith.constant 4 : i32
    %swap3A_355 = arith.index_cast %swap3A_354 : i32 to index
    %swap3A_356 = arith.constant 144 : index
    %swap3A_357 = tpu.vector_load %arg13[%swap3A_355, %swap3A_356] {strides = array<i32>} : memref<6x256xf32, #tpu.memory_space<vmem>>, vector<16xf32>,
    tpu.vector_store %arg13[%swap3A_355, %swap3A_356], %select_n3A_353 {strides = array<i32>} : memref<6x256xf32, #tpu.memory_space<vmem>>, vector<16xf32>,
    %add3A_358 = arith.constant 160 : i32
    %add3A_359 = vector.broadcast %add3A_358 : i32 to vector<16xi32>
    %add3A_360 = arith.addi %iota3A, %add3A_359 : vector<16xi32>
    %broadcast_in_dim3A_361 = arith.constant 1 : i32
    %broadcast_in_dim3A_362 = vector.broadcast %broadcast_in_dim3A_361 : i32 to vector<16xi32>
    %mul3A_363 = vector.broadcast %min3A_123 : i32 to vector<16xi32>
    %mul3A_364 = arith.muli %broadcast_in_dim3A_362, %mul3A_363 : vector<16xi32>
    %ge3A_365 = arith.cmpi sge, %add3A_360, %mul3A_364 : vector<16xi32>
    %get3A_366 = arith.constant 4 : i32
    %get3A_367 = arith.index_cast %get3A_366 : i32 to index
    %get3A_368 = arith.constant 160 : index
    %get3A_369 = tpu.vector_load %arg13[%get3A_367, %get3A_368] {strides = array<i32>} : memref<6x256xf32, #tpu.memory_space<vmem>>, vector<16xf32>,
    %jit3A_370 = arith.constant -3.000000e+38 : f32
    %broadcast_in_dim3A_371 = vector.broadcast %jit3A_370 : f32 to vector<16xf32>
    %select_n3A_372 = arith.select %ge3A_365, %broadcast_in_dim3A_371, %get3A_369 : vector<16xi1>, vector<16xf32>
    %swap3A_373 = arith.constant 4 : i32
    %swap3A_374 = arith.index_cast %swap3A_373 : i32 to index
    %swap3A_375 = arith.constant 160 : index
    %swap3A_376 = tpu.vector_load %arg13[%swap3A_374, %swap3A_375] {strides = array<i32>} : memref<6x256xf32, #tpu.memory_space<vmem>>, vector<16xf32>,
    tpu.vector_store %arg13[%swap3A_374, %swap3A_375], %select_n3A_372 {strides = array<i32>} : memref<6x256xf32, #tpu.memory_space<vmem>>, vector<16xf32>,
    %add3A_377 = arith.constant 176 : i32
    %add3A_378 = vector.broadcast %add3A_377 : i32 to vector<16xi32>
    %add3A_379 = arith.addi %iota3A, %add3A_378 : vector<16xi32>
    %broadcast_in_dim3A_380 = arith.constant 1 : i32
    %broadcast_in_dim3A_381 = vector.broadcast %broadcast_in_dim3A_380 : i32 to vector<16xi32>
    %mul3A_382 = vector.broadcast %min3A_123 : i32 to vector<16xi32>
    %mul3A_383 = arith.muli %broadcast_in_dim3A_381, %mul3A_382 : vector<16xi32>
    %ge3A_384 = arith.cmpi sge, %add3A_379, %mul3A_383 : vector<16xi32>
    %get3A_385 = arith.constant 4 : i32
    %get3A_386 = arith.index_cast %get3A_385 : i32 to index
    %get3A_387 = arith.constant 176 : index
    %get3A_388 = tpu.vector_load %arg13[%get3A_386, %get3A_387] {strides = array<i32>} : memref<6x256xf32, #tpu.memory_space<vmem>>, vector<16xf32>,
    %jit3A_389 = arith.constant -3.000000e+38 : f32
    %broadcast_in_dim3A_390 = vector.broadcast %jit3A_389 : f32 to vector<16xf32>
    %select_n3A_391 = arith.select %ge3A_384, %broadcast_in_dim3A_390, %get3A_388 : vector<16xi1>, vector<16xf32>
    %swap3A_392 = arith.constant 4 : i32
    %swap3A_393 = arith.index_cast %swap3A_392 : i32 to index
    %swap3A_394 = arith.constant 176 : index
    %swap3A_395 = tpu.vector_load %arg13[%swap3A_393, %swap3A_394] {strides = array<i32>} : memref<6x256xf32, #tpu.memory_space<vmem>>, vector<16xf32>,
    tpu.vector_store %arg13[%swap3A_393, %swap3A_394], %select_n3A_391 {strides = array<i32>} : memref<6x256xf32, #tpu.memory_space<vmem>>, vector<16xf32>,
    %add3A_396 = arith.constant 192 : i32
    %add3A_397 = vector.broadcast %add3A_396 : i32 to vector<16xi32>
    %add3A_398 = arith.addi %iota3A, %add3A_397 : vector<16xi32>
    %broadcast_in_dim3A_399 = arith.constant 1 : i32
    %broadcast_in_dim3A_400 = vector.broadcast %broadcast_in_dim3A_399 : i32 to vector<16xi32>
    %mul3A_401 = vector.broadcast %min3A_123 : i32 to vector<16xi32>
    %mul3A_402 = arith.muli %broadcast_in_dim3A_400, %mul3A_401 : vector<16xi32>
    %ge3A_403 = arith.cmpi sge, %add3A_398, %mul3A_402 : vector<16xi32>
    %get3A_404 = arith.constant 4 : i32
    %get3A_405 = arith.index_cast %get3A_404 : i32 to index
    %get3A_406 = arith.constant 192 : index
    %get3A_407 = tpu.vector_load %arg13[%get3A_405, %get3A_406] {strides = array<i32>} : memref<6x256xf32, #tpu.memory_space<vmem>>, vector<16xf32>,
    %jit3A_408 = arith.constant -3.000000e+38 : f32
    %broadcast_in_dim3A_409 = vector.broadcast %jit3A_408 : f32 to vector<16xf32>
    %select_n3A_410 = arith.select %ge3A_403, %broadcast_in_dim3A_409, %get3A_407 : vector<16xi1>, vector<16xf32>
    %swap3A_411 = arith.constant 4 : i32
    %swap3A_412 = arith.index_cast %swap3A_411 : i32 to index
    %swap3A_413 = arith.constant 192 : index
    %swap3A_414 = tpu.vector_load %arg13[%swap3A_412, %swap3A_413] {strides = array<i32>} : memref<6x256xf32, #tpu.memory_space<vmem>>, vector<16xf32>,
    tpu.vector_store %arg13[%swap3A_412, %swap3A_413], %select_n3A_410 {strides = array<i32>} : memref<6x256xf32, #tpu.memory_space<vmem>>, vector<16xf32>,
    %add3A_415 = arith.constant 208 : i32
    %add3A_416 = vector.broadcast %add3A_415 : i32 to vector<16xi32>
    %add3A_417 = arith.addi %iota3A, %add3A_416 : vector<16xi32>
    %broadcast_in_dim3A_418 = arith.constant 1 : i32
    %broadcast_in_dim3A_419 = vector.broadcast %broadcast_in_dim3A_418 : i32 to vector<16xi32>
    %mul3A_420 = vector.broadcast %min3A_123 : i32 to vector<16xi32>
    %mul3A_421 = arith.muli %broadcast_in_dim3A_419, %mul3A_420 : vector<16xi32>
    %ge3A_422 = arith.cmpi sge, %add3A_417, %mul3A_421 : vector<16xi32>
    %get3A_423 = arith.constant 4 : i32
    %get3A_424 = arith.index_cast %get3A_423 : i32 to index
    %get3A_425 = arith.constant 208 : index
    %get3A_426 = tpu.vector_load %arg13[%get3A_424, %get3A_425] {strides = array<i32>} : memref<6x256xf32, #tpu.memory_space<vmem>>, vector<16xf32>,
    %jit3A_427 = arith.constant -3.000000e+38 : f32
    %broadcast_in_dim3A_428 = vector.broadcast %jit3A_427 : f32 to vector<16xf32>
    %select_n3A_429 = arith.select %ge3A_422, %broadcast_in_dim3A_428, %get3A_426 : vector<16xi1>, vector<16xf32>
    %swap3A_430 = arith.constant 4 : i32
    %swap3A_431 = arith.index_cast %swap3A_430 : i32 to index
    %swap3A_432 = arith.constant 208 : index
    %swap3A_433 = tpu.vector_load %arg13[%swap3A_431, %swap3A_432] {strides = array<i32>} : memref<6x256xf32, #tpu.memory_space<vmem>>, vector<16xf32>,
    tpu.vector_store %arg13[%swap3A_431, %swap3A_432], %select_n3A_429 {strides = array<i32>} : memref<6x256xf32, #tpu.memory_space<vmem>>, vector<16xf32>,
    %add3A_434 = arith.constant 224 : i32
    %add3A_435 = vector.broadcast %add3A_434 : i32 to vector<16xi32>
    %add3A_436 = arith.addi %iota3A, %add3A_435 : vector<16xi32>
    %broadcast_in_dim3A_437 = arith.constant 1 : i32
    %broadcast_in_dim3A_438 = vector.broadcast %broadcast_in_dim3A_437 : i32 to vector<16xi32>
    %mul3A_439 = vector.broadcast %min3A_123 : i32 to vector<16xi32>
    %mul3A_440 = arith.muli %broadcast_in_dim3A_438, %mul3A_439 : vector<16xi32>
    %ge3A_441 = arith.cmpi sge, %add3A_436, %mul3A_440 : vector<16xi32>
    %get3A_442 = arith.constant 4 : i32
    %get3A_443 = arith.index_cast %get3A_442 : i32 to index
    %get3A_444 = arith.constant 224 : index
    %get3A_445 = tpu.vector_load %arg13[%get3A_443, %get3A_444] {strides = array<i32>} : memref<6x256xf32, #tpu.memory_space<vmem>>, vector<16xf32>,
    %jit3A_446 = arith.constant -3.000000e+38 : f32
    %broadcast_in_dim3A_447 = vector.broadcast %jit3A_446 : f32 to vector<16xf32>
    %select_n3A_448 = arith.select %ge3A_441, %broadcast_in_dim3A_447, %get3A_445 : vector<16xi1>, vector<16xf32>
    %swap3A_449 = arith.constant 4 : i32
    %swap3A_450 = arith.index_cast %swap3A_449 : i32 to index
    %swap3A_451 = arith.constant 224 : index
    %swap3A_452 = tpu.vector_load %arg13[%swap3A_450, %swap3A_451] {strides = array<i32>} : memref<6x256xf32, #tpu.memory_space<vmem>>, vector<16xf32>,
    tpu.vector_store %arg13[%swap3A_450, %swap3A_451], %select_n3A_448 {strides = array<i32>} : memref<6x256xf32, #tpu.memory_space<vmem>>, vector<16xf32>,
    %add3A_453 = arith.constant 240 : i32
    %add3A_454 = vector.broadcast %add3A_453 : i32 to vector<16xi32>
    %add3A_455 = arith.addi %iota3A, %add3A_454 : vector<16xi32>
    %broadcast_in_dim3A_456 = arith.constant 1 : i32
    %broadcast_in_dim3A_457 = vector.broadcast %broadcast_in_dim3A_456 : i32 to vector<16xi32>
    %mul3A_458 = vector.broadcast %min3A_123 : i32 to vector<16xi32>
    %mul3A_459 = arith.muli %broadcast_in_dim3A_457, %mul3A_458 : vector<16xi32>
    %ge3A_460 = arith.cmpi sge, %add3A_455, %mul3A_459 : vector<16xi32>
    %get3A_461 = arith.constant 4 : i32
    %get3A_462 = arith.index_cast %get3A_461 : i32 to index
    %get3A_463 = arith.constant 240 : index
    %get3A_464 = tpu.vector_load %arg13[%get3A_462, %get3A_463] {strides = array<i32>} : memref<6x256xf32, #tpu.memory_space<vmem>>, vector<16xf32>,
    %jit3A_465 = arith.constant -3.000000e+38 : f32
    %broadcast_in_dim3A_466 = vector.broadcast %jit3A_465 : f32 to vector<16xf32>
    %select_n3A_467 = arith.select %ge3A_460, %broadcast_in_dim3A_466, %get3A_464 : vector<16xi1>, vector<16xf32>
    %swap3A_468 = arith.constant 4 : i32
    %swap3A_469 = arith.index_cast %swap3A_468 : i32 to index
    %swap3A_470 = arith.constant 240 : index
    %swap3A_471 = tpu.vector_load %arg13[%swap3A_469, %swap3A_470] {strides = array<i32>} : memref<6x256xf32, #tpu.memory_space<vmem>>, vector<16xf32>,
    tpu.vector_store %arg13[%swap3A_469, %swap3A_470], %select_n3A_467 {strides = array<i32>} : memref<6x256xf32, #tpu.memory_space<vmem>>, vector<16xf32>,
    %eq3A_472 = arith.constant 15 : i32
    %eq3A_473 = vector.broadcast %eq3A_472 : i32 to vector<16xi32>
    %eq3A_474 = arith.cmpi eq, %iota3A, %eq3A_473 : vector<16xi32>
    %get3A_475 = arith.constant 4 : i32
    %get3A_476 = arith.index_cast %get3A_475 : i32 to index
    %get3A_477 = arith.constant 240 : index
    %get3A_478 = tpu.vector_load %arg13[%get3A_476, %get3A_477] {strides = array<i32>} : memref<6x256xf32, #tpu.memory_space<vmem>>, vector<16xf32>,
    %jit3A_479 = arith.constant -2.000000e+38 : f32
    %broadcast_in_dim3A_480 = vector.broadcast %jit3A_479 : f32 to vector<16xf32>
    %select_n3A_481 = arith.select %eq3A_474, %broadcast_in_dim3A_480, %get3A_478 : vector<16xi1>, vector<16xf32>
    %swap3A_482 = arith.constant 4 : i32
    %swap3A_483 = arith.index_cast %swap3A_482 : i32 to index
    %swap3A_484 = arith.constant 240 : index
    %swap3A_485 = tpu.vector_load %arg13[%swap3A_483, %swap3A_484] {strides = array<i32>} : memref<6x256xf32, #tpu.memory_space<vmem>>, vector<16xf32>,
    tpu.vector_store %arg13[%swap3A_483, %swap3A_484], %select_n3A_481 {strides = array<i32>} : memref<6x256xf32, #tpu.memory_space<vmem>>, vector<16xf32>,
    %get3A_486 = arith.constant 0 : i32
    %get3A_487 = arith.index_cast %get3A_486 : i32 to index
    %get3A_488 = arith.constant 240 : index
    %get3A_489 = tpu.vector_load %arg13[%get3A_487, %get3A_488] {strides = array<i32>} : memref<6x256xf32, #tpu.memory_space<vmem>>, vector<16xf32>,
    %jit3A_490 = arith.constant 0.000000e+00 : f32
    %broadcast_in_dim3A_491 = vector.broadcast %jit3A_490 : f32 to vector<16xf32>
    %select_n3A_492 = arith.select %eq3A_474, %broadcast_in_dim3A_491, %get3A_489 : vector<16xi1>, vector<16xf32>
    %swap3A_493 = arith.constant 0 : i32
    %swap3A_494 = arith.index_cast %swap3A_493 : i32 to index
    %swap3A_495 = arith.constant 240 : index
    %swap3A_496 = tpu.vector_load %arg13[%swap3A_494, %swap3A_495] {strides = array<i32>} : memref<6x256xf32, #tpu.memory_space<vmem>>, vector<16xf32>,
    tpu.vector_store %arg13[%swap3A_494, %swap3A_495], %select_n3A_492 {strides = array<i32>} : memref<6x256xf32, #tpu.memory_space<vmem>>, vector<16xf32>,
    %get3A_497 = arith.constant 1 : i32
    %get3A_498 = arith.index_cast %get3A_497 : i32 to index
    %get3A_499 = arith.constant 240 : index
    %get3A_500 = tpu.vector_load %arg13[%get3A_498, %get3A_499] {strides = array<i32>} : memref<6x256xf32, #tpu.memory_space<vmem>>, vector<16xf32>,
    %jit3A_501 = arith.constant 0.000000e+00 : f32
    %broadcast_in_dim3A_502 = vector.broadcast %jit3A_501 : f32 to vector<16xf32>
    %select_n3A_503 = arith.select %eq3A_474, %broadcast_in_dim3A_502, %get3A_500 : vector<16xi1>, vector<16xf32>
    %swap3A_504 = arith.constant 1 : i32
    %swap3A_505 = arith.index_cast %swap3A_504 : i32 to index
    %swap3A_506 = arith.constant 240 : index
    %swap3A_507 = tpu.vector_load %arg13[%swap3A_505, %swap3A_506] {strides = array<i32>} : memref<6x256xf32, #tpu.memory_space<vmem>>, vector<16xf32>,
    tpu.vector_store %arg13[%swap3A_505, %swap3A_506], %select_n3A_503 {strides = array<i32>} : memref<6x256xf32, #tpu.memory_space<vmem>>, vector<16xf32>,
    %get3A_508 = arith.constant 2 : i32
    %get3A_509 = arith.index_cast %get3A_508 : i32 to index
    %get3A_510 = arith.constant 240 : index
    %get3A_511 = tpu.vector_load %arg13[%get3A_509, %get3A_510] {strides = array<i32>} : memref<6x256xf32, #tpu.memory_space<vmem>>, vector<16xf32>,
    %jit3A_512 = arith.constant -1.000000e+00 : f32
    %broadcast_in_dim3A_513 = vector.broadcast %jit3A_512 : f32 to vector<16xf32>
    %select_n3A_514 = arith.select %eq3A_474, %broadcast_in_dim3A_513, %get3A_511 : vector<16xi1>, vector<16xf32>
    %swap3A_515 = arith.constant 2 : i32
    %swap3A_516 = arith.index_cast %swap3A_515 : i32 to index
    %swap3A_517 = arith.constant 240 : index
    %swap3A_518 = tpu.vector_load %arg13[%swap3A_516, %swap3A_517] {strides = array<i32>} : memref<6x256xf32, #tpu.memory_space<vmem>>, vector<16xf32>,
    tpu.vector_store %arg13[%swap3A_516, %swap3A_517], %select_n3A_514 {strides = array<i32>} : memref<6x256xf32, #tpu.memory_space<vmem>>, vector<16xf32>,
    %get3A_519 = arith.constant 3 : i32
    %get3A_520 = arith.index_cast %get3A_519 : i32 to index
    %get3A_521 = arith.constant 240 : index
    %get3A_522 = tpu.vector_load %arg13[%get3A_520, %get3A_521] {strides = array<i32>} : memref<6x256xf32, #tpu.memory_space<vmem>>, vector<16xf32>,
    %jit3A_523 = arith.constant -1.000000e+00 : f32
    %broadcast_in_dim3A_524 = vector.broadcast %jit3A_523 : f32 to vector<16xf32>
    %select_n3A_525 = arith.select %eq3A_474, %broadcast_in_dim3A_524, %get3A_522 : vector<16xi1>, vector<16xf32>
    %swap3A_526 = arith.constant 3 : i32
    %swap3A_527 = arith.index_cast %swap3A_526 : i32 to index
    %swap3A_528 = arith.constant 240 : index
    %swap3A_529 = tpu.vector_load %arg13[%swap3A_527, %swap3A_528] {strides = array<i32>} : memref<6x256xf32, #tpu.memory_space<vmem>>, vector<16xf32>,
    tpu.vector_store %arg13[%swap3A_527, %swap3A_528], %select_n3A_525 {strides = array<i32>} : memref<6x256xf32, #tpu.memory_space<vmem>>, vector<16xf32>,
    %mul3A_530 = arith.constant 6 : i32
    %mul3A_531 = arith.muli %arg0, %mul3A_530 : i32
    %add3A_532 = arith.constant 0 : i32
    %add3A_533 = arith.addi %mul3A_531, %add3A_532 : i32
    %mul3A_534 = arith.constant 4096 : i32
    %mul3A_535 = arith.muli %add3A_533, %mul3A_534 : i32
    %mul3A_536 = arith.constant 256 : i32
    %mul3A_537 = arith.muli %arg1, %mul3A_536 : i32
    %add3A_538 = arith.addi %mul3A_535, %mul3A_537 : i32
    %run_scoped3A = arith.constant 0 : i32
    "tpu.region"() ({
      %run_scoped3A_589 = tpu.sem_alloc : memref<!tpu.dma_semaphore, #tpu.memory_space<semaphore_mem>>
      %dma_start3A = arith.constant 0 : i32
      %dma_start3A_590 = tpu.memref_slice %arg13[%run_scoped3A, %dma_start3A] : memref<6x256xf32, #tpu.memory_space<vmem>> -> memref<1x256xf32, #tpu.memory_space<vmem>>
      %dma_start3A_591 = tpu.memref_squeeze %dma_start3A_590 : memref<1x256xf32, #tpu.memory_space<vmem>> -> memref<256xf32, #tpu.memory_space<vmem>>
      %dma_start3A_592 = tpu.memref_slice %arg6[%add3A_538] : memref<49152xf32, #tpu.memory_space<hbm>> -> memref<256xf32, #tpu.memory_space<hbm>>
      %dma_start3A_593 = tpu.memref_slice %arg6[%add3A_538] : memref<49152xf32, #tpu.memory_space<hbm>> -> memref<256xf32, #tpu.memory_space<hbm>>
      %dma_start3A_594 = arith.constant 0 : i32
      %dma_start3A_595 = tpu.memref_slice %arg13[%run_scoped3A, %dma_start3A_594] : memref<6x256xf32, #tpu.memory_space<vmem>> -> memref<1x256xf32, #tpu.memory_space<vmem>>
      %dma_start3A_596 = tpu.memref_squeeze %dma_start3A_595 : memref<1x256xf32, #tpu.memory_space<vmem>> -> memref<256xf32, #tpu.memory_space<vmem>>
      tpu.enqueue_dma source(%dma_start3A_596 : memref<256xf32, #tpu.memory_space<vmem>>) target(%dma_start3A_593 : memref<256xf32, #tpu.memory_space<hbm>>) target_semaphore(%run_scoped3A_589 : memref<!tpu.dma_semaphore, #tpu.memory_space<semaphore_mem>>)
      %dma_wait3A = arith.constant 0 : i32
      %dma_wait3A_597 = tpu.memref_slice %arg13[%run_scoped3A, %dma_wait3A] : memref<6x256xf32, #tpu.memory_space<vmem>> -> memref<1x256xf32, #tpu.memory_space<vmem>>
      %dma_wait3A_598 = tpu.memref_squeeze %dma_wait3A_597 : memref<1x256xf32, #tpu.memory_space<vmem>> -> memref<256xf32, #tpu.memory_space<vmem>>
      %dma_wait3A_599 = tpu.memref_slice %arg6[%add3A_538] : memref<49152xf32, #tpu.memory_space<hbm>> -> memref<256xf32, #tpu.memory_space<hbm>>
      %dma_wait3A_600 = tpu.memref_slice %arg6[%add3A_538] : memref<49152xf32, #tpu.memory_space<hbm>> -> memref<256xf32, #tpu.memory_space<hbm>>
      %dma_wait3A_601 = arith.constant 0 : i32
      %dma_wait3A_602 = tpu.memref_slice %arg13[%run_scoped3A, %dma_wait3A_601] : memref<6x256xf32, #tpu.memory_space<vmem>> -> memref<1x256xf32, #tpu.memory_space<vmem>>
      %dma_wait3A_603 = tpu.memref_squeeze %dma_wait3A_602 : memref<1x256xf32, #tpu.memory_space<vmem>> -> memref<256xf32, #tpu.memory_space<vmem>>
      tpu.wait_dma2 semaphore(%run_scoped3A_589 : memref<!tpu.dma_semaphore, #tpu.memory_space<semaphore_mem>>) src(%dma_wait3A_603 : memref<256xf32, #tpu.memory_space<vmem>>) dst(%dma_wait3A_600 : memref<256xf32, #tpu.memory_space<hbm>>)
      tpu.yield
    }) : () -> ()
    %mul3A_539 = arith.constant 6 : i32
    %mul3A_540 = arith.muli %arg0, %mul3A_539 : i32
    %add3A_541 = arith.constant 1 : i32
    %add3A_542 = arith.addi %mul3A_540, %add3A_541 : i32
    %mul3A_543 = arith.constant 4096 : i32
    %mul3A_544 = arith.muli %add3A_542, %mul3A_543 : i32
    %mul3A_545 = arith.constant 256 : i32
    %mul3A_546 = arith.muli %arg1, %mul3A_545 : i32
    %add3A_547 = arith.addi %mul3A_544, %mul3A_546 : i32
    %run_scoped3A_548 = arith.constant 1 : i32
    "tpu.region"() ({
      %run_scoped3A_589 = tpu.sem_alloc : memref<!tpu.dma_semaphore, #tpu.memory_space<semaphore_mem>>
      %dma_start3A = arith.constant 0 : i32
      %dma_start3A_590 = tpu.memref_slice %arg13[%run_scoped3A_548, %dma_start3A] : memref<6x256xf32, #tpu.memory_space<vmem>> -> memref<1x256xf32, #tpu.memory_space<vmem>>
      %dma_start3A_591 = tpu.memref_squeeze %dma_start3A_590 : memref<1x256xf32, #tpu.memory_space<vmem>> -> memref<256xf32, #tpu.memory_space<vmem>>
      %dma_start3A_592 = tpu.memref_slice %arg6[%add3A_547] : memref<49152xf32, #tpu.memory_space<hbm>> -> memref<256xf32, #tpu.memory_space<hbm>>
      %dma_start3A_593 = tpu.memref_slice %arg6[%add3A_547] : memref<49152xf32, #tpu.memory_space<hbm>> -> memref<256xf32, #tpu.memory_space<hbm>>
      %dma_start3A_594 = arith.constant 0 : i32
      %dma_start3A_595 = tpu.memref_slice %arg13[%run_scoped3A_548, %dma_start3A_594] : memref<6x256xf32, #tpu.memory_space<vmem>> -> memref<1x256xf32, #tpu.memory_space<vmem>>
      %dma_start3A_596 = tpu.memref_squeeze %dma_start3A_595 : memref<1x256xf32, #tpu.memory_space<vmem>> -> memref<256xf32, #tpu.memory_space<vmem>>
      tpu.enqueue_dma source(%dma_start3A_596 : memref<256xf32, #tpu.memory_space<vmem>>) target(%dma_start3A_593 : memref<256xf32, #tpu.memory_space<hbm>>) target_semaphore(%run_scoped3A_589 : memref<!tpu.dma_semaphore, #tpu.memory_space<semaphore_mem>>)
      %dma_wait3A = arith.constant 0 : i32
      %dma_wait3A_597 = tpu.memref_slice %arg13[%run_scoped3A_548, %dma_wait3A] : memref<6x256xf32, #tpu.memory_space<vmem>> -> memref<1x256xf32, #tpu.memory_space<vmem>>
      %dma_wait3A_598 = tpu.memref_squeeze %dma_wait3A_597 : memref<1x256xf32, #tpu.memory_space<vmem>> -> memref<256xf32, #tpu.memory_space<vmem>>
      %dma_wait3A_599 = tpu.memref_slice %arg6[%add3A_547] : memref<49152xf32, #tpu.memory_space<hbm>> -> memref<256xf32, #tpu.memory_space<hbm>>
      %dma_wait3A_600 = tpu.memref_slice %arg6[%add3A_547] : memref<49152xf32, #tpu.memory_space<hbm>> -> memref<256xf32, #tpu.memory_space<hbm>>
      %dma_wait3A_601 = arith.constant 0 : i32
      %dma_wait3A_602 = tpu.memref_slice %arg13[%run_scoped3A_548, %dma_wait3A_601] : memref<6x256xf32, #tpu.memory_space<vmem>> -> memref<1x256xf32, #tpu.memory_space<vmem>>
      %dma_wait3A_603 = tpu.memref_squeeze %dma_wait3A_602 : memref<1x256xf32, #tpu.memory_space<vmem>> -> memref<256xf32, #tpu.memory_space<vmem>>
      tpu.wait_dma2 semaphore(%run_scoped3A_589 : memref<!tpu.dma_semaphore, #tpu.memory_space<semaphore_mem>>) src(%dma_wait3A_603 : memref<256xf32, #tpu.memory_space<vmem>>) dst(%dma_wait3A_600 : memref<256xf32, #tpu.memory_space<hbm>>)
      tpu.yield
    }) : () -> ()
    %mul3A_549 = arith.constant 6 : i32
    %mul3A_550 = arith.muli %arg0, %mul3A_549 : i32
    %add3A_551 = arith.constant 2 : i32
    %add3A_552 = arith.addi %mul3A_550, %add3A_551 : i32
    %mul3A_553 = arith.constant 4096 : i32
    %mul3A_554 = arith.muli %add3A_552, %mul3A_553 : i32
    %mul3A_555 = arith.constant 256 : i32
    %mul3A_556 = arith.muli %arg1, %mul3A_555 : i32
    %add3A_557 = arith.addi %mul3A_554, %mul3A_556 : i32
    %run_scoped3A_558 = arith.constant 2 : i32
    "tpu.region"() ({
      %run_scoped3A_589 = tpu.sem_alloc : memref<!tpu.dma_semaphore, #tpu.memory_space<semaphore_mem>>
      %dma_start3A = arith.constant 0 : i32
      %dma_start3A_590 = tpu.memref_slice %arg13[%run_scoped3A_558, %dma_start3A] : memref<6x256xf32, #tpu.memory_space<vmem>> -> memref<1x256xf32, #tpu.memory_space<vmem>>
      %dma_start3A_591 = tpu.memref_squeeze %dma_start3A_590 : memref<1x256xf32, #tpu.memory_space<vmem>> -> memref<256xf32, #tpu.memory_space<vmem>>
      %dma_start3A_592 = tpu.memref_slice %arg6[%add3A_557] : memref<49152xf32, #tpu.memory_space<hbm>> -> memref<256xf32, #tpu.memory_space<hbm>>
      %dma_start3A_593 = tpu.memref_slice %arg6[%add3A_557] : memref<49152xf32, #tpu.memory_space<hbm>> -> memref<256xf32, #tpu.memory_space<hbm>>
      %dma_start3A_594 = arith.constant 0 : i32
      %dma_start3A_595 = tpu.memref_slice %arg13[%run_scoped3A_558, %dma_start3A_594] : memref<6x256xf32, #tpu.memory_space<vmem>> -> memref<1x256xf32, #tpu.memory_space<vmem>>
      %dma_start3A_596 = tpu.memref_squeeze %dma_start3A_595 : memref<1x256xf32, #tpu.memory_space<vmem>> -> memref<256xf32, #tpu.memory_space<vmem>>
      tpu.enqueue_dma source(%dma_start3A_596 : memref<256xf32, #tpu.memory_space<vmem>>) target(%dma_start3A_593 : memref<256xf32, #tpu.memory_space<hbm>>) target_semaphore(%run_scoped3A_589 : memref<!tpu.dma_semaphore, #tpu.memory_space<semaphore_mem>>)
      %dma_wait3A = arith.constant 0 : i32
      %dma_wait3A_597 = tpu.memref_slice %arg13[%run_scoped3A_558, %dma_wait3A] : memref<6x256xf32, #tpu.memory_space<vmem>> -> memref<1x256xf32, #tpu.memory_space<vmem>>
      %dma_wait3A_598 = tpu.memref_squeeze %dma_wait3A_597 : memref<1x256xf32, #tpu.memory_space<vmem>> -> memref<256xf32, #tpu.memory_space<vmem>>
      %dma_wait3A_599 = tpu.memref_slice %arg6[%add3A_557] : memref<49152xf32, #tpu.memory_space<hbm>> -> memref<256xf32, #tpu.memory_space<hbm>>
      %dma_wait3A_600 = tpu.memref_slice %arg6[%add3A_557] : memref<49152xf32, #tpu.memory_space<hbm>> -> memref<256xf32, #tpu.memory_space<hbm>>
      %dma_wait3A_601 = arith.constant 0 : i32
      %dma_wait3A_602 = tpu.memref_slice %arg13[%run_scoped3A_558, %dma_wait3A_601] : memref<6x256xf32, #tpu.memory_space<vmem>> -> memref<1x256xf32, #tpu.memory_space<vmem>>
      %dma_wait3A_603 = tpu.memref_squeeze %dma_wait3A_602 : memref<1x256xf32, #tpu.memory_space<vmem>> -> memref<256xf32, #tpu.memory_space<vmem>>
      tpu.wait_dma2 semaphore(%run_scoped3A_589 : memref<!tpu.dma_semaphore, #tpu.memory_space<semaphore_mem>>) src(%dma_wait3A_603 : memref<256xf32, #tpu.memory_space<vmem>>) dst(%dma_wait3A_600 : memref<256xf32, #tpu.memory_space<hbm>>)
      tpu.yield
    }) : () -> ()
    %mul3A_559 = arith.constant 6 : i32
    %mul3A_560 = arith.muli %arg0, %mul3A_559 : i32
    %add3A_561 = arith.constant 3 : i32
    %add3A_562 = arith.addi %mul3A_560, %add3A_561 : i32
    %mul3A_563 = arith.constant 4096 : i32
    %mul3A_564 = arith.muli %add3A_562, %mul3A_563 : i32
    %mul3A_565 = arith.constant 256 : i32
    %mul3A_566 = arith.muli %arg1, %mul3A_565 : i32
    %add3A_567 = arith.addi %mul3A_564, %mul3A_566 : i32
    %run_scoped3A_568 = arith.constant 3 : i32
    "tpu.region"() ({
      %run_scoped3A_589 = tpu.sem_alloc : memref<!tpu.dma_semaphore, #tpu.memory_space<semaphore_mem>>
      %dma_start3A = arith.constant 0 : i32
      %dma_start3A_590 = tpu.memref_slice %arg13[%run_scoped3A_568, %dma_start3A] : memref<6x256xf32, #tpu.memory_space<vmem>> -> memref<1x256xf32, #tpu.memory_space<vmem>>
      %dma_start3A_591 = tpu.memref_squeeze %dma_start3A_590 : memref<1x256xf32, #tpu.memory_space<vmem>> -> memref<256xf32, #tpu.memory_space<vmem>>
      %dma_start3A_592 = tpu.memref_slice %arg6[%add3A_567] : memref<49152xf32, #tpu.memory_space<hbm>> -> memref<256xf32, #tpu.memory_space<hbm>>
      %dma_start3A_593 = tpu.memref_slice %arg6[%add3A_567] : memref<49152xf32, #tpu.memory_space<hbm>> -> memref<256xf32, #tpu.memory_space<hbm>>
      %dma_start3A_594 = arith.constant 0 : i32
      %dma_start3A_595 = tpu.memref_slice %arg13[%run_scoped3A_568, %dma_start3A_594] : memref<6x256xf32, #tpu.memory_space<vmem>> -> memref<1x256xf32, #tpu.memory_space<vmem>>
      %dma_start3A_596 = tpu.memref_squeeze %dma_start3A_595 : memref<1x256xf32, #tpu.memory_space<vmem>> -> memref<256xf32, #tpu.memory_space<vmem>>
      tpu.enqueue_dma source(%dma_start3A_596 : memref<256xf32, #tpu.memory_space<vmem>>) target(%dma_start3A_593 : memref<256xf32, #tpu.memory_space<hbm>>) target_semaphore(%run_scoped3A_589 : memref<!tpu.dma_semaphore, #tpu.memory_space<semaphore_mem>>)
      %dma_wait3A = arith.constant 0 : i32
      %dma_wait3A_597 = tpu.memref_slice %arg13[%run_scoped3A_568, %dma_wait3A] : memref<6x256xf32, #tpu.memory_space<vmem>> -> memref<1x256xf32, #tpu.memory_space<vmem>>
      %dma_wait3A_598 = tpu.memref_squeeze %dma_wait3A_597 : memref<1x256xf32, #tpu.memory_space<vmem>> -> memref<256xf32, #tpu.memory_space<vmem>>
      %dma_wait3A_599 = tpu.memref_slice %arg6[%add3A_567] : memref<49152xf32, #tpu.memory_space<hbm>> -> memref<256xf32, #tpu.memory_space<hbm>>
      %dma_wait3A_600 = tpu.memref_slice %arg6[%add3A_567] : memref<49152xf32, #tpu.memory_space<hbm>> -> memref<256xf32, #tpu.memory_space<hbm>>
      %dma_wait3A_601 = arith.constant 0 : i32
      %dma_wait3A_602 = tpu.memref_slice %arg13[%run_scoped3A_568, %dma_wait3A_601] : memref<6x256xf32, #tpu.memory_space<vmem>> -> memref<1x256xf32, #tpu.memory_space<vmem>>
      %dma_wait3A_603 = tpu.memref_squeeze %dma_wait3A_602 : memref<1x256xf32, #tpu.memory_space<vmem>> -> memref<256xf32, #tpu.memory_space<vmem>>
      tpu.wait_dma2 semaphore(%run_scoped3A_589 : memref<!tpu.dma_semaphore, #tpu.memory_space<semaphore_mem>>) src(%dma_wait3A_603 : memref<256xf32, #tpu.memory_space<vmem>>) dst(%dma_wait3A_600 : memref<256xf32, #tpu.memory_space<hbm>>)
      tpu.yield
    }) : () -> ()
    %mul3A_569 = arith.constant 6 : i32
    %mul3A_570 = arith.muli %arg0, %mul3A_569 : i32
    %add3A_571 = arith.constant 4 : i32
    %add3A_572 = arith.addi %mul3A_570, %add3A_571 : i32
    %mul3A_573 = arith.constant 4096 : i32
    %mul3A_574 = arith.muli %add3A_572, %mul3A_573 : i32
    %mul3A_575 = arith.constant 256 : i32
    %mul3A_576 = arith.muli %arg1, %mul3A_575 : i32
    %add3A_577 = arith.addi %mul3A_574, %mul3A_576 : i32
    %run_scoped3A_578 = arith.constant 4 : i32
    "tpu.region"() ({
      %run_scoped3A_589 = tpu.sem_alloc : memref<!tpu.dma_semaphore, #tpu.memory_space<semaphore_mem>>
      %dma_start3A = arith.constant 0 : i32
      %dma_start3A_590 = tpu.memref_slice %arg13[%run_scoped3A_578, %dma_start3A] : memref<6x256xf32, #tpu.memory_space<vmem>> -> memref<1x256xf32, #tpu.memory_space<vmem>>
      %dma_start3A_591 = tpu.memref_squeeze %dma_start3A_590 : memref<1x256xf32, #tpu.memory_space<vmem>> -> memref<256xf32, #tpu.memory_space<vmem>>
      %dma_start3A_592 = tpu.memref_slice %arg6[%add3A_577] : memref<49152xf32, #tpu.memory_space<hbm>> -> memref<256xf32, #tpu.memory_space<hbm>>
      %dma_start3A_593 = tpu.memref_slice %arg6[%add3A_577] : memref<49152xf32, #tpu.memory_space<hbm>> -> memref<256xf32, #tpu.memory_space<hbm>>
      %dma_start3A_594 = arith.constant 0 : i32
      %dma_start3A_595 = tpu.memref_slice %arg13[%run_scoped3A_578, %dma_start3A_594] : memref<6x256xf32, #tpu.memory_space<vmem>> -> memref<1x256xf32, #tpu.memory_space<vmem>>
      %dma_start3A_596 = tpu.memref_squeeze %dma_start3A_595 : memref<1x256xf32, #tpu.memory_space<vmem>> -> memref<256xf32, #tpu.memory_space<vmem>>
      tpu.enqueue_dma source(%dma_start3A_596 : memref<256xf32, #tpu.memory_space<vmem>>) target(%dma_start3A_593 : memref<256xf32, #tpu.memory_space<hbm>>) target_semaphore(%run_scoped3A_589 : memref<!tpu.dma_semaphore, #tpu.memory_space<semaphore_mem>>)
      %dma_wait3A = arith.constant 0 : i32
      %dma_wait3A_597 = tpu.memref_slice %arg13[%run_scoped3A_578, %dma_wait3A] : memref<6x256xf32, #tpu.memory_space<vmem>> -> memref<1x256xf32, #tpu.memory_space<vmem>>
      %dma_wait3A_598 = tpu.memref_squeeze %dma_wait3A_597 : memref<1x256xf32, #tpu.memory_space<vmem>> -> memref<256xf32, #tpu.memory_space<vmem>>
      %dma_wait3A_599 = tpu.memref_slice %arg6[%add3A_577] : memref<49152xf32, #tpu.memory_space<hbm>> -> memref<256xf32, #tpu.memory_space<hbm>>
      %dma_wait3A_600 = tpu.memref_slice %arg6[%add3A_577] : memref<49152xf32, #tpu.memory_space<hbm>> -> memref<256xf32, #tpu.memory_space<hbm>>
      %dma_wait3A_601 = arith.constant 0 : i32
      %dma_wait3A_602 = tpu.memref_slice %arg13[%run_scoped3A_578, %dma_wait3A_601] : memref<6x256xf32, #tpu.memory_space<vmem>> -> memref<1x256xf32, #tpu.memory_space<vmem>>
      %dma_wait3A_603 = tpu.memref_squeeze %dma_wait3A_602 : memref<1x256xf32, #tpu.memory_space<vmem>> -> memref<256xf32, #tpu.memory_space<vmem>>
      tpu.wait_dma2 semaphore(%run_scoped3A_589 : memref<!tpu.dma_semaphore, #tpu.memory_space<semaphore_mem>>) src(%dma_wait3A_603 : memref<256xf32, #tpu.memory_space<vmem>>) dst(%dma_wait3A_600 : memref<256xf32, #tpu.memory_space<hbm>>)
      tpu.yield
    }) : () -> ()
    %mul3A_579 = arith.constant 6 : i32
    %mul3A_580 = arith.muli %arg0, %mul3A_579 : i32
    %add3A_581 = arith.constant 5 : i32
    %add3A_582 = arith.addi %mul3A_580, %add3A_581 : i32
    %mul3A_583 = arith.constant 4096 : i32
    %mul3A_584 = arith.muli %add3A_582, %mul3A_583 : i32
    %mul3A_585 = arith.constant 256 : i32
    %mul3A_586 = arith.muli %arg1, %mul3A_585 : i32
    %add3A_587 = arith.addi %mul3A_584, %mul3A_586 : i32
    %run_scoped3A_588 = arith.constant 5 : i32
    "tpu.region"() ({
      %run_scoped3A_589 = tpu.sem_alloc : memref<!tpu.dma_semaphore, #tpu.memory_space<semaphore_mem>>
      %dma_start3A = arith.constant 0 : i32
      %dma_start3A_590 = tpu.memref_slice %arg13[%run_scoped3A_588, %dma_start3A] : memref<6x256xf32, #tpu.memory_space<vmem>> -> memref<1x256xf32, #tpu.memory_space<vmem>>
      %dma_start3A_591 = tpu.memref_squeeze %dma_start3A_590 : memref<1x256xf32, #tpu.memory_space<vmem>> -> memref<256xf32, #tpu.memory_space<vmem>>
      %dma_start3A_592 = tpu.memref_slice %arg6[%add3A_587] : memref<49152xf32, #tpu.memory_space<hbm>> -> memref<256xf32, #tpu.memory_space<hbm>>
      %dma_start3A_593 = tpu.memref_slice %arg6[%add3A_587] : memref<49152xf32, #tpu.memory_space<hbm>> -> memref<256xf32, #tpu.memory_space<hbm>>
      %dma_start3A_594 = arith.constant 0 : i32
      %dma_start3A_595 = tpu.memref_slice %arg13[%run_scoped3A_588, %dma_start3A_594] : memref<6x256xf32, #tpu.memory_space<vmem>> -> memref<1x256xf32, #tpu.memory_space<vmem>>
      %dma_start3A_596 = tpu.memref_squeeze %dma_start3A_595 : memref<1x256xf32, #tpu.memory_space<vmem>> -> memref<256xf32, #tpu.memory_space<vmem>>
      tpu.enqueue_dma source(%dma_start3A_596 : memref<256xf32, #tpu.memory_space<vmem>>) target(%dma_start3A_593 : memref<256xf32, #tpu.memory_space<hbm>>) target_semaphore(%run_scoped3A_589 : memref<!tpu.dma_semaphore, #tpu.memory_space<semaphore_mem>>)
      %dma_wait3A = arith.constant 0 : i32
      %dma_wait3A_597 = tpu.memref_slice %arg13[%run_scoped3A_588, %dma_wait3A] : memref<6x256xf32, #tpu.memory_space<vmem>> -> memref<1x256xf32, #tpu.memory_space<vmem>>
      %dma_wait3A_598 = tpu.memref_squeeze %dma_wait3A_597 : memref<1x256xf32, #tpu.memory_space<vmem>> -> memref<256xf32, #tpu.memory_space<vmem>>
      %dma_wait3A_599 = tpu.memref_slice %arg6[%add3A_587] : memref<49152xf32, #tpu.memory_space<hbm>> -> memref<256xf32, #tpu.memory_space<hbm>>
      %dma_wait3A_600 = tpu.memref_slice %arg6[%add3A_587] : memref<49152xf32, #tpu.memory_space<hbm>> -> memref<256xf32, #tpu.memory_space<hbm>>
      %dma_wait3A_601 = arith.constant 0 : i32
      %dma_wait3A_602 = tpu.memref_slice %arg13[%run_scoped3A_588, %dma_wait3A_601] : memref<6x256xf32, #tpu.memory_space<vmem>> -> memref<1x256xf32, #tpu.memory_space<vmem>>
      %dma_wait3A_603 = tpu.memref_squeeze %dma_wait3A_602 : memref<1x256xf32, #tpu.memory_space<vmem>> -> memref<256xf32, #tpu.memory_space<vmem>>
      tpu.wait_dma2 semaphore(%run_scoped3A_589 : memref<!tpu.dma_semaphore, #tpu.memory_space<semaphore_mem>>) src(%dma_wait3A_603 : memref<256xf32, #tpu.memory_space<vmem>>) dst(%dma_wait3A_600 : memref<256xf32, #tpu.memory_space<hbm>>)
      tpu.yield
    }) : () -> ()
    return
  }
}

module attributes {stable_mosaic.version = 14 : i64} {
  func.func @_tc_nms(%arg0: memref<2x6x32x128xf32, #tpu.memory_space<vmem>>, %arg1: memref<2x4x300xf32, #tpu.memory_space<smem>>) attributes {dimension_semantics = [], scalar_prefetch = 0 : i64, scratch_operands = 0 : i64, tpu.core_type = #tpu.core_type<tc>} {
    %get3A = arith.constant 0 : index
    %get3A_0 = arith.constant 0 : index
    %get3A_1 = arith.constant 0 : index
    %get3A_2 = arith.constant 0 : index
    %get3A_3 = vector.load %arg0[%get3A, %get3A_0, %get3A_1, %get3A_2] : memref<2x6x32x128xf32, #tpu.memory_space<vmem>>, vector<1x1x32x128xf32>
    %get3A_4 = vector.shape_cast %get3A_3 : vector<1x1x32x128xf32> to vector<32x128xf32>
    %get3A_5 = arith.constant 1 : index
    %get3A_6 = arith.constant 0 : index
    %get3A_7 = arith.constant 0 : index
    %get3A_8 = arith.constant 0 : index
    %get3A_9 = vector.load %arg0[%get3A_5, %get3A_6, %get3A_7, %get3A_8] : memref<2x6x32x128xf32, #tpu.memory_space<vmem>>, vector<1x1x32x128xf32>
    %get3A_10 = vector.shape_cast %get3A_9 : vector<1x1x32x128xf32> to vector<32x128xf32>
    %get3A_11 = arith.constant 0 : index
    %get3A_12 = arith.constant 1 : index
    %get3A_13 = arith.constant 0 : index
    %get3A_14 = arith.constant 0 : index
    %get3A_15 = vector.load %arg0[%get3A_11, %get3A_12, %get3A_13, %get3A_14] : memref<2x6x32x128xf32, #tpu.memory_space<vmem>>, vector<1x1x32x128xf32>
    %get3A_16 = vector.shape_cast %get3A_15 : vector<1x1x32x128xf32> to vector<32x128xf32>
    %get3A_17 = arith.constant 1 : index
    %get3A_18 = arith.constant 1 : index
    %get3A_19 = arith.constant 0 : index
    %get3A_20 = arith.constant 0 : index
    %get3A_21 = vector.load %arg0[%get3A_17, %get3A_18, %get3A_19, %get3A_20] : memref<2x6x32x128xf32, #tpu.memory_space<vmem>>, vector<1x1x32x128xf32>
    %get3A_22 = vector.shape_cast %get3A_21 : vector<1x1x32x128xf32> to vector<32x128xf32>
    %get3A_23 = arith.constant 0 : index
    %get3A_24 = arith.constant 2 : index
    %get3A_25 = arith.constant 0 : index
    %get3A_26 = arith.constant 0 : index
    %get3A_27 = vector.load %arg0[%get3A_23, %get3A_24, %get3A_25, %get3A_26] : memref<2x6x32x128xf32, #tpu.memory_space<vmem>>, vector<1x1x32x128xf32>
    %get3A_28 = vector.shape_cast %get3A_27 : vector<1x1x32x128xf32> to vector<32x128xf32>
    %get3A_29 = arith.constant 1 : index
    %get3A_30 = arith.constant 2 : index
    %get3A_31 = arith.constant 0 : index
    %get3A_32 = arith.constant 0 : index
    %get3A_33 = vector.load %arg0[%get3A_29, %get3A_30, %get3A_31, %get3A_32] : memref<2x6x32x128xf32, #tpu.memory_space<vmem>>, vector<1x1x32x128xf32>
    %get3A_34 = vector.shape_cast %get3A_33 : vector<1x1x32x128xf32> to vector<32x128xf32>
    %get3A_35 = arith.constant 0 : index
    %get3A_36 = arith.constant 3 : index
    %get3A_37 = arith.constant 0 : index
    %get3A_38 = arith.constant 0 : index
    %get3A_39 = vector.load %arg0[%get3A_35, %get3A_36, %get3A_37, %get3A_38] : memref<2x6x32x128xf32, #tpu.memory_space<vmem>>, vector<1x1x32x128xf32>
    %get3A_40 = vector.shape_cast %get3A_39 : vector<1x1x32x128xf32> to vector<32x128xf32>
    %get3A_41 = arith.constant 1 : index
    %get3A_42 = arith.constant 3 : index
    %get3A_43 = arith.constant 0 : index
    %get3A_44 = arith.constant 0 : index
    %get3A_45 = vector.load %arg0[%get3A_41, %get3A_42, %get3A_43, %get3A_44] : memref<2x6x32x128xf32, #tpu.memory_space<vmem>>, vector<1x1x32x128xf32>
    %get3A_46 = vector.shape_cast %get3A_45 : vector<1x1x32x128xf32> to vector<32x128xf32>
    %get3A_47 = arith.constant 0 : index
    %get3A_48 = arith.constant 4 : index
    %get3A_49 = arith.constant 0 : index
    %get3A_50 = arith.constant 0 : index
    %get3A_51 = vector.load %arg0[%get3A_47, %get3A_48, %get3A_49, %get3A_50] : memref<2x6x32x128xf32, #tpu.memory_space<vmem>>, vector<1x1x32x128xf32>
    %get3A_52 = vector.shape_cast %get3A_51 : vector<1x1x32x128xf32> to vector<32x128xf32>
    %get3A_53 = arith.constant 1 : index
    %get3A_54 = arith.constant 4 : index
    %get3A_55 = arith.constant 0 : index
    %get3A_56 = arith.constant 0 : index
    %get3A_57 = vector.load %arg0[%get3A_53, %get3A_54, %get3A_55, %get3A_56] : memref<2x6x32x128xf32, #tpu.memory_space<vmem>>, vector<1x1x32x128xf32>
    %get3A_58 = vector.shape_cast %get3A_57 : vector<1x1x32x128xf32> to vector<32x128xf32>
    %sub3A = arith.subf %get3A_28, %get3A_4 : vector<32x128xf32>
    %add3A = arith.constant 1.000000e+00 : f32
    %add3A_59 = vector.broadcast %add3A : f32 to vector<32x128xf32>
    %add3A_60 = arith.addf %sub3A, %add3A_59 : vector<32x128xf32>
    %sub3A_61 = arith.subf %get3A_40, %get3A_16 : vector<32x128xf32>
    %add3A_62 = arith.constant 1.000000e+00 : f32
    %add3A_63 = vector.broadcast %add3A_62 : f32 to vector<32x128xf32>
    %add3A_64 = arith.addf %sub3A_61, %add3A_63 : vector<32x128xf32>
    %mul3A = arith.mulf %add3A_60, %add3A_64 : vector<32x128xf32>
    %sub3A_65 = arith.subf %get3A_34, %get3A_10 : vector<32x128xf32>
    %add3A_66 = arith.constant 1.000000e+00 : f32
    %add3A_67 = vector.broadcast %add3A_66 : f32 to vector<32x128xf32>
    %add3A_68 = arith.addf %sub3A_65, %add3A_67 : vector<32x128xf32>
    %sub3A_69 = arith.subf %get3A_46, %get3A_22 : vector<32x128xf32>
    %add3A_70 = arith.constant 1.000000e+00 : f32
    %add3A_71 = vector.broadcast %add3A_70 : f32 to vector<32x128xf32>
    %add3A_72 = arith.addf %sub3A_69, %add3A_71 : vector<32x128xf32>
    %mul3A_73 = arith.mulf %add3A_68, %add3A_72 : vector<32x128xf32>
    %iota3A = tpu.iota {dimensions = array<i32: 1>} : vector<1x128xi32>
    %iota3A_74 = tpu.iota {dimensions = array<i32: 0>} : vector<32x128xi32>
    %mul3A_75 = arith.constant 128 : i32
    %mul3A_76 = vector.broadcast %mul3A_75 : i32 to vector<32x128xi32>
    %mul3A_77 = arith.muli %iota3A_74, %mul3A_76 : vector<32x128xi32>
    %iota3A_78 = tpu.iota {dimensions = array<i32: 1>} : vector<32x128xi32>
    %add3A_79 = arith.addi %mul3A_77, %iota3A_78 : vector<32x128xi32>
    %convert_element_type3A = arith.sitofp %add3A_79 : vector<32x128xi32> to vector<32x128xf32>
    %scan3A = arith.constant 0 : i32
    %scan3A_80 = arith.constant 300 : i32
    %scan3A_81 = arith.addi %scan3A, %scan3A_80 : i32
    %scan3A_82 = arith.constant 1 : i32
    %scan3A_83:2 = scf.for %scan3A_85 = %scan3A to %scan3A_81 step %scan3A_82 iter_args(%scan3A_86 = %get3A_52, %scan3A_87 = %get3A_58) -> (vector<32x128xf32>, vector<32x128xf32>)  : i32 {
      %reduce_max3A = vector.shape_cast %scan3A_86 : vector<32x128xf32> to vector<1x32x128xf32>
      %reduce_max3A_88 = arith.constant dense<0xFF800000> : vector<1xf32>
      %reduce_max3A_89 = vector.multi_reduction <maximumf>, %reduce_max3A, %reduce_max3A_88 [1, 2] : vector<1x32x128xf32> to vector<1xf32>
      %reduce_max3A_90 = vector.shape_cast %reduce_max3A_89 : vector<1xf32> to vector<1x1x1xf32>
      %reduce_max3A_91 = vector.extract %reduce_max3A_90[0, 0, 0] : f32 from vector<1x1x1xf32>
      %eq3A = vector.broadcast %reduce_max3A_91 : f32 to vector<32x128xf32>
      %eq3A_92 = arith.cmpf oeq, %scan3A_86, %eq3A : vector<32x128xf32>
      %jit3A = arith.constant 8.192000e+03 : f32
      %broadcast_in_dim3A = vector.broadcast %jit3A : f32 to vector<32x128xf32>
      %select_n3A = arith.select %eq3A_92, %convert_element_type3A, %broadcast_in_dim3A : vector<32x128xi1>, vector<32x128xf32>
      %reduce_min3A = vector.shape_cast %select_n3A : vector<32x128xf32> to vector<1x32x128xf32>
      %reduce_min3A_93 = arith.constant dense<0x7F800000> : vector<1xf32>
      %reduce_min3A_94 = vector.multi_reduction <minimumf>, %reduce_min3A, %reduce_min3A_93 [1, 2] : vector<1x32x128xf32> to vector<1xf32>
      %reduce_min3A_95 = vector.shape_cast %reduce_min3A_94 : vector<1xf32> to vector<1x1x1xf32>
      %reduce_min3A_96 = vector.extract %reduce_min3A_95[0, 0, 0] : f32 from vector<1x1x1xf32>
      %convert_element_type3A_97 = arith.fptosi %reduce_min3A_96 : f32 to i32
      %min3A = arith.constant 4095 : i32
      %min3A_98 = arith.minsi %convert_element_type3A_97, %min3A : i32
      %jit3A_99 = arith.constant 128 : i32
      %div3A = arith.divsi %min3A_98, %jit3A_99 : i32
      %sign3A = arith.constant 0 : i32
      %sign3A_100 = arith.cmpi sgt, %min3A_98, %sign3A : i32
      %sign3A_101 = arith.extui %sign3A_100 : i1 to i32
      %sign3A_102 = arith.constant 0 : i32
      %sign3A_103 = arith.cmpi slt, %min3A_98, %sign3A_102 : i32
      %sign3A_104 = arith.extui %sign3A_103 : i1 to i32
      %sign3A_105 = arith.subi %sign3A_101, %sign3A_104 : i32
      %sign3A_106 = arith.constant 0 : i32
      %sign3A_107 = arith.cmpi sgt, %jit3A_99, %sign3A_106 : i32
      %sign3A_108 = arith.extui %sign3A_107 : i1 to i32
      %sign3A_109 = arith.constant 0 : i32
      %sign3A_110 = arith.cmpi slt, %jit3A_99, %sign3A_109 : i32
      %sign3A_111 = arith.extui %sign3A_110 : i1 to i32
      %sign3A_112 = arith.subi %sign3A_108, %sign3A_111 : i32
      %ne3A = arith.cmpi ne, %sign3A_105, %sign3A_112 : i32
      %rem3A = arith.remsi %min3A_98, %jit3A_99 : i32
      %ne3A_113 = arith.constant 0 : i32
      %ne3A_114 = arith.cmpi ne, %rem3A, %ne3A_113 : i32
      %and3A = arith.andi %ne3A, %ne3A_114 : i1
      %sub3A_115 = arith.constant 1 : i32
      %sub3A_116 = arith.subi %div3A, %sub3A_115 : i32
      %select_n3A_117 = arith.select %and3A, %sub3A_116, %div3A : i32
      %jit3A_118 = arith.constant 128 : i32
      %eq3A_119 = arith.constant 0 : i32
      %eq3A_120 = arith.cmpi eq, %jit3A_118, %eq3A_119 : i32
      %jit3A_121 = arith.constant 1 : i32
      %select_n3A_122 = arith.select %eq3A_120, %jit3A_121, %jit3A_118 : i32
      %rem3A_123 = arith.remsi %min3A_98, %select_n3A_122 : i32
      %ne3A_124 = arith.constant 0 : i32
      %ne3A_125 = arith.cmpi ne, %rem3A_123, %ne3A_124 : i32
      %lt3A = arith.constant 0 : i32
      %lt3A_126 = arith.cmpi slt, %rem3A_123, %lt3A : i32
      %lt3A_127 = arith.constant 0 : i32
      %lt3A_128 = arith.cmpi slt, %select_n3A_122, %lt3A_127 : i32
      %ne3A_129 = arith.xori %lt3A_126, %lt3A_128 : i1
      %and3A_130 = arith.andi %ne3A_129, %ne3A_125 : i1
      %add3A_131 = arith.addi %rem3A_123, %select_n3A_122 : i32
      %select_n3A_132 = arith.select %and3A_130, %add3A_131, %rem3A_123 : i32
      %eq3A_133 = vector.broadcast %select_n3A_132 : i32 to vector<1x128xi32>
      %eq3A_134 = arith.cmpi eq, %iota3A, %eq3A_133 : vector<1x128xi32>
      %get3A_135 = arith.constant 0 : index
      %get3A_136 = arith.constant 0 : index
      %get3A_137 = arith.index_cast %select_n3A_117 : i32 to index
      %get3A_138 = arith.constant 0 : index
      %get3A_139 = vector.load %arg0[%get3A_135, %get3A_136, %get3A_137, %get3A_138] : memref<2x6x32x128xf32, #tpu.memory_space<vmem>>, vector<1x1x1x128xf32>
      %get3A_140 = vector.shape_cast %get3A_139 : vector<1x1x1x128xf32> to vector<1x128xf32>
      %jit3A_141 = arith.constant -3.000000e+38 : f32
      %broadcast_in_dim3A_142 = vector.broadcast %jit3A_141 : f32 to vector<1x128xf32>
      %select_n3A_143 = arith.select %eq3A_134, %get3A_140, %broadcast_in_dim3A_142 : vector<1x128xi1>, vector<1x128xf32>
      %reduce_max3A_144 = vector.shape_cast %select_n3A_143 : vector<1x128xf32> to vector<1x1x128xf32>
      %reduce_max3A_145 = arith.constant dense<0xFF800000> : vector<1xf32>
      %reduce_max3A_146 = vector.multi_reduction <maximumf>, %reduce_max3A_144, %reduce_max3A_145 [1, 2] : vector<1x1x128xf32> to vector<1xf32>
      %reduce_max3A_147 = vector.shape_cast %reduce_max3A_146 : vector<1xf32> to vector<1x1x1xf32>
      %reduce_max3A_148 = vector.extract %reduce_max3A_147[0, 0, 0] : f32 from vector<1x1x1xf32>
      %get3A_149 = arith.constant 0 : index
      %get3A_150 = arith.constant 1 : index
      %get3A_151 = arith.index_cast %select_n3A_117 : i32 to index
      %get3A_152 = arith.constant 0 : index
      %get3A_153 = vector.load %arg0[%get3A_149, %get3A_150, %get3A_151, %get3A_152] : memref<2x6x32x128xf32, #tpu.memory_space<vmem>>, vector<1x1x1x128xf32>
      %get3A_154 = vector.shape_cast %get3A_153 : vector<1x1x1x128xf32> to vector<1x128xf32>
      %jit3A_155 = arith.constant -3.000000e+38 : f32
      %broadcast_in_dim3A_156 = vector.broadcast %jit3A_155 : f32 to vector<1x128xf32>
      %select_n3A_157 = arith.select %eq3A_134, %get3A_154, %broadcast_in_dim3A_156 : vector<1x128xi1>, vector<1x128xf32>
      %reduce_max3A_158 = vector.shape_cast %select_n3A_157 : vector<1x128xf32> to vector<1x1x128xf32>
      %reduce_max3A_159 = arith.constant dense<0xFF800000> : vector<1xf32>
      %reduce_max3A_160 = vector.multi_reduction <maximumf>, %reduce_max3A_158, %reduce_max3A_159 [1, 2] : vector<1x1x128xf32> to vector<1xf32>
      %reduce_max3A_161 = vector.shape_cast %reduce_max3A_160 : vector<1xf32> to vector<1x1x1xf32>
      %reduce_max3A_162 = vector.extract %reduce_max3A_161[0, 0, 0] : f32 from vector<1x1x1xf32>
      %get3A_163 = arith.constant 0 : index
      %get3A_164 = arith.constant 2 : index
      %get3A_165 = arith.index_cast %select_n3A_117 : i32 to index
      %get3A_166 = arith.constant 0 : index
      %get3A_167 = vector.load %arg0[%get3A_163, %get3A_164, %get3A_165, %get3A_166] : memref<2x6x32x128xf32, #tpu.memory_space<vmem>>, vector<1x1x1x128xf32>
      %get3A_168 = vector.shape_cast %get3A_167 : vector<1x1x1x128xf32> to vector<1x128xf32>
      %jit3A_169 = arith.constant -3.000000e+38 : f32
      %broadcast_in_dim3A_170 = vector.broadcast %jit3A_169 : f32 to vector<1x128xf32>
      %select_n3A_171 = arith.select %eq3A_134, %get3A_168, %broadcast_in_dim3A_170 : vector<1x128xi1>, vector<1x128xf32>
      %reduce_max3A_172 = vector.shape_cast %select_n3A_171 : vector<1x128xf32> to vector<1x1x128xf32>
      %reduce_max3A_173 = arith.constant dense<0xFF800000> : vector<1xf32>
      %reduce_max3A_174 = vector.multi_reduction <maximumf>, %reduce_max3A_172, %reduce_max3A_173 [1, 2] : vector<1x1x128xf32> to vector<1xf32>
      %reduce_max3A_175 = vector.shape_cast %reduce_max3A_174 : vector<1xf32> to vector<1x1x1xf32>
      %reduce_max3A_176 = vector.extract %reduce_max3A_175[0, 0, 0] : f32 from vector<1x1x1xf32>
      %get3A_177 = arith.constant 0 : index
      %get3A_178 = arith.constant 3 : index
      %get3A_179 = arith.index_cast %select_n3A_117 : i32 to index
      %get3A_180 = arith.constant 0 : index
      %get3A_181 = vector.load %arg0[%get3A_177, %get3A_178, %get3A_179, %get3A_180] : memref<2x6x32x128xf32, #tpu.memory_space<vmem>>, vector<1x1x1x128xf32>
      %get3A_182 = vector.shape_cast %get3A_181 : vector<1x1x1x128xf32> to vector<1x128xf32>
      %jit3A_183 = arith.constant -3.000000e+38 : f32
      %broadcast_in_dim3A_184 = vector.broadcast %jit3A_183 : f32 to vector<1x128xf32>
      %select_n3A_185 = arith.select %eq3A_134, %get3A_182, %broadcast_in_dim3A_184 : vector<1x128xi1>, vector<1x128xf32>
      %reduce_max3A_186 = vector.shape_cast %select_n3A_185 : vector<1x128xf32> to vector<1x1x128xf32>
      %reduce_max3A_187 = arith.constant dense<0xFF800000> : vector<1xf32>
      %reduce_max3A_188 = vector.multi_reduction <maximumf>, %reduce_max3A_186, %reduce_max3A_187 [1, 2] : vector<1x1x128xf32> to vector<1xf32>
      %reduce_max3A_189 = vector.shape_cast %reduce_max3A_188 : vector<1xf32> to vector<1x1x1xf32>
      %reduce_max3A_190 = vector.extract %reduce_max3A_189[0, 0, 0] : f32 from vector<1x1x1xf32>
      %max3A = arith.constant 0.000000e+00 : f32
      %max3A_191 = arith.maximumf %reduce_max3A_148, %max3A : f32
      %swap3A = arith.constant 0 : index
      %swap3A_192 = arith.constant 0 : index
      %swap3A_193 = arith.index_cast %scan3A_85 : i32 to index
      %swap3A_194 = memref.load %arg1[%swap3A, %swap3A_192, %swap3A_193] : memref<2x4x300xf32, #tpu.memory_space<smem>>
      memref.store %max3A_191, %arg1[%swap3A, %swap3A_192, %swap3A_193] : memref<2x4x300xf32, #tpu.memory_space<smem>>
      %max3A_195 = arith.constant 0.000000e+00 : f32
      %max3A_196 = arith.maximumf %reduce_max3A_162, %max3A_195 : f32
      %swap3A_197 = arith.constant 0 : index
      %swap3A_198 = arith.constant 1 : index
      %swap3A_199 = arith.index_cast %scan3A_85 : i32 to index
      %swap3A_200 = memref.load %arg1[%swap3A_197, %swap3A_198, %swap3A_199] : memref<2x4x300xf32, #tpu.memory_space<smem>>
      memref.store %max3A_196, %arg1[%swap3A_197, %swap3A_198, %swap3A_199] : memref<2x4x300xf32, #tpu.memory_space<smem>>
      %max3A_201 = arith.constant 0.000000e+00 : f32
      %max3A_202 = arith.maximumf %reduce_max3A_176, %max3A_201 : f32
      %swap3A_203 = arith.constant 0 : index
      %swap3A_204 = arith.constant 2 : index
      %swap3A_205 = arith.index_cast %scan3A_85 : i32 to index
      %swap3A_206 = memref.load %arg1[%swap3A_203, %swap3A_204, %swap3A_205] : memref<2x4x300xf32, #tpu.memory_space<smem>>
      memref.store %max3A_202, %arg1[%swap3A_203, %swap3A_204, %swap3A_205] : memref<2x4x300xf32, #tpu.memory_space<smem>>
      %max3A_207 = arith.constant 0.000000e+00 : f32
      %max3A_208 = arith.maximumf %reduce_max3A_190, %max3A_207 : f32
      %swap3A_209 = arith.constant 0 : index
      %swap3A_210 = arith.constant 3 : index
      %swap3A_211 = arith.index_cast %scan3A_85 : i32 to index
      %swap3A_212 = memref.load %arg1[%swap3A_209, %swap3A_210, %swap3A_211] : memref<2x4x300xf32, #tpu.memory_space<smem>>
      memref.store %max3A_208, %arg1[%swap3A_209, %swap3A_210, %swap3A_211] : memref<2x4x300xf32, #tpu.memory_space<smem>>
      %sub3A_213 = arith.subf %reduce_max3A_176, %reduce_max3A_148 : f32
      %add3A_214 = arith.constant 1.000000e+00 : f32
      %add3A_215 = arith.addf %sub3A_213, %add3A_214 : f32
      %sub3A_216 = arith.subf %reduce_max3A_190, %reduce_max3A_162 : f32
      %add3A_217 = arith.constant 1.000000e+00 : f32
      %add3A_218 = arith.addf %sub3A_216, %add3A_217 : f32
      %mul3A_219 = arith.mulf %add3A_215, %add3A_218 : f32
      %min3A_220 = vector.broadcast %reduce_max3A_176 : f32 to vector<32x128xf32>
      %min3A_221 = arith.minimumf %get3A_28, %min3A_220 : vector<32x128xf32>
      %max3A_222 = vector.broadcast %reduce_max3A_148 : f32 to vector<32x128xf32>
      %max3A_223 = arith.maximumf %get3A_4, %max3A_222 : vector<32x128xf32>
      %sub3A_224 = arith.subf %min3A_221, %max3A_223 : vector<32x128xf32>
      %add3A_225 = arith.constant 1.000000e+00 : f32
      %add3A_226 = vector.broadcast %add3A_225 : f32 to vector<32x128xf32>
      %add3A_227 = arith.addf %sub3A_224, %add3A_226 : vector<32x128xf32>
      %max3A_228 = arith.constant 0.000000e+00 : f32
      %max3A_229 = vector.broadcast %max3A_228 : f32 to vector<32x128xf32>
      %max3A_230 = arith.maximumf %add3A_227, %max3A_229 : vector<32x128xf32>
      %min3A_231 = vector.broadcast %reduce_max3A_190 : f32 to vector<32x128xf32>
      %min3A_232 = arith.minimumf %get3A_40, %min3A_231 : vector<32x128xf32>
      %max3A_233 = vector.broadcast %reduce_max3A_162 : f32 to vector<32x128xf32>
      %max3A_234 = arith.maximumf %get3A_16, %max3A_233 : vector<32x128xf32>
      %sub3A_235 = arith.subf %min3A_232, %max3A_234 : vector<32x128xf32>
      %add3A_236 = arith.constant 1.000000e+00 : f32
      %add3A_237 = vector.broadcast %add3A_236 : f32 to vector<32x128xf32>
      %add3A_238 = arith.addf %sub3A_235, %add3A_237 : vector<32x128xf32>
      %max3A_239 = arith.constant 0.000000e+00 : f32
      %max3A_240 = vector.broadcast %max3A_239 : f32 to vector<32x128xf32>
      %max3A_241 = arith.maximumf %add3A_238, %max3A_240 : vector<32x128xf32>
      %mul3A_242 = arith.mulf %max3A_230, %max3A_241 : vector<32x128xf32>
      %add3A_243 = vector.broadcast %mul3A_219 : f32 to vector<32x128xf32>
      %add3A_244 = arith.addf %mul3A, %add3A_243 : vector<32x128xf32>
      %sub3A_245 = arith.subf %add3A_244, %mul3A_242 : vector<32x128xf32>
      %div3A_246 = arith.divf %mul3A_242, %sub3A_245 : vector<32x128xf32>
      %gt3A = arith.constant 0.699999988 : f32
      %gt3A_247 = vector.broadcast %gt3A : f32 to vector<32x128xf32>
      %gt3A_248 = arith.cmpf ogt, %div3A_246, %gt3A_247 : vector<32x128xf32>
      %jit3A_249 = arith.constant -3.000000e+38 : f32
      %broadcast_in_dim3A_250 = vector.broadcast %jit3A_249 : f32 to vector<32x128xf32>
      %select_n3A_251 = arith.select %gt3A_248, %broadcast_in_dim3A_250, %scan3A_86 : vector<32x128xi1>, vector<32x128xf32>
      %reduce_max3A_252 = vector.shape_cast %scan3A_87 : vector<32x128xf32> to vector<1x32x128xf32>
      %reduce_max3A_253 = arith.constant dense<0xFF800000> : vector<1xf32>
      %reduce_max3A_254 = vector.multi_reduction <maximumf>, %reduce_max3A_252, %reduce_max3A_253 [1, 2] : vector<1x32x128xf32> to vector<1xf32>
      %reduce_max3A_255 = vector.shape_cast %reduce_max3A_254 : vector<1xf32> to vector<1x1x1xf32>
      %reduce_max3A_256 = vector.extract %reduce_max3A_255[0, 0, 0] : f32 from vector<1x1x1xf32>
      %eq3A_257 = vector.broadcast %reduce_max3A_256 : f32 to vector<32x128xf32>
      %eq3A_258 = arith.cmpf oeq, %scan3A_87, %eq3A_257 : vector<32x128xf32>
      %jit3A_259 = arith.constant 8.192000e+03 : f32
      %broadcast_in_dim3A_260 = vector.broadcast %jit3A_259 : f32 to vector<32x128xf32>
      %select_n3A_261 = arith.select %eq3A_258, %convert_element_type3A, %broadcast_in_dim3A_260 : vector<32x128xi1>, vector<32x128xf32>
      %reduce_min3A_262 = vector.shape_cast %select_n3A_261 : vector<32x128xf32> to vector<1x32x128xf32>
      %reduce_min3A_263 = arith.constant dense<0x7F800000> : vector<1xf32>
      %reduce_min3A_264 = vector.multi_reduction <minimumf>, %reduce_min3A_262, %reduce_min3A_263 [1, 2] : vector<1x32x128xf32> to vector<1xf32>
      %reduce_min3A_265 = vector.shape_cast %reduce_min3A_264 : vector<1xf32> to vector<1x1x1xf32>
      %reduce_min3A_266 = vector.extract %reduce_min3A_265[0, 0, 0] : f32 from vector<1x1x1xf32>
      %convert_element_type3A_267 = arith.fptosi %reduce_min3A_266 : f32 to i32
      %min3A_268 = arith.constant 4095 : i32
      %min3A_269 = arith.minsi %convert_element_type3A_267, %min3A_268 : i32
      %jit3A_270 = arith.constant 128 : i32
      %div3A_271 = arith.divsi %min3A_269, %jit3A_270 : i32
      %sign3A_272 = arith.constant 0 : i32
      %sign3A_273 = arith.cmpi sgt, %min3A_269, %sign3A_272 : i32
      %sign3A_274 = arith.extui %sign3A_273 : i1 to i32
      %sign3A_275 = arith.constant 0 : i32
      %sign3A_276 = arith.cmpi slt, %min3A_269, %sign3A_275 : i32
      %sign3A_277 = arith.extui %sign3A_276 : i1 to i32
      %sign3A_278 = arith.subi %sign3A_274, %sign3A_277 : i32
      %sign3A_279 = arith.constant 0 : i32
      %sign3A_280 = arith.cmpi sgt, %jit3A_270, %sign3A_279 : i32
      %sign3A_281 = arith.extui %sign3A_280 : i1 to i32
      %sign3A_282 = arith.constant 0 : i32
      %sign3A_283 = arith.cmpi slt, %jit3A_270, %sign3A_282 : i32
      %sign3A_284 = arith.extui %sign3A_283 : i1 to i32
      %sign3A_285 = arith.subi %sign3A_281, %sign3A_284 : i32
      %ne3A_286 = arith.cmpi ne, %sign3A_278, %sign3A_285 : i32
      %rem3A_287 = arith.remsi %min3A_269, %jit3A_270 : i32
      %ne3A_288 = arith.constant 0 : i32
      %ne3A_289 = arith.cmpi ne, %rem3A_287, %ne3A_288 : i32
      %and3A_290 = arith.andi %ne3A_286, %ne3A_289 : i1
      %sub3A_291 = arith.constant 1 : i32
      %sub3A_292 = arith.subi %div3A_271, %sub3A_291 : i32
      %select_n3A_293 = arith.select %and3A_290, %sub3A_292, %div3A_271 : i32
      %jit3A_294 = arith.constant 128 : i32
      %eq3A_295 = arith.constant 0 : i32
      %eq3A_296 = arith.cmpi eq, %jit3A_294, %eq3A_295 : i32
      %jit3A_297 = arith.constant 1 : i32
      %select_n3A_298 = arith.select %eq3A_296, %jit3A_297, %jit3A_294 : i32
      %rem3A_299 = arith.remsi %min3A_269, %select_n3A_298 : i32
      %ne3A_300 = arith.constant 0 : i32
      %ne3A_301 = arith.cmpi ne, %rem3A_299, %ne3A_300 : i32
      %lt3A_302 = arith.constant 0 : i32
      %lt3A_303 = arith.cmpi slt, %rem3A_299, %lt3A_302 : i32
      %lt3A_304 = arith.constant 0 : i32
      %lt3A_305 = arith.cmpi slt, %select_n3A_298, %lt3A_304 : i32
      %ne3A_306 = arith.xori %lt3A_303, %lt3A_305 : i1
      %and3A_307 = arith.andi %ne3A_306, %ne3A_301 : i1
      %add3A_308 = arith.addi %rem3A_299, %select_n3A_298 : i32
      %select_n3A_309 = arith.select %and3A_307, %add3A_308, %rem3A_299 : i32
      %eq3A_310 = vector.broadcast %select_n3A_309 : i32 to vector<1x128xi32>
      %eq3A_311 = arith.cmpi eq, %iota3A, %eq3A_310 : vector<1x128xi32>
      %get3A_312 = arith.constant 1 : index
      %get3A_313 = arith.constant 0 : index
      %get3A_314 = arith.index_cast %select_n3A_293 : i32 to index
      %get3A_315 = arith.constant 0 : index
      %get3A_316 = vector.load %arg0[%get3A_312, %get3A_313, %get3A_314, %get3A_315] : memref<2x6x32x128xf32, #tpu.memory_space<vmem>>, vector<1x1x1x128xf32>
      %get3A_317 = vector.shape_cast %get3A_316 : vector<1x1x1x128xf32> to vector<1x128xf32>
      %jit3A_318 = arith.constant -3.000000e+38 : f32
      %broadcast_in_dim3A_319 = vector.broadcast %jit3A_318 : f32 to vector<1x128xf32>
      %select_n3A_320 = arith.select %eq3A_311, %get3A_317, %broadcast_in_dim3A_319 : vector<1x128xi1>, vector<1x128xf32>
      %reduce_max3A_321 = vector.shape_cast %select_n3A_320 : vector<1x128xf32> to vector<1x1x128xf32>
      %reduce_max3A_322 = arith.constant dense<0xFF800000> : vector<1xf32>
      %reduce_max3A_323 = vector.multi_reduction <maximumf>, %reduce_max3A_321, %reduce_max3A_322 [1, 2] : vector<1x1x128xf32> to vector<1xf32>
      %reduce_max3A_324 = vector.shape_cast %reduce_max3A_323 : vector<1xf32> to vector<1x1x1xf32>
      %reduce_max3A_325 = vector.extract %reduce_max3A_324[0, 0, 0] : f32 from vector<1x1x1xf32>
      %get3A_326 = arith.constant 1 : index
      %get3A_327 = arith.constant 1 : index
      %get3A_328 = arith.index_cast %select_n3A_293 : i32 to index
      %get3A_329 = arith.constant 0 : index
      %get3A_330 = vector.load %arg0[%get3A_326, %get3A_327, %get3A_328, %get3A_329] : memref<2x6x32x128xf32, #tpu.memory_space<vmem>>, vector<1x1x1x128xf32>
      %get3A_331 = vector.shape_cast %get3A_330 : vector<1x1x1x128xf32> to vector<1x128xf32>
      %jit3A_332 = arith.constant -3.000000e+38 : f32
      %broadcast_in_dim3A_333 = vector.broadcast %jit3A_332 : f32 to vector<1x128xf32>
      %select_n3A_334 = arith.select %eq3A_311, %get3A_331, %broadcast_in_dim3A_333 : vector<1x128xi1>, vector<1x128xf32>
      %reduce_max3A_335 = vector.shape_cast %select_n3A_334 : vector<1x128xf32> to vector<1x1x128xf32>
      %reduce_max3A_336 = arith.constant dense<0xFF800000> : vector<1xf32>
      %reduce_max3A_337 = vector.multi_reduction <maximumf>, %reduce_max3A_335, %reduce_max3A_336 [1, 2] : vector<1x1x128xf32> to vector<1xf32>
      %reduce_max3A_338 = vector.shape_cast %reduce_max3A_337 : vector<1xf32> to vector<1x1x1xf32>
      %reduce_max3A_339 = vector.extract %reduce_max3A_338[0, 0, 0] : f32 from vector<1x1x1xf32>
      %get3A_340 = arith.constant 1 : index
      %get3A_341 = arith.constant 2 : index
      %get3A_342 = arith.index_cast %select_n3A_293 : i32 to index
      %get3A_343 = arith.constant 0 : index
      %get3A_344 = vector.load %arg0[%get3A_340, %get3A_341, %get3A_342, %get3A_343] : memref<2x6x32x128xf32, #tpu.memory_space<vmem>>, vector<1x1x1x128xf32>
      %get3A_345 = vector.shape_cast %get3A_344 : vector<1x1x1x128xf32> to vector<1x128xf32>
      %jit3A_346 = arith.constant -3.000000e+38 : f32
      %broadcast_in_dim3A_347 = vector.broadcast %jit3A_346 : f32 to vector<1x128xf32>
      %select_n3A_348 = arith.select %eq3A_311, %get3A_345, %broadcast_in_dim3A_347 : vector<1x128xi1>, vector<1x128xf32>
      %reduce_max3A_349 = vector.shape_cast %select_n3A_348 : vector<1x128xf32> to vector<1x1x128xf32>
      %reduce_max3A_350 = arith.constant dense<0xFF800000> : vector<1xf32>
      %reduce_max3A_351 = vector.multi_reduction <maximumf>, %reduce_max3A_349, %reduce_max3A_350 [1, 2] : vector<1x1x128xf32> to vector<1xf32>
      %reduce_max3A_352 = vector.shape_cast %reduce_max3A_351 : vector<1xf32> to vector<1x1x1xf32>
      %reduce_max3A_353 = vector.extract %reduce_max3A_352[0, 0, 0] : f32 from vector<1x1x1xf32>
      %get3A_354 = arith.constant 1 : index
      %get3A_355 = arith.constant 3 : index
      %get3A_356 = arith.index_cast %select_n3A_293 : i32 to index
      %get3A_357 = arith.constant 0 : index
      %get3A_358 = vector.load %arg0[%get3A_354, %get3A_355, %get3A_356, %get3A_357] : memref<2x6x32x128xf32, #tpu.memory_space<vmem>>, vector<1x1x1x128xf32>
      %get3A_359 = vector.shape_cast %get3A_358 : vector<1x1x1x128xf32> to vector<1x128xf32>
      %jit3A_360 = arith.constant -3.000000e+38 : f32
      %broadcast_in_dim3A_361 = vector.broadcast %jit3A_360 : f32 to vector<1x128xf32>
      %select_n3A_362 = arith.select %eq3A_311, %get3A_359, %broadcast_in_dim3A_361 : vector<1x128xi1>, vector<1x128xf32>
      %reduce_max3A_363 = vector.shape_cast %select_n3A_362 : vector<1x128xf32> to vector<1x1x128xf32>
      %reduce_max3A_364 = arith.constant dense<0xFF800000> : vector<1xf32>
      %reduce_max3A_365 = vector.multi_reduction <maximumf>, %reduce_max3A_363, %reduce_max3A_364 [1, 2] : vector<1x1x128xf32> to vector<1xf32>
      %reduce_max3A_366 = vector.shape_cast %reduce_max3A_365 : vector<1xf32> to vector<1x1x1xf32>
      %reduce_max3A_367 = vector.extract %reduce_max3A_366[0, 0, 0] : f32 from vector<1x1x1xf32>
      %max3A_368 = arith.constant 0.000000e+00 : f32
      %max3A_369 = arith.maximumf %reduce_max3A_325, %max3A_368 : f32
      %swap3A_370 = arith.constant 1 : index
      %swap3A_371 = arith.constant 0 : index
      %swap3A_372 = arith.index_cast %scan3A_85 : i32 to index
      %swap3A_373 = memref.load %arg1[%swap3A_370, %swap3A_371, %swap3A_372] : memref<2x4x300xf32, #tpu.memory_space<smem>>
      memref.store %max3A_369, %arg1[%swap3A_370, %swap3A_371, %swap3A_372] : memref<2x4x300xf32, #tpu.memory_space<smem>>
      %max3A_374 = arith.constant 0.000000e+00 : f32
      %max3A_375 = arith.maximumf %reduce_max3A_339, %max3A_374 : f32
      %swap3A_376 = arith.constant 1 : index
      %swap3A_377 = arith.constant 1 : index
      %swap3A_378 = arith.index_cast %scan3A_85 : i32 to index
      %swap3A_379 = memref.load %arg1[%swap3A_376, %swap3A_377, %swap3A_378] : memref<2x4x300xf32, #tpu.memory_space<smem>>
      memref.store %max3A_375, %arg1[%swap3A_376, %swap3A_377, %swap3A_378] : memref<2x4x300xf32, #tpu.memory_space<smem>>
      %max3A_380 = arith.constant 0.000000e+00 : f32
      %max3A_381 = arith.maximumf %reduce_max3A_353, %max3A_380 : f32
      %swap3A_382 = arith.constant 1 : index
      %swap3A_383 = arith.constant 2 : index
      %swap3A_384 = arith.index_cast %scan3A_85 : i32 to index
      %swap3A_385 = memref.load %arg1[%swap3A_382, %swap3A_383, %swap3A_384] : memref<2x4x300xf32, #tpu.memory_space<smem>>
      memref.store %max3A_381, %arg1[%swap3A_382, %swap3A_383, %swap3A_384] : memref<2x4x300xf32, #tpu.memory_space<smem>>
      %max3A_386 = arith.constant 0.000000e+00 : f32
      %max3A_387 = arith.maximumf %reduce_max3A_367, %max3A_386 : f32
      %swap3A_388 = arith.constant 1 : index
      %swap3A_389 = arith.constant 3 : index
      %swap3A_390 = arith.index_cast %scan3A_85 : i32 to index
      %swap3A_391 = memref.load %arg1[%swap3A_388, %swap3A_389, %swap3A_390] : memref<2x4x300xf32, #tpu.memory_space<smem>>
      memref.store %max3A_387, %arg1[%swap3A_388, %swap3A_389, %swap3A_390] : memref<2x4x300xf32, #tpu.memory_space<smem>>
      %sub3A_392 = arith.subf %reduce_max3A_353, %reduce_max3A_325 : f32
      %add3A_393 = arith.constant 1.000000e+00 : f32
      %add3A_394 = arith.addf %sub3A_392, %add3A_393 : f32
      %sub3A_395 = arith.subf %reduce_max3A_367, %reduce_max3A_339 : f32
      %add3A_396 = arith.constant 1.000000e+00 : f32
      %add3A_397 = arith.addf %sub3A_395, %add3A_396 : f32
      %mul3A_398 = arith.mulf %add3A_394, %add3A_397 : f32
      %min3A_399 = vector.broadcast %reduce_max3A_353 : f32 to vector<32x128xf32>
      %min3A_400 = arith.minimumf %get3A_34, %min3A_399 : vector<32x128xf32>
      %max3A_401 = vector.broadcast %reduce_max3A_325 : f32 to vector<32x128xf32>
      %max3A_402 = arith.maximumf %get3A_10, %max3A_401 : vector<32x128xf32>
      %sub3A_403 = arith.subf %min3A_400, %max3A_402 : vector<32x128xf32>
      %add3A_404 = arith.constant 1.000000e+00 : f32
      %add3A_405 = vector.broadcast %add3A_404 : f32 to vector<32x128xf32>
      %add3A_406 = arith.addf %sub3A_403, %add3A_405 : vector<32x128xf32>
      %max3A_407 = arith.constant 0.000000e+00 : f32
      %max3A_408 = vector.broadcast %max3A_407 : f32 to vector<32x128xf32>
      %max3A_409 = arith.maximumf %add3A_406, %max3A_408 : vector<32x128xf32>
      %min3A_410 = vector.broadcast %reduce_max3A_367 : f32 to vector<32x128xf32>
      %min3A_411 = arith.minimumf %get3A_46, %min3A_410 : vector<32x128xf32>
      %max3A_412 = vector.broadcast %reduce_max3A_339 : f32 to vector<32x128xf32>
      %max3A_413 = arith.maximumf %get3A_22, %max3A_412 : vector<32x128xf32>
      %sub3A_414 = arith.subf %min3A_411, %max3A_413 : vector<32x128xf32>
      %add3A_415 = arith.constant 1.000000e+00 : f32
      %add3A_416 = vector.broadcast %add3A_415 : f32 to vector<32x128xf32>
      %add3A_417 = arith.addf %sub3A_414, %add3A_416 : vector<32x128xf32>
      %max3A_418 = arith.constant 0.000000e+00 : f32
      %max3A_419 = vector.broadcast %max3A_418 : f32 to vector<32x128xf32>
      %max3A_420 = arith.maximumf %add3A_417, %max3A_419 : vector<32x128xf32>
      %mul3A_421 = arith.mulf %max3A_409, %max3A_420 : vector<32x128xf32>
      %add3A_422 = vector.broadcast %mul3A_398 : f32 to vector<32x128xf32>
      %add3A_423 = arith.addf %mul3A_73, %add3A_422 : vector<32x128xf32>
      %sub3A_424 = arith.subf %add3A_423, %mul3A_421 : vector<32x128xf32>
      %div3A_425 = arith.divf %mul3A_421, %sub3A_424 : vector<32x128xf32>
      %gt3A_426 = arith.constant 0.699999988 : f32
      %gt3A_427 = vector.broadcast %gt3A_426 : f32 to vector<32x128xf32>
      %gt3A_428 = arith.cmpf ogt, %div3A_425, %gt3A_427 : vector<32x128xf32>
      %jit3A_429 = arith.constant -3.000000e+38 : f32
      %broadcast_in_dim3A_430 = vector.broadcast %jit3A_429 : f32 to vector<32x128xf32>
      %select_n3A_431 = arith.select %gt3A_428, %broadcast_in_dim3A_430, %scan3A_87 : vector<32x128xi1>, vector<32x128xf32>
      scf.yield %select_n3A_251, %select_n3A_431 : vector<32x128xf32>, vector<32x128xf32>
    }
    %scan3A_84 = arith.constant 300 : i32
    return
  }
}

</mosaic_0001>

<sc_bundles>
// kernel: kernel.4.cloned.1.call-start
scs
__scs_entry_jumppad:
0x0: {  	(pc) =	sbr.rel $0x88, $3  }
0x1: {  	(tag) =	ssettag $0x0;
	lr =	simm.s32 $0x1  }
0x2: {  	[smem:$0x3F9D] =	sst lr;
	_ =	strace $0xD0000000  }
0x3: {  	_ = 	snop  }
0x4: {  	_ = 	snop  }
0x5: {  	_ = 	snop  }
0x6: {  	_ = 	snop  }
0x7: {  	_ = 	snop  }
__scs_overlays_trampoline_lowered:
0x8: {  	[smem:$0x3FAC] =	sst s0  }
0x9: {  	[smem:$0x3FAD] =	sst s1  }
0xa: {  	[smem:$0x3FAE] =	sst s2  }
0xb: {  	[smem:$0x3FAF] =	sst s3  }
0xc: {  	[smem:$0x3FB0] =	sst s4  }
0xd: {  	[smem:$0x3FB1] =	sst s5  }
0xe: {  	[smem:$0x3FB2] =	sst s6  }
0xf: {  	[smem:$0x3FB3] =	sst s7  }
0x10: {  	[smem:$0x3FB4] =	sst s8  }
0x11: {  	[smem:$0x3FB5] =	sst s9;
	s0 =	simm.s32 @!p0 $0x0  }
0x12: {  	s1 =	sld [smem:$0x3F9B];
	s0 =	simm.s32 @p0 $0x1  }
0x13: {  	[smem:$0x3FB6] =	sst s0;
	s0 =	simm.s32 @!p1 $0x0  }
0x14: {  	s2 =	sld [smem:$0x3F9A];
	s0 =	simm.s32 @p1 $0x1  }
0x15: {  	[smem:$0x3FB7] =	sst s0;
	s0 =	simm.s32 @!p2 $0x0  }
0x16: {  	s3 =	sld [smem:$0x3FDB];
	s0 =	simm.s32 @p2 $0x1  }
0x17: {  	s4 =	simm.s32 $0x1BF5;
	[smem:$0x3FB9] =	sst s0  }
0x18: {  	s0 =	sld [smem:$0x3F9C];
	_ =	swait.ge [sflag:s4], $0x0  }
0x19: {  	s7 =	sld [smem:$0x3F9D]  }
0x1a: {  	s8 =	sadd.s32 $0xFFFFE003, lr  }
0x1b: {  	s9 =	sadd.s32 $0xFFFFFEF7, lr;
	s5 =	simm.s32 $0xFFFFFFFF;
	p2 =	slt.u32 s8, $0xFFFFF086  }
0x1c: {  	p1 =	slt.u32 s9, $0xF7A;
	s5 =	simm.s32 @!p2 $0x0  }
0x1d: {  	s5 =	simm.s32 @p1 $0x1;
	p0 =	seq.s32 s7, s2  }
0x1e: {  	s7 =	smul.u32 @!p0 $0xF7A, s2;
	p2 =	seq.s32 @!p0 s5, $0x0  }
0x1f: {  	s9 =	smul.u32 $0xF7A, s1;
	s8 =	simm.s32 @!p0 $0x1BF5;
	p2 =	por !p2, p0  }
0x20: {  	[sflag:s8] =	ssyncset.s32 @!p0 $0xFFFFF086;
	s6 =	sadd.s32 @!p0 s3, s7;
	s7 =	simm.s32 @!p0 $0x108  }
0x21: {  	s3 =	sadd.s32 s3, s9;
	s6 =	sadd.s32 @!p0 $0x88, s6;
	s7 =	simm.s32 @p2 $0x1082  }
0x22: {  	[simem:s7], [sflag:s8] =	dma.local @!p0 [hbm:s6], $0xF7A  }
0x23: {  	s9 =	sor.u32 $0xD0000000, s2;
	s6 =	simm.s32 $0x108;
	_ =	swait.ge @!p0 [sflag:s8], $0x0  }
0x24: {  	s3 =	sadd.s32 $0x88, s3;
	s6 =	simm.s32 @!p1 $0x1082;
	[sflag:s4] =	ssyncset.s32 $0xFFFFF086  }
0x25: {  	[simem:s6], [sflag:s4] =	dma.local [hbm:s3], $0xF7A  }
0x26: {  	[smem:$0x3F9D] =	sst s1;
	(tag) =	ssettag s2;
	_ =	strace s9  }
0x27: {  	s1 =	sld [smem:$0x3FAD]  }
0x28: {  	s2 =	sld [smem:$0x3FAE]  }
0x29: {  	s4 =	sld [smem:$0x3FB0]  }
0x2a: {  	p0 =	seq.s32 s5, $0x0;
	s5 =	sld [smem:$0x3FB1]  }
0x2b: {  	s6 =	sld [smem:$0x3FB2]  }
0x2c: {  	s7 =	sld [smem:$0x3FB3]  }
0x2d: {  	s3 =	simm.s32 $0x108;
	s8 =	sld [smem:$0x3FB4]  }
0x2e: {  	s3 =	simm.s32 @!p0 $0x1082;
	s9 =	sld [smem:$0x3FB5]  }
0x2f: {  	lr =	sadd.s32 s0, s3;
	s0 =	sld [smem:$0x3FAC]  }
0x30: {  	s3 =	sld [smem:$0x3FAF]  }
0x31: {  	[smem:$0x3FB8] =	sst s10  }
0x32: {  	s10 =	sld [smem:$0x3FB6];
	_ =	sdelay $0x3  }
0x33: {  	p0 =	seq.s32 s10, $0x1;
	s10 =	sld [smem:$0x3FB8];
	_ =	sdelay $0x3  }
0x34: {  	[smem:$0x3FB8] =	sst s10  }
0x35: {  	s10 =	sld [smem:$0x3FB7];
	_ =	sdelay $0x3  }
0x36: {  	p1 =	seq.s32 s10, $0x1;
	s10 =	sld [smem:$0x3FB8];
	_ =	sdelay $0x3  }
0x37: {  	[smem:$0x3FB8] =	sst s10  }
0x38: {  	s10 =	sld [smem:$0x3FB9]  }
0x39: {  	_ = 	snop;
	(pc) =	sbr.ind lr, $3  }
0x3a: {  	_ = 	snop  }
0x3b: {  	_ = 	snop  }
0x3c: {  	p2 =	seq.s32 s10, $0x1;
	s10 =	sld [smem:$0x3FB8]  }
0x3d: {  	_ =	shalt  }
0x3e: {  	_ =	shalt  }
0x3f: {  	_ =	shalt  }
0x40: {  	_ =	shalt  }
0x41: {  	_ =	shalt  }
0x42: {  	_ =	shalt  }
0x43: {  	_ =	shalt  }
0x44: {  	_ =	shalt  }
0x45: {  	_ =	shalt  }
0x46: {  	_ =	shalt  }
0x47: {  	_ =	shalt  }
0x48: {  	_ =	shalt  }
0x49: {  	_ =	shalt  }
0x4a: {  	_ =	shalt  }
0x4b: {  	_ =	shalt  }
0x4c: {  	_ =	shalt  }
0x4d: {  	_ =	shalt  }
0x4e: {  	_ =	shalt  }
0x4f: {  	_ =	shalt  }
0x50: {  	_ =	shalt  }
0x51: {  	_ =	shalt  }
0x52: {  	_ =	shalt  }
0x53: {  	_ =	shalt  }
0x54: {  	_ =	shalt  }
0x55: {  	_ =	shalt  }
0x56: {  	_ =	shalt  }
0x57: {  	_ =	shalt  }
0x58: {  	_ =	shalt  }
0x59: {  	_ =	shalt  }
0x5a: {  	_ =	shalt  }
0x5b: {  	_ =	shalt  }
0x5c: {  	_ =	shalt  }
0x5d: {  	_ =	shalt  }
0x5e: {  	_ =	shalt  }
0x5f: {  	_ =	shalt  }
0x60: {  	_ =	shalt  }
0x61: {  	_ =	shalt  }
0x62: {  	_ =	shalt  }
0x63: {  	_ =	shalt  }
0x64: {  	_ =	shalt  }
0x65: {  	_ =	shalt  }
0x66: {  	_ =	shalt  }
0x67: {  	_ =	shalt  }
0x68: {  	_ =	shalt  }
0x69: {  	_ =	shalt  }
0x6a: {  	_ =	shalt  }
0x6b: {  	_ =	shalt  }
0x6c: {  	_ =	shalt  }
0x6d: {  	_ =	shalt  }
0x6e: {  	_ =	shalt  }
0x6f: {  	_ =	shalt  }
0x70: {  	_ =	shalt  }
0x71: {  	_ =	shalt  }
0x72: {  	_ =	shalt  }
0x73: {  	_ =	shalt  }
0x74: {  	_ =	shalt  }
0x75: {  	_ =	shalt  }
0x76: {  	_ =	shalt  }
0x77: {  	_ =	shalt  }
0x78: {  	_ =	shalt  }
0x79: {  	_ =	shalt  }
0x7a: {  	_ =	shalt  }
0x7b: {  	_ =	shalt  }
0x7c: {  	_ =	shalt  }
0x7d: {  	_ =	shalt  }
0x7e: {  	_ =	shalt  }
0x7f: {  	_ =	shalt  }
0x80: {  	_ =	shalt  }
0x81: {  	_ =	shalt  }
0x82: {  	_ =	shalt  }
0x83: {  	_ =	shalt  }
0x84: {  	_ =	shalt  }
0x85: {  	_ =	shalt  }
0x86: {  	_ =	shalt  }
0x87: {  	_ =	shalt  }
.Lfunc_end0:
.L_simem_size_0:
called_computation_lowered:
.L_overlay_start_0:
0x88: {  	s2 =	sld [smem:$0x3FD9]  }
0x89: {  	s3 =	sld [smem:$0x3FFE];
	_ =	sdelay $0x1  }
0x8a: {  	s1 =	srdreg.scid  }
0x8b: {  	s0 =	sand.u32 $0x1, s1  }
0x8c: {  	s17 =	sshll.u32 s0, $0xA;
	s2 =	sadd.s32 s3, s2  }
0x8d: {  	s2 =	sadd.s32 s2, s17  }
0x8e: {  	[smem:$0x3FC4] =	sst s2  }
0x8f: {  	_ = 	snop  }
0x90: {  	s2 =	sld [smem:$0x3FD0];
	(tm) =	ssettm $0x1  }
0x91: {  	s18 =	sld [smem:$0x3FFB];
	_ =	sdelay $0x3  }
0x92: {  	_ =	strace s18  }
0x93: {  	s3 =	sld [smem:$0x3FFC];
	_ =	sdelay $0x3  }
0x94: {  	_ =	strace s3  }
0x95: {  	s3 =	sld [smem:$0x3FFD];
	_ =	sdelay $0x3  }
0x96: {  	_ =	strace s3  }
0x97: {  	_ =	strace $0x8FFFFFFF  }
0x98: {  	s19 =	sld [smem:$0x3FDB];
	_ =	sdelay $0x1  }
0x99: {  	s4 =	simm.s32 $_scs_section_size  }
0x9a: {  	s5 =	simm.s32 $_size__tile_overlayer_lowered;
	s6 =	simm.s32 $_tile_overlayer_lowered  }
0x9b: {  	s22 =	simm.s32 $0x1BFF;
	s21 =	sshll.u32 s6, $0x1;
	s3 =	sadd.s32 s4, s19  }
0x9c: {  	s7 =	simm.s32 $0x0;
	s20 =	sshll.u32 s5, $0x1;
	s5 =	sadd.s32 s21, s3  }
0x9d: {  	[timem:s7], [sflag:s22] =	dma.local [hbm:s5], s20  }
0x9e: {  	_ =	swait.ge [sflag:s22], s20  }
0x9f: {  	s4 =	ssub.s32 $0x0, s20;
	[sflag:s22] =	ssyncset.done $0x0  }
0xa0: {  	[sflag:s22] =	ssyncadd.s32 s4;
	_ =	sdelay $0x1  }
0xa1: {  	s23 =	simm.s32 $0x1B8B  }
0xa2: {  	_ =	swait.ge [sflag:s23], $0x1  }
0xa3: {  	[sflag:s23] =	ssyncset.done $0x0  }
0xa4: {  	s25 =	simm.s32 $0x1B8E;
	s24 =	sld [smem:$0x3FFE];
	[sflag:s23] =	ssyncadd.s32 $0xFFFFFFFF  }
0xa5: {  	s26 =	simm.s32 $execute0_lowered;
	[smem:$0x3FD2] =	sst s25  }
0xa6: {  	s5 =	sshll.u32 s26, $0x1;
	_ =	strace $0x80000046;
	[dreg:$0x1] =	wrdreg $0xFFFFFFFF  }
0xa7: {  	s28 =	simm.s32 $_size_execute0_lowered;
	s3 =	sadd.s32 s3, s5;
	[dreg:$0x0] =	wrdreg $0x0  }
0xa8: {  	s5 =	sshll.u32 s28, $0x1;
	[dreg:$0x2] =	wrdreg s3  }
0xa9: {  	[dreg:$0x3] =	wrdreg s5  }
0xaa: {  	[dreg:$0x4] =	wrdreg $0xC0  }
0xab: {  	_ =	task [dreg:s7], $0x5FFFF  }
0xac: {  	[dreg:$0x1] =	wrdreg $0xFFFFFFFF  }
0xad: {  	[dreg:$0x0] =	wrdreg $0x60  }
0xae: {  	[dreg:$0x2] =	wrdreg s24  }
0xaf: {  	[dreg:$0x3] =	wrdreg s2  }
0xb0: {  	[dreg:$0x4] =	wrdreg $0x40700  }
0xb1: {  	[dreg:$0x5] =	wrdreg $0x9  }
0xb2: {  	_ =	task.clear_ibuf [dreg:s7], $0x6FFFF;
	_ =	strace $0x90000046  }
0xb3: {  	s29 =	simm.s32 $0x9;
	_ =	strace $0x80000048  }
0xb4: {  	_ =	swait.ge [sflag:s29], $0x1  }
0xb5: {  	[sflag:s29] =	ssyncadd.s32 $0xFFFFFFFF  }
0xb6: {  	_ =	strace $0x90000048  }
0xb7: {  	_ =	sfence  }
0xb8: {  	s30 =	sld [smem:$0x0];
	_ =	sdelay $0x2  }
0xb9: {  	s31 =	sshll.u32 s1, $0xD;
	s1 =	sshrl.u32 s1, $0x2  }
0xba: {  	s3 =	sand.u32 $0x4000, s31;
	s1 =	sadd.s32 s1, s30  }
0xbb: {  	s0 =	sor.u32 s3, s0;
	s1 =	sshll.u32 s1, $0x11  }
0xbc: {  	s0 =	sor.u32 s1, s0  }
0xbd: {  	s0 =	sadd.s32 $0x8F2B, s0  }
0xbe: {  	[sflag:s0] =	ssyncadd.remote.s32 $0x1  }
0xbf: {  	_ =	sfence.sel $0xFFFF  }
0xc0: {  	[dreg:$0x0] =	wrdreg $0xFFFFFFFF;
	(pc) =	sbr.abs _section_cstart, $3  }
0xc1: {  	[dreg:$0x1] =	wrdreg $0xFFFFFFFF  }
0xc2: {  	_ =	task.clear_ibuf [dreg:s7], $0x2FFFF;
	_ =	strace $0x9FFFFFFF  }
0xc3: {  	(tm) =	ssettm $0x7FFFFFFF  }
tec
execute0_lowered:
.L_overlay_start_1:
0x0: {  	(tag) =	ssettag $0x1  }
0x1: {  	s3 =	stileid.u32;
	s5 =	rddreg [dreg:$0x0]  }
0x2: {  	s0 =	srdreg.scid;
	s6 =	rddreg [dreg:$0x1]  }
0x3: {  	s13 =	simm.s32 $0x0;
	s14 =	simm.s32 $0x3F60;
	s2 =	smul.u32 $0x64, s3  }
0x4: {  	s15 =	simm.s32 $0x3F70;
	s0 =	sand.u32 $0x1, s0;
	s18 =	smul.u32 $0x258, s3  }
0x5: {  	s1 =	sshll.u32 s3, $0x2;
	[smem:$0x7FF] =	sst s13;
	s4 =	smul.u32 $0x9600, s0  }
0x6: {  	s20 =	sshll.u32 s3, $0x8;
	s23 =	sshll.u32 s3, $0x4;
	s9 =	smul.u32 $0x12C00, s0  }
0x7: {  	s1 =	sand.u32 $0x4, s1;
	s10 =	ssub.s32 $0x2, s0;
	s12 =	smul.u32 $0x6000, s0  }
0x8: {  	s0 =	sshll.u32 s0, $0x2;
	s7 =	ssub.s32 s2, s1;
	s2 =	rddreg [dreg:$0x2]  }
0x9: {  	_ =	strace $0x80000047;
	s11 =	sshrl.u32 s10, $0x1;
	s0 =	sadd.s32 s6, s0  }
0xa: {  	s8 =	sand.u32 $0xFFFFFFF8, s7;
	s7 =	sadd.s32 s9, s7;
	s11 =	ssub.s32 s10, s11  }
0xb: {  	v0 =	vmov s1;
	s1 =	sor.u32 s20, s12;
	[dreg:$0x7] =	wrdreg s0;
	s10 =	simm.s32 $0x1  }
0xc: {  	s12 =	simm.s32 $0x2680;
	s4 =	sadd.s32 s8, s4;
	s7 =	sshrl.u32 s7, $0x3  }
0xd: {  	s8 =	sadd.s32 s18, s5;
	s22 =	sshrl.u32 s1, $0x3;
	s25 =	sadd.s32 $0x2000, s1  }
0xe: {  	s26 =	sadd.s32 $0x3000, s1;
	s28 =	sadd.s32 $0x4000, s1;
	s1 =	sadd.s32 $0x5000, s1  }
0xf: {  	v3 =	vimm.s32 $0xECA86420;
	v2 =	vlaneseq.u32;
	vm1 =	vcmask $0xB08;
	s31 =	smax.u32 s11, $0x1;
	s4 =	sadd.s32 $0x4B00, s4;
	s7 =	sadd.s32 s7, s5  }
0x10: {  	vm2 =	vcmask $0x1310;
	vm4 =	vcmask $0x300;
	vm5 =	vcmask $0x2320;
	s21 =	sadd.s32 $0xC00, s8;
	s8 =	sadd.s32 s23, s2;
	[dreg:$0xf] =	wrdreg s31  }
0x11: {  	vm6 =	vcmask $0x2B28;
	vm7 =	vcmask $0x3330;
	vm8 =	vcmask $0x3B38;
	s0 =	sshrl.u32 s25, $0x3;
	s4 =	sshrl.u32 s4, $0x3;
	[dreg:$0x6] =	wrdreg s21  }
0x12: {  	vm0 =	vmmov $0xff;
	vm14 =	vcmask $0x1F1C;
	vm3 =	vcmask $0x2F2C;
	s7 =	sadd.s32 $0x3200, s7;
	[dreg:$0x9] =	wrdreg s8;
	s19 =	sadd.s32 s4, s5  }
0x13: {  	vm13 =	vcmask $0xF0C;
	vm15 =	vcmask $0x3734;
	v5 =	vunpack.c.l.s4.s8 v3;
	s5 =	sadd.s32 $0xA400, s5;
	[dreg:$0x5] =	wrdreg s7;
	s9 =	sadd.s32 $0x7E00, s19  }
0x14: {  	v3 =	vimm.s32 $0x0;
	v4 =	vmul.u32 $0xFFFFFFFF, v2;
	v6 =	vmul.u32 $0x2, v2;
	s6 =	sshrl.u32 s28, $0x3;
	s24 =	sadd.s32 s5, s22;
	[dreg:$0x4] =	wrdreg s9  }
0x15: {  	v7 =	vadd.s32 $0x1, v2;
	v8 =	vadd.s32 $0x11, v2;
	v9 =	vadd.s32 $0x21, v2;
	s4 =	smul.u32 $0x4B0, s3;
	s0 =	sadd.s32 s5, s0;
	[dreg:$0x8] =	wrdreg s24  }
.Ltmp0:
0x16: {  	v10 =	vadd.s32 $0x31, v2;
	v11 =	vadd.s32 $0x41, v2;
	v12 =	vadd.s32 $0x51, v2;
	s29 =	sadd.s32 s5, s6;
	[dreg:$0xb] =	wrdreg s0;
	(pc) =	sbr.rel .LBB2_1-.Ltmp0, $4  }
0x17: {  	v13 =	vadd.s32 $0x61, v2;
	v14 =	vadd.s32 $0x71, v2;
	v15 =	vadd.s32 $0x81, v2;
	s3 =	sadd.s32 $0x200, s24;
	s0 =	sshrl.u32 s26, $0x3;
	[dreg:$0xd] =	wrdreg s29  }
0x18: {  	v16 =	vadd.s32 $0x91, v2;
	v17 =	vadd.s32 $0xA1, v2;
	v18 =	vadd.s32 $0xB1, v2;
	s30 =	sshrl.u32 s1, $0x3;
	[dreg:$0xa] =	wrdreg s3;
	s0 =	sadd.s32 s5, s0  }
0x19: {  	v19 =	vadd.s32 $0xC1, v2;
	v20 =	vadd.s32 $0xD1, v2;
	v21 =	vadd.s32 $0xE1, v2;
	s11 =	simm.s32 $0x1300;
	[dreg:$0xc] =	wrdreg s0;
	s0 =	sadd.s32 s5, s30  }
0x1a: {  	v22 =	vadd.s32 $0xF1, v2;
	v5 =	vunpack.c.0.s8.s32 v5;
	s1 =	simm.s32 $0x0;
	v1 =	vmov s4;
	s9 =	simm.s32 $0xE20;
	[dreg:$0xe] =	wrdreg s0  }
.LBB2_18:
0x1b: {  	v23 =	vld [tilespmem:$0x3D40]  }
0x1c: {  	v24 =	vld [tilespmem:$0x3D50]  }
0x1d: {  	v25 =	vld [tilespmem:$0x3D60]  }
0x1e: {  	v26 =	vld [tilespmem:$0x3D70];
	s0 =	rddreg [dreg:$0x11]  }
0x1f: {  	v28 =	vld [tilespmem:$0x3D80];
	v27 =	vmov s0  }
0x20: {  	v29 =	vld [tilespmem:$0x3D90];
	vm9 =	vlt.s32 v27, v7  }
0x21: {  	v30 =	vld [tilespmem:$0x3DA0];
	v23 =	vsel vm9, $0xFF61B1E6, v23;
	vm9 =	vlt.s32 v27, v8  }
0x22: {  	v51 =	vld [tilespmem:$0x3DB0];
	[tilespmem:$0x3D40] =	vst v23;
	v23 =	vsel vm9, $0xFF61B1E6, v24;
	vm9 =	vlt.s32 v27, v9  }
0x23: {  	v52 =	vld [tilespmem:$0x3DC0];
	[tilespmem:$0x3D50] =	vst v23;
	v23 =	vsel vm9, $0xFF61B1E6, v25;
	vm9 =	vlt.s32 v27, v10  }
0x24: {  	v53 =	vld [tilespmem:$0x3DD0];
	[tilespmem:$0x3D60] =	vst v23;
	v23 =	vsel vm9, $0xFF61B1E6, v26;
	vm9 =	vlt.s32 v27, v11  }
0x25: {  	v54 =	vld [tilespmem:$0x3DE0];
	[tilespmem:$0x3D70] =	vst v23;
	v23 =	vsel vm9, $0xFF61B1E6, v28;
	vm9 =	vlt.s32 v27, v12  }
0x26: {  	v55 =	vld [tilespmem:$0x3DF0];
	[tilespmem:$0x3D80] =	vst v23;
	v23 =	vsel vm9, $0xFF61B1E6, v29;
	vm9 =	vlt.s32 v27, v13  }
0x27: {  	v56 =	vld [tilespmem:$0x3E00];
	[tilespmem:$0x3D90] =	vst v23;
	v23 =	vsel vm9, $0xFF61B1E6, v30;
	vm9 =	vlt.s32 v27, v14  }
0x28: {  	v57 =	vld [tilespmem:$0x3E10];
	[tilespmem:$0x3DA0] =	vst v23;
	v23 =	vsel vm9, $0xFF61B1E6, v51;
	vm9 =	vlt.s32 v27, v15  }
0x29: {  	v58 =	vld [tilespmem:$0x3E20];
	[tilespmem:$0x3DB0] =	vst v23;
	v23 =	vsel vm9, $0xFF61B1E6, v52;
	vm9 =	vlt.s32 v27, v16  }
0x2a: {  	v59 =	vld [tilespmem:$0x3E30];
	[tilespmem:$0x3DC0] =	vst v23;
	v23 =	vsel vm9, $0xFF61B1E6, v53;
	vm9 =	vlt.s32 v27, v17  }
0x2b: {  	[tilespmem:$0x3DD0] =	vst v23;
	v23 =	vsel vm9, $0xFF61B1E6, v54;
	vm9 =	vlt.s32 v27, v18  }
0x2c: {  	v60 =	vld [tilespmem:$0x3A30];
	[tilespmem:$0x3DE0] =	vst v23;
	v23 =	vsel vm9, $0xFF61B1E6, v55;
	vm9 =	vlt.s32 v27, v19  }
0x2d: {  	v61 =	vld [tilespmem:$0x3B30];
	[tilespmem:$0x3DF0] =	vst v23;
	v23 =	vsel vm9, $0xFF61B1E6, v56;
	vm9 =	vlt.s32 v27, v20  }
0x2e: {  	v62 =	vld [tilespmem:$0x3C30];
	vm10 =	vlt.s32 v27, v22;
	[tilespmem:$0x3E00] =	vst v23;
	v23 =	vsel vm9, $0xFF61B1E6, v57;
	vm9 =	vlt.s32 v27, v21  }
0x2f: {  	v63 =	vld [tilespmem:$0x3D30];
	v25 =	vsel vm9, $0xFF61B1E6, v58;
	[tilespmem:$0x3E10] =	vst v23;
	v23 =	vsel vm10, $0xFF61B1E6, v59;
	vm9 =	veq.s32 v2, $0xF  }
0x30: {  	[tilespmem:$0x3E20] =	vst v25;
	v23 =	vsel vm9, $0xFF167699, v23  }
0x31: {  	[tilespmem:$0x3E30] =	vst v23;
	v23 =	vsel vm9, $0x0, v60  }
0x32: {  	[tilespmem:$0x3A30] =	vst v23;
	v23 =	vsel vm9, $0x0, v61  }
0x33: {  	[tilespmem:$0x3B30] =	vst v23;
	v23 =	vsel vm9, $0xBF800000, v62  }
0x34: {  	[tilespmem:$0x3C30] =	vst v23;
	v23 =	vsel vm9, $0xBF800000, v63  }
0x35: {  	s18 =	rddreg [dreg:$0x8];
	s1 =	simm.s32 $0x3940;
	s10 =	simm.s32 $0x1;
	[tilespmem:$0x3D30] =	vst v23  }
0x36: {  	[hbm4b:s18+s13] =	stream.linear.scatter [tilespmem:s1], [sflag:$0x1], $0x100, $0x38;
	[tilespmem:$0x4080] =	vst v63  }
0x37: {  	_ =	swait.ge [sflag:s10], $0x100  }
0x38: {  	[sflag:s10] =	ssyncset.done $0x0  }
0x39: {  	s20 =	simm.s32 $0x3A40;
	s19 =	rddreg [dreg:$0xa];
	[sflag:s10] =	ssyncadd.s32 $0xFFFFFF00  }
0x3a: {  	[hbm4b:s19+s13] =	stream.linear.scatter [tilespmem:s20], [sflag:$0x1], $0x100, $0x38;
	[tilespmem:$0x4080] =	vst v63  }
0x3b: {  	_ =	swait.ge [sflag:s10], $0x100  }
0x3c: {  	[sflag:s10] =	ssyncset.done $0x0  }
0x3d: {  	s22 =	simm.s32 $0x3B40;
	s21 =	rddreg [dreg:$0xb];
	[sflag:s10] =	ssyncadd.s32 $0xFFFFFF00  }
0x3e: {  	[hbm4b:s21+s13] =	stream.linear.scatter [tilespmem:s22], [sflag:$0x1], $0x100, $0x38;
	[tilespmem:$0x4080] =	vst v63  }
0x3f: {  	_ =	swait.ge [sflag:s10], $0x100  }
0x40: {  	[sflag:s10] =	ssyncset.done $0x0  }
0x41: {  	s24 =	simm.s32 $0x3C40;
	s23 =	rddreg [dreg:$0xc];
	[sflag:s10] =	ssyncadd.s32 $0xFFFFFF00  }
0x42: {  	[hbm4b:s23+s13] =	stream.linear.scatter [tilespmem:s24], [sflag:$0x1], $0x100, $0x38;
	[tilespmem:$0x4080] =	vst v63  }
0x43: {  	_ =	swait.ge [sflag:s10], $0x100  }
0x44: {  	[sflag:s10] =	ssyncset.done $0x0  }
0x45: {  	s26 =	simm.s32 $0x3D40;
	s25 =	rddreg [dreg:$0xd];
	[sflag:s10] =	ssyncadd.s32 $0xFFFFFF00  }
0x46: {  	[hbm4b:s25+s13] =	stream.linear.scatter [tilespmem:s26], [sflag:$0x1], $0x100, $0x38;
	[tilespmem:$0x4080] =	vst v63  }
0x47: {  	_ =	swait.ge [sflag:s10], $0x100  }
0x48: {  	[sflag:s10] =	ssyncset.done $0x0  }
0x49: {  	s29 =	simm.s32 $0x3E40;
	s28 =	rddreg [dreg:$0xe];
	[sflag:s10] =	ssyncadd.s32 $0xFFFFFF00  }
0x4a: {  	[hbm4b:s28+s13] =	stream.linear.scatter [tilespmem:s29], [sflag:$0x1], $0x100, $0x38;
	[tilespmem:$0x4080] =	vst v63  }
0x4b: {  	_ =	swait.ge [sflag:s10], $0x100  }
0x4c: {  	s30 =	rddreg [dreg:$0x10]  }
0x4d: {  	s31 =	rddreg [dreg:$0xf];
	s1 =	sadd.s32 $0x1, s30  }
0x4e: {  	p0 =	sne.s32 s1, s31  }
.Ltmp1:
0x4f: {  	_ = 	snop;
	(pc) =	sbr.rel @!p0 .LBB2_19-.Ltmp1, $4  }
0x50: {  	_ = 	snop  }
0x51: {  	[sflag:s10] =	ssyncset.done $0x0  }
0x52: {  	s9 =	simm.s32 $0xE20;
	s8 =	rddreg [dreg:$0x9];
	[sflag:s10] =	ssyncadd.s32 $0xFFFFFF00  }
0x53: {  	s14 =	simm.s32 $0x3F60;
	s15 =	simm.s32 $0x3F70;
	s2 =	rddreg [dreg:$0x2]  }
.LBB2_1:
0x54: {  	[dreg:$0x10] =	wrdreg s1;
	v23 =	vor.u32 s13, v2  }
0x55: {  	s0 =	rddreg [dreg:$0x4];
	s24 =	simm.s32 $0x68;
	s3 =	simm.s32 $0x640;
	v24 =	vmulhi.u32 $0xAAAAAAAB, v23  }
0x56: {  	[tilespmem:s9], [sflag:$0x1] =	stream.strided.gather [hbm4b:s0+s24], $0x4E0, s3, s24, $0x38;
	[tilespmem:$0x4080] =	vst v63  }
0x57: {  	_ =	swait.ge [sflag:s10], $0x4E0;
	v24 =	vshrl.u32 v24, $0x3  }
0x58: {  	[sflag:s10] =	ssyncset.done $0x0;
	v25 =	vmul.u32 $0xFFFFFFF4, v24  }
0x59: {  	s25 =	rddreg [dreg:$0x5];
	[sflag:s10] =	ssyncadd.s32 $0xFFFFFB20  }
0x5a: {  	v26 =	vmov s13;
	[tilespmem:s11], [sflag:$0x1] =	stream.strided.gather [hbm4b:s25+s24], $0x1380, s3, s24, $0x38;
	v23 =	vadd.s32 v23, v25;
	[tilespmem:$0x4080] =	vst v63  }
0x5b: {  	s26 =	simm.s32 $0x10;
	vm10 =	veq.s32 v26, v2;
	_ =	swait.ge [sflag:s10], $0x1380;
	vm9 =	vne.s32 v23, $0x0  }
0x5c: {  	v25 =	vor.u32 s26, v2;
	[sflag:s10] =	ssyncset.done $0x0;
	vm9 =	vmand vm10, vm9  }
0x5d: {  	v24 =	vadd.s32 v0, v24;
	v27 =	vmulhi.u32 $0xAAAAAAAB, v25;
	s28 =	rddreg [dreg:$0x6];
	[sflag:s10] =	ssyncadd.s32 $0xFFFFEC80;
	v26 =	vsel vm9, $0xFFFFFFFF, v3  }
0x5e: {  	v23 =	vmul.u32 $0x68, v23;
	[tilespmem:s12], [sflag:$0x1] =	stream.linear.gather [hbm4b:s28+s13], $0x12C0, $0x38;
	v24 =	vadd.s32 v26, v24;
	[tilespmem:$0x4080] =	vst v63  }
0x5f: {  	v27 =	vshrl.u32 v27, $0x3;
	_ =	swait.ge [sflag:s10], $0x12C0;
	v26 =	vand.u32 $0xFFFFFFF8, v24  }
0x60: {  	[sflag:s10] =	ssyncset.done $0x0;
	v24 =	vand.u32 $0x7, v24;
	v23 =	vadd.s32 v23, v26;
	v26 =	vmul.u32 $0xFFFFFFF4, v27  }
0x61: {  	s30 =	simm.s32 $0x3F40;
	s29 =	rddreg [dreg:$0x7];
	[sflag:s10] =	ssyncadd.s32 $0xFFFFED40;
	v23 =	vor.u32 v24, v23  }
0x62: {  	[tilespmem:s30], [sflag:$0x1] =	stream.linear.gather [hbm4b:s29+s13], $0x20, $0x38;
	v24 =	vmov s26;
	v25 =	vadd.s32 v25, v26;
	[tilespmem:$0x4080] =	vst v63  }
0x63: {  	_ =	swait.ge [sflag:s10], $0x20;
	vm10 =	veq.s32 v24, v2;
	vm9 =	vne.s32 v25, $0x0  }
0x64: {  	s31 =	simm.s32 $0x20;
	[sflag:s10] =	ssyncset.done $0x0;
	vm9 =	vmand vm10, vm9  }
0x65: {  	v27 =	vadd.s32 v0, v27;
	v24 =	vor.u32 s31, v2;
	[sflag:s10] =	ssyncadd.s32 $0xFFFFFFE0;
	v26 =	vsel vm9, $0xFFFFFFFF, v3  }
0x66: {  	v28 =	vmulhi.u32 $0xAAAAAAAB, v24;
	v25 =	vmul.u32 $0x68, v25;
	v23 =	vld.idx.msk [tilespmem:v23+s9+$0x0], $0xffff;
	v26 =	vadd.s32 v26, v27  }
0x67: {  	v27 =	vand.u32 $0xFFFFFFF8, v26  }
0x68: {  	v28 =	vshrl.u32 v28, $0x3;
	v26 =	vand.u32 $0x7, v26;
	v25 =	vadd.s32 v25, v27  }
0x69: {  	v27 =	vmul.u32 $0xFFFFFFF4, v28;
	v29 =	vor.u32 v26, v25  }
0x6a: {  	v25 =	vmov s31  }
0x6b: {  	v24 =	vadd.s32 v24, v27;
	vm9 =	vlt.s32 v23, $0x0;
	v26 =	vxor.u32 $0x7FFFFFFF, v23  }
0x6c: {  	s1 =	simm.s32 $0x4B0;
	vm11 =	veq.s32 v25, v2;
	vm10 =	vne.s32 v24, $0x0;
	[tilespmem:s13+$0x0] =	vst v23;
	v23 =	vsel vm9, v26, v23  }
0x6d: {  	s5 =	simm.s32 $0x30;
	vm9 =	vmand vm11, vm10;
	[tilespmem:s1+$0x0] =	vst v23  }
0x6e: {  	s7 =	simm.s32 $0x40;
	s6 =	simm.s32 $0x0;
	v25 =	vor.u32 s5, v2;
	v27 =	vadd.s32 v0, v28;
	v26 =	vsel vm9, $0xFFFFFFFF, v3;
	v23 =	vld.idx.msk [tilespmem:v29+s9+$0x0], $0xffff  }
.LBB2_2:
0x6f: {  	p0 =	sne.s32 s7, $0x4A0;
	v28 =	vmulhi.u32 $0xAAAAAAAB, v25;
	v26 =	vadd.s32 v26, v27;
	v24 =	vmul.u32 $0x68, v24  }
0x70: {  	v27 =	vand.u32 $0xFFFFFFF8, v26  }
0x71: {  	v26 =	vand.u32 $0x7, v26;
	v28 =	vshrl.u32 v28, $0x3;
	v24 =	vadd.s32 v24, v27  }
0x72: {  	v27 =	vmul.u32 $0xFFFFFFF4, v28;
	v29 =	vor.u32 v26, v24  }
.Ltmp2:
0x73: {  	v26 =	vmov s5;
	s5 =	smov.u32 s7;
	(pc) =	sbr.rel @p0 .LBB2_2-.Ltmp2, $4  }
0x74: {  	s6 =	sadd.s32 $0x10, s6;
	vm9 =	vlt.s32 v23, $0x0;
	v24 =	vadd.s32 v25, v27;
	v25 =	vxor.u32 $0x7FFFFFFF, v23  }
0x75: {  	s1 =	sadd.s32 $0x10, s1;
	vm11 =	veq.s32 v26, v2;
	vm10 =	vne.s32 v24, $0x0;
	[tilespmem:s6+$0x0] =	vst v23;
	v23 =	vsel vm9, v25, v23  }
0x76: {  	vm9 =	vmand vm11, vm10;
	[tilespmem:s1+$0x0] =	vst v23  }
0x77: {  	s7 =	sadd.s32 $0x10, s7;
	v27 =	vadd.s32 v0, v28;
	v25 =	vor.u32 s5, v2;
	v26 =	vsel vm9, $0xFFFFFFFF, v3;
	v23 =	vld.idx.msk [tilespmem:v29+s9+$0x0], $0xffff  }
0x78: {  	v28 =	vmulhi.u32 $0xAAAAAAAB, v25  }
0x79: {  	v26 =	vadd.s32 v26, v27;
	v24 =	vmul.u32 $0x68, v24  }
0x7a: {  	v27 =	vand.u32 $0xFFFFFFF8, v26;
	v28 =	vshrl.u32 v28, $0x3  }
0x7b: {  	v26 =	vand.u32 $0x7, v26;
	v24 =	vadd.s32 v24, v27;
	v27 =	vmul.u32 $0xFFFFFFF4, v28  }
0x7c: {  	v24 =	vor.u32 v26, v24  }
0x7d: {  	v26 =	vmov s5;
	vm9 =	vlt.s32 v23, $0x0;
	v25 =	vadd.s32 v25, v27  }
0x7e: {  	s31 =	sadd.s32 $0x10, s6;
	vm11 =	veq.s32 v26, v2;
	v27 =	vxor.u32 $0x7FFFFFFF, v23;
	vm10 =	vne.s32 v25, $0x0  }
0x7f: {  	s1 =	sadd.s32 $0x10, s1;
	[tilespmem:s31+$0x0] =	vst v23;
	v23 =	vsel vm9, v27, v23;
	vm9 =	vmand vm11, vm10  }
0x80: {  	v26 =	vadd.s32 v0, v28;
	[tilespmem:s1+$0x0] =	vst v23;
	v23 =	vsel vm9, $0xFFFFFFFF, v3  }
0x81: {  	v25 =	vmul.u32 $0x68, v25;
	v24 =	vld.idx.msk [tilespmem:v24+s9+$0x0], $0xffff;
	v23 =	vadd.s32 v23, v26  }
0x82: {  	v26 =	vand.u32 $0xFFFFFFF8, v23  }
0x83: {  	v23 =	vand.u32 $0x7, v23;
	v25 =	vadd.s32 v25, v26  }
0x84: {  	v23 =	vor.u32 v23, v25;
	_ =	sdelay $0x1  }
0x85: {  	s5 =	sadd.s32 $0x10, s31;
	vm9 =	vlt.s32 v24, $0x0;
	v25 =	vxor.u32 $0x7FFFFFFF, v24  }
0x86: {  	s1 =	sadd.s32 $0x10, s1;
	[tilespmem:s5+$0x0] =	vst v24;
	v24 =	vsel vm9, v25, v24  }
0x87: {  	[tilespmem:s1+$0x0] =	vst v24  }
0x88: {  	v23 =	vld.idx.msk [tilespmem:v23+s9+$0x0], $0xffff;
	_ =	sdelay $0x4  }
0x89: {  	s5 =	sadd.s32 $0x10, s5;
	vm9 =	vlt.s32 v23, $0x0;
	v24 =	vxor.u32 $0x7FFFFFFF, v23  }
0x8a: {  	s1 =	sadd.s32 $0x10, s1;
	[tilespmem:s5+$0x0] =	vst v23;
	v23 =	vsel vm9, v24, v23  }
0x8b: {  	s23 =	simm.s32 $0x0;
	v24 =	vimm.s32 $0x7FFFFFFF;
	[tilespmem:s1+$0x0] =	vst v23;
	v23 =	vimm.s32 $0x80000000  }
.LBB2_4:
0x8c: {  	s1 =	simm.s32 $0x0  }
0x8d: {  	v26 =	vld [tilespmem:s1+$0x4B0]  }
0x8e: {  	s28 =	simm.s32 $0x10  }
0x8f: {  	s29 =	simm.s32 $0x20;
	v25 =	vxor.u32 v23, v24;
	v27 =	vld [tilespmem:s28+$0x4B0]  }
0x90: {  	v29 =	vand.u32 v23, v24;
	v28 =	vld [tilespmem:s29+$0x4B0];
	v25 =	vshra.s32 v25, $0x1  }
0x91: {  	v25 =	vadd.s32 v25, v29  }
0x92: {  	vm9 =	vgt.s32 v26, v25  }
0x93: {  	v26 =	vsel vm9, $0x1, v3  }
0x94: {  	vm9 =	vgt.s32 v27, v25;
	(xrf0) =	vadd.scan.msk.s32 $0xffff, v26  }
0x95: {  	v26 =	vsel vm9, $0x1, v3;
	vm9 =	vgt.s32 v28, v25  }
0x96: {  	(xrf0) =	vadd.scan.msk.s32 $0xffff, v26;
	v26 =	vsel vm9, $0x1, v3  }
0x97: {  	s30 =	simm.s32 $0x30;
	(xrf0) =	vadd.scan.msk.s32 $0xffff, v26  }
0x98: {  	v27 =	vld [tilespmem:s30+$0x4B0];
	_ =	sdelay $0x1  }
0x99: {  	v26, _, _ =	vpop (xrf0)  }
0x9a: {  	(v2sf) =	vpush v26, $0xF  }
0x9b: {  	v26, _, _ =	vpop (xrf0)  }
0x9c: {  	vm9 =	vgt.s32 v27, v25;
	(v2sf) =	vpush v26, $0xF;
	v27, _, _ =	vpop (xrf0)  }
0x9d: {  	(v2sf) =	vpush v27, $0xF;
	_ =	sdelay $0x5  }
0x9e: {  	s31 =	simm.s32 $0x40;
	v26 =	vsel vm9, $0x1, v3  }
0x9f: {  	(xrf0) =	vadd.scan.msk.s32 $0xffff, v26;
	v26 =	vld [tilespmem:s31+$0x4B0];
	_ =	sdelay $0x1  }
0xa0: {  	s5 =	simm.s32 $0x140;
	s1 =	simm.s32 $0x0  }
.LBB2_5:
0xa1: {  	p0 =	sne.s32 s5, $0x1280  }
.Ltmp3:
0xa2: {  	s6 =	sshra.s32 s5, $0x2;
	(pc) =	sbr.rel @p0 .LBB2_5-.Ltmp3, $4  }
0xa3: {  	s5 =	sadd.s32 $0x40, s5;
	s7 =	spop (v2sf);
	vm9 =	vgt.s32 v26, v25  }
0xa4: {  	s1 =	sadd.s32 s1, s7;
	v26 =	vld [tilespmem:s6+$0x4B0];
	v28 =	vsel vm9, $0x1, v3  }
0xa5: {  	(xrf0) =	vadd.scan.msk.s32 $0xffff, v28;
	v27, _, _ =	vpop (xrf0)  }
0xa6: {  	(v2sf) =	vpush v27, $0xF  }
0xa7: {  	_ =	sdelay $0x1  }
0xa8: {  	vm9 =	vgt.s32 v26, v25  }
0xa9: {  	v26 =	vsel vm9, $0x1, v3  }
0xaa: {  	(xrf0) =	vadd.scan.msk.s32 $0xffff, v26;
	_ =	sdelay $0x4  }
0xab: {  	v26, _, _ =	vpop (xrf0)  }
0xac: {  	(v2sf) =	vpush v26, $0xF;
	v26, _, _ =	vpop (xrf0)  }
0xad: {  	(v2sf) =	vpush v26, $0xF;
	_ =	sdelay $0xa  }
0xae: {  	s5 =	spop (v2sf)  }
0xaf: {  	s1 =	sadd.s32 s1, s5;
	s28 =	spop (v2sf)  }
0xb0: {  	s1 =	sadd.s32 s1, s28;
	s29 =	spop (v2sf)  }
0xb1: {  	s1 =	sadd.s32 s1, s29;
	s30 =	spop (v2sf)  }
0xb2: {  	s1 =	sadd.s32 s1, s30;
	s31 =	spop (v2sf)  }
0xb3: {  	s1 =	sadd.s32 s1, s31  }
0xb4: {  	v26 =	vmov s1  }
0xb5: {  	[tilespmem:$0x3F60] =	vst v26  }
0xb6: {  	[spmem:s8] =	stream.linear.scatter [tilespmem:s14], [sflag:$0x1], $0x10, $0x38;
	[tilespmem:$0x4080] =	vst v63  }
0xb7: {  	_ =	swait.ge [sflag:s10], $0x10  }
0xb8: {  	[sflag:s10] =	ssyncset.done $0x0  }
0xb9: {  	[sflag:s10] =	ssyncadd.s32 $0xFFFFFFF0  }
0xba: {  	[bflag:$0x0] =	sbarrier.arrive $0xFFFF  }
0xbb: {  	[tilespmem:s15], [sflag:$0x1] =	stream.linear.gather [spmem:s2], $0x100, $0x38;
	[tilespmem:$0x4080] =	vst v63  }
0xbc: {  	_ =	swait.ge [sflag:s10], $0x100  }
0xbd: {  	[sflag:s10] =	ssyncset.done $0x0  }
0xbe: {  	[sflag:s10] =	ssyncadd.s32 $0xFFFFFF00  }
0xbf: {  	v26 =	vld [tilespmem:$0x3F70]  }
0xc0: {  	v27 =	vld [tilespmem:$0x3F80]  }
0xc1: {  	v28 =	vld [tilespmem:$0x3F90]  }
0xc2: {  	v29 =	vld [tilespmem:$0x3FA0]  }
0xc3: {  	v30 =	vld [tilespmem:$0x3FB0]  }
0xc4: {  	v31 =	vld [tilespmem:$0x3FC0]  }
0xc5: {  	v26 =	vadd.s32 v26, v27;
	v27 =	vld [tilespmem:$0x3FD0]  }
0xc6: {  	v56 =	vld [tilespmem:$0x3FE0];
	v26 =	vadd.s32 v28, v26  }
0xc7: {  	v57 =	vld [tilespmem:$0x3FF0];
	v26 =	vadd.s32 v29, v26  }
0xc8: {  	v58 =	vld [tilespmem:$0x4000];
	v26 =	vadd.s32 v30, v26  }
0xc9: {  	v59 =	vld [tilespmem:$0x4010];
	v26 =	vadd.s32 v31, v26  }
0xca: {  	v26 =	vadd.s32 v27, v26;
	v27 =	vld [tilespmem:$0x4020]  }
0xcb: {  	v60 =	vld [tilespmem:$0x4030];
	v26 =	vadd.s32 v56, v26  }
0xcc: {  	v61 =	vld [tilespmem:$0x4040];
	v26 =	vadd.s32 v57, v26  }
0xcd: {  	v62 =	vld [tilespmem:$0x4050];
	v26 =	vadd.s32 v58, v26  }
0xce: {  	v63 =	vld [tilespmem:$0x4060];
	v26 =	vadd.s32 v59, v26  }
0xcf: {  	s23 =	sadd.s32 $0x1, s23;
	v26 =	vadd.s32 v27, v26  }
0xd0: {  	p0 =	sne.s32 s23, $0x20;
	v26 =	vadd.s32 v60, v26  }
.Ltmp4:
0xd1: {  	v26 =	vadd.s32 v61, v26;
	(pc) =	sbr.rel @p0 .LBB2_4-.Ltmp4, $4  }
0xd2: {  	v26 =	vadd.s32 v62, v26  }
0xd3: {  	v26 =	vadd.s32 v63, v26  }
0xd4: {  	[bflag:$0x0] =	sbarrier.arrive $0xFFFF;
	vm9 =	vgt.s32 v26, $0x7CF;
	v26 =	vadd.s32 $0x1, v25  }
0xd5: {  	v23 =	vsel vm9, v26, v23;
	v24 =	vsel vm9, v24, v25  }
0xd6: {  	s1 =	simm.s32 $0x0  }
0xd7: {  	v24 =	vld [tilespmem:s1+$0x4B0]  }
0xd8: {  	s29 =	simm.s32 $0x10  }
0xd9: {  	s30 =	simm.s32 $0x20;
	v25 =	vld [tilespmem:s29+$0x4B0]  }
0xda: {  	v26 =	vld [tilespmem:s30+$0x4B0];
	_ =	sdelay $0x1  }
0xdb: {  	vm9 =	vgt.s32 v24, v23  }
0xdc: {  	v24 =	vsel vm9, $0x1, v3  }
0xdd: {  	vm9 =	vgt.s32 v25, v23;
	(xrf0) =	vadd.scan.msk.s32 $0xffff, v24  }
0xde: {  	v24 =	vsel vm9, $0x1, v3;
	vm9 =	vgt.s32 v26, v23  }
0xdf: {  	(xrf0) =	vadd.scan.msk.s32 $0xffff, v24;
	v24 =	vsel vm9, $0x1, v3  }
0xe0: {  	s31 =	simm.s32 $0x30;
	(xrf0) =	vadd.scan.msk.s32 $0xffff, v24  }
0xe1: {  	v25 =	vld [tilespmem:s31+$0x4B0];
	_ =	sdelay $0x1  }
0xe2: {  	v24, _, _ =	vpop (xrf0)  }
0xe3: {  	(v2sf) =	vpush v24, $0xF  }
0xe4: {  	v24, _, _ =	vpop (xrf0)  }
0xe5: {  	vm9 =	vgt.s32 v25, v23;
	(v2sf) =	vpush v24, $0xF;
	v25, _, _ =	vpop (xrf0)  }
0xe6: {  	(v2sf) =	vpush v25, $0xF;
	_ =	sdelay $0x5  }
0xe7: {  	s6 =	simm.s32 $0x40;
	v24 =	vsel vm9, $0x1, v3  }
0xe8: {  	(xrf0) =	vadd.scan.msk.s32 $0xffff, v24;
	v24 =	vld [tilespmem:s6+$0x4B0];
	_ =	sdelay $0x1  }
0xe9: {  	s5 =	simm.s32 $0x140;
	s1 =	simm.s32 $0x0  }
.LBB2_8:
0xea: {  	p0 =	sne.s32 s5, $0x1280  }
.Ltmp5:
0xeb: {  	s6 =	sshra.s32 s5, $0x2;
	(pc) =	sbr.rel @p0 .LBB2_8-.Ltmp5, $4  }
0xec: {  	s5 =	sadd.s32 $0x40, s5;
	s7 =	spop (v2sf);
	vm9 =	vgt.s32 v24, v23  }
0xed: {  	s1 =	sadd.s32 s1, s7;
	v24 =	vld [tilespmem:s6+$0x4B0];
	v26 =	vsel vm9, $0x1, v3  }
0xee: {  	(xrf0) =	vadd.scan.msk.s32 $0xffff, v26;
	v25, _, _ =	vpop (xrf0)  }
0xef: {  	(v2sf) =	vpush v25, $0xF  }
0xf0: {  	_ =	sdelay $0x1  }
0xf1: {  	vm9 =	vgt.s32 v24, v23  }
0xf2: {  	v24 =	vsel vm9, $0x1, v3  }
0xf3: {  	(xrf0) =	vadd.scan.msk.s32 $0xffff, v24;
	_ =	sdelay $0x4  }
0xf4: {  	v24, _, _ =	vpop (xrf0)  }
0xf5: {  	(v2sf) =	vpush v24, $0xF;
	v24, _, _ =	vpop (xrf0)  }
0xf6: {  	(v2sf) =	vpush v24, $0xF;
	_ =	sdelay $0xa  }
0xf7: {  	s5 =	spop (v2sf)  }
0xf8: {  	s1 =	sadd.s32 s1, s5;
	s28 =	spop (v2sf)  }
0xf9: {  	s1 =	sadd.s32 s1, s28;
	s29 =	spop (v2sf)  }
0xfa: {  	s1 =	sadd.s32 s1, s29;
	s30 =	spop (v2sf)  }
0xfb: {  	s1 =	sadd.s32 s1, s30;
	s31 =	spop (v2sf)  }
0xfc: {  	s1 =	sadd.s32 s1, s31  }
0xfd: {  	v24 =	vmov s1  }
0xfe: {  	[tilespmem:$0x3F60] =	vst v24  }
0xff: {  	[spmem:s8] =	stream.linear.scatter [tilespmem:s14], [sflag:$0x1], $0x10, $0x38;
	[tilespmem:$0x4080] =	vst v63  }
0x100: {  	_ =	swait.ge [sflag:s10], $0x10  }
0x101: {  	[sflag:s10] =	ssyncset.done $0x0  }
0x102: {  	[sflag:s10] =	ssyncadd.s32 $0xFFFFFFF0  }
0x103: {  	[bflag:$0x0] =	sbarrier.arrive $0xFFFF  }
0x104: {  	[tilespmem:s15], [sflag:$0x1] =	stream.linear.gather [spmem:s2], $0x100, $0x38;
	[tilespmem:$0x4080] =	vst v63  }
0x105: {  	_ =	swait.ge [sflag:s10], $0x100  }
0x106: {  	[sflag:s10] =	ssyncset.done $0x0  }
0x107: {  	[sflag:s10] =	ssyncadd.s32 $0xFFFFFF00  }
0x108: {  	v24 =	vld [tilespmem:$0x3F70]  }
0x109: {  	v25 =	vld [tilespmem:$0x3F80]  }
0x10a: {  	v26 =	vld [tilespmem:$0x3F90]  }
0x10b: {  	v27 =	vld [tilespmem:$0x3FA0]  }
0x10c: {  	v28 =	vld [tilespmem:$0x3FB0]  }
0x10d: {  	v29 =	vld [tilespmem:$0x3FC0]  }
0x10e: {  	v30 =	vld [tilespmem:$0x3FD0];
	v24 =	vadd.s32 v25, v24  }
0x10f: {  	v25 =	vld [tilespmem:$0x3FE0];
	v24 =	vadd.s32 v26, v24  }
0x110: {  	v26 =	vld [tilespmem:$0x3FF0];
	v24 =	vadd.s32 v27, v24  }
0x111: {  	v27 =	vld [tilespmem:$0x4000];
	v24 =	vadd.s32 v28, v24  }
0x112: {  	v61 =	vld [tilespmem:$0x4010];
	v24 =	vadd.s32 v29, v24  }
0x113: {  	v62 =	vld [tilespmem:$0x4020];
	v24 =	vadd.s32 v30, v24  }
0x114: {  	v63 =	vld [tilespmem:$0x4030];
	v24 =	vadd.s32 v25, v24  }
0x115: {  	v25 =	vld [tilespmem:$0x4040];
	v24 =	vadd.s32 v26, v24  }
0x116: {  	v26 =	vld [tilespmem:$0x4050];
	v24 =	vadd.s32 v27, v24  }
0x117: {  	v27 =	vld [tilespmem:$0x4060];
	v24 =	vadd.s32 v61, v24  }
0x118: {  	v24 =	vadd.s32 v62, v24  }
0x119: {  	v24 =	vadd.s32 v63, v24  }
0x11a: {  	v24 =	vadd.s32 v25, v24  }
0x11b: {  	v24 =	vadd.s32 v26, v24  }
0x11c: {  	v24 =	vadd.s32 v27, v24  }
0x11d: {  	s23 =	simm.s32 $0x0;
	[bflag:$0x0] =	sbarrier.arrive $0xFFFF;
	v26 =	vimm.s32 $0x4AFF;
	v25 =	vsub.s32 $0x7D0, v24;
	v24 =	vimm.s32 $0x0  }
.LBB2_10:
0x11e: {  	s1 =	simm.s32 $0x0  }
0x11f: {  	v29 =	vld [tilespmem:s1+$0x4B0]  }
0x120: {  	s29 =	simm.s32 $0x10  }
0x121: {  	v27 =	vadd.s32 v24, v26;
	v30 =	vld [tilespmem:s29+$0x4B0]  }
0x122: {  	s30 =	simm.s32 $0x20;
	v27 =	vshra.s32 v27, $0x1  }
0x123: {  	v31 =	vld [tilespmem:s30+$0x4B0];
	v28 =	vadd.s32 v4, v27  }
0x124: {  	vm10 =	vle.s32 v1, v28;
	vm9 =	veq.s32 v29, v23  }
0x125: {  	s31 =	sadd.s32 $0x10, s4;
	vm9 =	vmand vm10, vm9  }
0x126: {  	s1 =	sadd.s32 $0x10, s31;
	v29 =	vmov s31;
	vm11 =	veq.s32 v30, v23;
	v30 =	vsel vm9, $0x1, v3  }
0x127: {  	vm12 =	vle.s32 v29, v28;
	v29 =	vmov s1;
	(xrf0) =	vadd.scan.msk.s32 $0xffff, v30  }
0x128: {  	vm10 =	vmand vm12, vm11;
	vm9 =	veq.s32 v31, v23;
	vm11 =	vle.s32 v29, v28  }
0x129: {  	v29 =	vsel vm10, $0x1, v3;
	vm9 =	vmand vm11, vm9  }
0x12a: {  	s5 =	simm.s32 $0x30;
	(xrf0) =	vadd.scan.msk.s32 $0xffff, v29;
	v30 =	vsel vm9, $0x1, v3  }
0x12b: {  	v29 =	vld [tilespmem:s5+$0x4B0];
	(xrf0) =	vadd.scan.msk.s32 $0xffff, v30;
	_ =	sdelay $0x1  }
0x12c: {  	s1 =	sadd.s32 $0x10, s1;
	v31, _, _ =	vpop (xrf0)  }
0x12d: {  	v30 =	vmov s1;
	(v2sf) =	vpush v31, $0xF;
	_ =	sdelay $0x1  }
0x12e: {  	vm9 =	veq.s32 v29, v23;
	v29, _, _ =	vpop (xrf0)  }
0x12f: {  	vm10 =	vle.s32 v30, v28;
	(v2sf) =	vpush v29, $0xF;
	v30, _, _ =	vpop (xrf0)  }
0x130: {  	(v2sf) =	vpush v30, $0xF;
	_ =	sdelay $0x2  }
0x131: {  	vm9 =	vmand vm10, vm9  }
0x132: {  	s7 =	simm.s32 $0x40;
	v29 =	vsel vm9, $0x1, v3  }
0x133: {  	(xrf0) =	vadd.scan.msk.s32 $0xffff, v29;
	v29 =	vld [tilespmem:s7+$0x4B0];
	_ =	sdelay $0x2  }
0x134: {  	s5 =	sadd.s32 $0x10, s1  }
0x135: {  	s6 =	simm.s32 $0x140;
	s1 =	simm.s32 $0x0;
	v30 =	vmov s5  }
.LBB2_11:
0x136: {  	s7 =	sshra.s32 s6, $0x2;
	p0 =	sne.s32 s6, $0x1280;
	s6 =	sadd.s32 $0x40, s6;
	vm9 =	veq.s32 v29, v23;
	vm10 =	vle.s32 v30, v28  }
.Ltmp6:
0x137: {  	v29 =	vld [tilespmem:s7+$0x4B0];
	vm9 =	vmand vm10, vm9;
	s7 =	spop (v2sf);
	(pc) =	sbr.rel @p0 .LBB2_11-.Ltmp6, $4  }
0x138: {  	v31 =	vsel vm9, $0x1, v3;
	s1 =	sadd.s32 s1, s7  }
0x139: {  	(xrf0) =	vadd.scan.msk.s32 $0xffff, v31;
	v30, _, _ =	vpop (xrf0)  }
0x13a: {  	s5 =	sadd.s32 $0x10, s5;
	(v2sf) =	vpush v30, $0xF  }
0x13b: {  	v30 =	vmov s5  }
0x13c: {  	vm9 =	veq.s32 v29, v23;
	vm10 =	vle.s32 v30, v28  }
0x13d: {  	vm9 =	vmand vm10, vm9  }
0x13e: {  	v46 =	vsel vm9, $0x1, v3  }
0x13f: {  	(xrf0) =	vadd.scan.msk.s32 $0xffff, v46;
	_ =	sdelay $0x4  }
0x140: {  	v47, _, _ =	vpop (xrf0)  }
0x141: {  	(v2sf) =	vpush v47, $0xF;
	v48, _, _ =	vpop (xrf0)  }
0x142: {  	(v2sf) =	vpush v48, $0xF;
	_ =	sdelay $0xa  }
0x143: {  	s5 =	spop (v2sf)  }
0x144: {  	s1 =	sadd.s32 s1, s5;
	s28 =	spop (v2sf)  }
0x145: {  	s1 =	sadd.s32 s1, s28;
	s29 =	spop (v2sf)  }
0x146: {  	s1 =	sadd.s32 s1, s29;
	s30 =	spop (v2sf)  }
0x147: {  	s1 =	sadd.s32 s1, s30;
	s31 =	spop (v2sf)  }
0x148: {  	s1 =	sadd.s32 s1, s31  }
0x149: {  	v49 =	vmov s1  }
0x14a: {  	[tilespmem:$0x3F60] =	vst v49  }
0x14b: {  	[spmem:s8] =	stream.linear.scatter [tilespmem:s14], [sflag:$0x1], $0x10, $0x38;
	[tilespmem:$0x4080] =	vst v63  }
0x14c: {  	_ =	swait.ge [sflag:s10], $0x10  }
0x14d: {  	[sflag:s10] =	ssyncset.done $0x0  }
0x14e: {  	[sflag:s10] =	ssyncadd.s32 $0xFFFFFFF0  }
0x14f: {  	[bflag:$0x0] =	sbarrier.arrive $0xFFFF  }
0x150: {  	[tilespmem:s15], [sflag:$0x1] =	stream.linear.gather [spmem:s2], $0x100, $0x38;
	[tilespmem:$0x4080] =	vst v63  }
0x151: {  	_ =	swait.ge [sflag:s10], $0x100  }
0x152: {  	[sflag:s10] =	ssyncset.done $0x0  }
0x153: {  	[sflag:s10] =	ssyncadd.s32 $0xFFFFFF00  }
0x154: {  	v50 =	vld [tilespmem:$0x3F70]  }
0x155: {  	v51 =	vld [tilespmem:$0x3F80]  }
0x156: {  	v52 =	vld [tilespmem:$0x3F90]  }
0x157: {  	v31 =	vld [tilespmem:$0x3FA0]  }
0x158: {  	v32 =	vld [tilespmem:$0x3FB0]  }
0x159: {  	v33 =	vld [tilespmem:$0x3FC0]  }
0x15a: {  	v53 =	vld [tilespmem:$0x3FD0];
	v28 =	vadd.s32 v50, v51  }
0x15b: {  	v54 =	vld [tilespmem:$0x3FE0];
	v28 =	vadd.s32 v52, v28  }
0x15c: {  	v55 =	vld [tilespmem:$0x3FF0];
	v28 =	vadd.s32 v31, v28  }
0x15d: {  	v56 =	vld [tilespmem:$0x4000];
	v28 =	vadd.s32 v32, v28  }
0x15e: {  	v57 =	vld [tilespmem:$0x4010];
	v28 =	vadd.s32 v33, v28  }
0x15f: {  	v58 =	vld [tilespmem:$0x4020];
	v28 =	vadd.s32 v53, v28  }
0x160: {  	v59 =	vld [tilespmem:$0x4030];
	v28 =	vadd.s32 v54, v28  }
0x161: {  	v60 =	vld [tilespmem:$0x4040];
	v28 =	vadd.s32 v55, v28  }
0x162: {  	v61 =	vld [tilespmem:$0x4050];
	v28 =	vadd.s32 v56, v28  }
0x163: {  	v62 =	vld [tilespmem:$0x4060];
	v28 =	vadd.s32 v57, v28  }
0x164: {  	s23 =	sadd.s32 $0x1, s23;
	v28 =	vadd.s32 v58, v28  }
0x165: {  	p0 =	sne.s32 s23, $0xF;
	v28 =	vadd.s32 v59, v28  }
.Ltmp7:
0x166: {  	v28 =	vadd.s32 v60, v28;
	(pc) =	sbr.rel @p0 .LBB2_10-.Ltmp7, $4  }
0x167: {  	v28 =	vadd.s32 v61, v28  }
0x168: {  	v28 =	vadd.s32 v62, v28  }
0x169: {  	v63 =	vadd.s32 $0x1, v27;
	[bflag:$0x0] =	sbarrier.arrive $0xFFFF;
	vm9 =	vlt.s32 v28, v25  }
0x16a: {  	v24 =	vsel vm9, v63, v24;
	v26 =	vsel vm9, v26, v27  }
0x16b: {  	s1 =	simm.s32 $0x4B0  }
0x16c: {  	v25 =	vld [tilespmem:s1+$0x0];
	_ =	sdelay $0x2  }
0x16d: {  	s31 =	sadd.s32 $0x0, s4  }
0x16e: {  	v26 =	vor.u32 s31, v2  }
0x16f: {  	vm10 =	vle.s32 v26, v24;
	vm9 =	veq.s32 v25, v23  }
0x170: {  	vm11 =	vgt.s32 v25, v23;
	vm9 =	vmand vm10, vm9  }
0x171: {  	vm9 =	vmor vm11, vm9  }
0x172: {  	v25 =	vsel vm9, $0x1, v3  }
0x173: {  	(xrf0) =	vadd.scan.msk.s32 $0xffff, v25;
	_ =	sdelay $0x4  }
0x174: {  	s5 =	simm.s32 $0x0  }
0x175: {  	v25 =	vor.u32 s5, v2;
	v26, _, _ =	vpop (xrf0)  }
0x176: {  	s6 =	simm.s32 $0x4C0;
	[tilespmem:s5+$0x960] =	vst.msk vm9, v25;
	(v2sf) =	vpush v26, $0xF  }
0x177: {  	s7 =	simm.s32 $0x20;
	s1 =	simm.s32 $0x10;
	v25 =	vld [tilespmem:s6+$0x0]  }
.LBB2_14:
0x178: {  	p0 =	sne.s32 s7, $0x4A0;
	_ =	sdelay $0x1  }
0x179: {  	s8 =	sadd.s32 s1, s4  }
0x17a: {  	v26 =	vor.u32 s8, v2  }
0x17b: {  	vm10 =	vle.s32 v26, v24;
	vm9 =	veq.s32 v25, v23  }
0x17c: {  	vm11 =	vgt.s32 v25, v23;
	vm9 =	vmand vm10, vm9  }
0x17d: {  	vm9 =	vmor vm11, vm9  }
0x17e: {  	v25 =	vsel vm9, $0x1, v3  }
0x17f: {  	(xrf0) =	vadd.scan.msk.s32 $0xffff, v25;
	_ =	sdelay $0x3  }
.Ltmp8:
0x180: {  	(pc) =	sbr.rel @p0 .LBB2_14-.Ltmp8, $4  }
0x181: {  	s8 =	spop (v2sf)  }
0x182: {  	v25 =	vor.u32 s1, v2;
	s1 =	smov.u32 s7;
	v26, _, _ =	vpop (xrf0);
	s5 =	sadd.s32 s5, s8  }
0x183: {  	s6 =	sadd.s32 $0x10, s6;
	[tilespmem:s5+$0x960] =	vst.msk vm9, v25;
	(v2sf) =	vpush v26, $0xF  }
0x184: {  	s7 =	sadd.s32 $0x10, s7;
	v25 =	vld [tilespmem:s6+$0x0]  }
0x185: {  	_ =	sdelay $0x1  }
0x186: {  	s6 =	sadd.s32 s1, s4  }
0x187: {  	v26 =	vor.u32 s6, v2  }
0x188: {  	vm10 =	vle.s32 v26, v24;
	vm9 =	veq.s32 v25, v23  }
0x189: {  	vm11 =	vgt.s32 v25, v23;
	vm9 =	vmand vm10, vm9  }
0x18a: {  	vm9 =	vmor vm11, vm9  }
0x18b: {  	v23 =	vsel vm9, $0x1, v3  }
0x18c: {  	(xrf0) =	vadd.scan.msk.s32 $0xffff, v23;
	_ =	sdelay $0x5  }
0x18d: {  	v23, _, _ =	vpop (xrf0)  }
0x18e: {  	(v2sf) =	vpush v23, $0xF;
	_ =	sdelay $0xd  }
0x18f: {  	s28 =	spop (v2sf)  }
0x190: {  	s5 =	sadd.s32 s5, s28;
	s29 =	spop (v2sf)  }
0x191: {  	s0 =	sadd.s32 s5, s29  }
0x192: {  	p0 =	slt.s32 s0, $0x100  }
0x193: {  	p1 =	slt.s32 s0, $0xFFFFFFF2;
	s0 =	simm.s32 @!p0 $0x100  }
0x194: {  	s30 =	sadd.s32 $0xF, s0  }
0x195: {  	s7 =	sand.u32 $0xF, s30  }
0x196: {  	s31 =	sshra.s32 s30, $0x1F;
	p6 =	sne.s32 s7, $0x0  }
0x197: {  	s7 =	sshrl.u32 s31, $0x1C;
	p0 =	por !p1, !p6  }
0x198: {  	s6 =	sadd.s32 s7, s30;
	s7 =	simm.s32 $0x1;
	p0 =	por !p0, !p0  }
0x199: {  	s6 =	sshra.s32 s6, $0x4;
	s7 =	simm.s32 @!p0 $0x0  }
0x19a: {  	v23 =	vor.u32 s1, v2;
	s1 =	ssub.s32 s6, s7  }
0x19b: {  	p0 =	slt.s32 s1, $0x1  }
.Ltmp9:
0x19c: {  	_ = 	snop;
	(pc) =	sbr.rel @p0 .LBB2_18-.Ltmp9, $3  }
0x19d: {  	_ =	sdelay $0x1  }
0x19e: {  	[tilespmem:s5+$0x960] =	vst.msk vm9, v23  }
0x19f: {  	vm11 =	vcmask $0x1B18;
	vm9 =	vcmask $0x704;
	[dreg:$0x11] =	wrdreg s0;
	[tilespmem:s0+$0x960] =	vst v3  }
0x1a0: {  	v23 =	vld [tilespmem:$0x3F50]  }
0x1a1: {  	v24 =	vld [tilespmem:$0x3F40];
	s28 =	simm.s32 $0x960;
	s29 =	simm.s32 $0x3C40  }
.LBB2_17:
0x1a2: {  	v25 =	vld [tilespmem:s28+$0x0];
	_ =	sdelay $0x4  }
0x1a3: {  	(v2sf) =	vpush v25, $0xD;
	_ =	sdelay $0x1  }
0x1a4: {  	(v2sf) =	vpush v25, $0xC;
	_ =	sdelay $0x1  }
0x1a5: {  	(v2sf) =	vpush v25, $0xE;
	_ =	sdelay $0x1  }
0x1a6: {  	(v2sf) =	vpush v25, $0xF;
	_ =	sdelay $0x1  }
0x1a7: {  	(v2sf) =	vpush v25, $0x9;
	_ =	sdelay $0x1  }
0x1a8: {  	(v2sf) =	vpush v25, $0x8;
	_ =	sdelay $0x1  }
0x1a9: {  	(v2sf) =	vpush v25, $0xA;
	_ =	sdelay $0x1  }
0x1aa: {  	(v2sf) =	vpush v25, $0xB  }
0x1ab: {  	(v2sf) =	vpush v25, $0x0;
	s26 =	spop (v2sf)  }
0x1ac: {  	[dreg:$0x12] =	wrdreg s1;
	s5 =	smulhi.u32 $0x2AAAAAAB, s26;
	s1 =	sshra.s32 s26, $0x1F  }
0x1ad: {  	s6 =	spop (v2sf);
	s1 =	smul.u32 $0x2AAAAAAB, s1  }
0x1ae: {  	(v2sf) =	vpush v25, $0x1;
	s7 =	smulhi.u32 $0x2AAAAAAB, s6;
	s6 =	sshra.s32 s6, $0x1F  }
0x1af: {  	s8 =	spop (v2sf);
	s6 =	smul.u32 $0x2AAAAAAB, s6  }
0x1b0: {  	(v2sf) =	vpush v25, $0x2;
	s12 =	smulhi.u32 $0x2AAAAAAB, s8;
	s8 =	sshra.s32 s8, $0x1F  }
0x1b1: {  	(v2sf) =	vpush v25, $0x3;
	s11 =	spop (v2sf);
	s8 =	smul.u32 $0x2AAAAAAB, s8  }
0x1b2: {  	(v2sf) =	vpush v25, $0x4;
	s18 =	smulhi.u32 $0x2AAAAAAB, s11;
	s11 =	sshra.s32 s11, $0x1F  }
0x1b3: {  	(v2sf) =	vpush v25, $0x5;
	s17 =	spop (v2sf);
	s11 =	smul.u32 $0x2AAAAAAB, s11  }
0x1b4: {  	(v2sf) =	vpush v25, $0x6;
	s13 =	smulhi.u32 $0x2AAAAAAB, s17;
	s17 =	sshra.s32 s17, $0x1F  }
0x1b5: {  	(v2sf) =	vpush v25, $0x7;
	s30 =	spop (v2sf);
	s16 =	smul.u32 $0x2AAAAAAB, s17  }
0x1b6: {  	s0 =	smulhi.u32 $0x2AAAAAAB, s30;
	s30 =	sshra.s32 s30, $0x1F  }
0x1b7: {  	s31 =	spop (v2sf);
	s23 =	smul.u32 $0x2AAAAAAB, s30  }
0x1b8: {  	s24 =	smulhi.u32 $0x2AAAAAAB, s31;
	s31 =	sshra.s32 s31, $0x1F  }
0x1b9: {  	s14 =	spop (v2sf);
	s30 =	sadd.s32 s11, s18;
	s21 =	smul.u32 $0x2AAAAAAB, s31  }
0x1ba: {  	s15 =	spop (v2sf);
	s10 =	smulhi.u32 $0x2AAAAAAB, s14;
	s14 =	sshra.s32 s14, $0x1F  }
0x1bb: {  	s31 =	sadd.s32 s1, s5;
	s5 =	sadd.s32 s6, s7;
	s1 =	sadd.s32 s8, s12  }
0x1bc: {  	s11 =	sadd.s32 s16, s13;
	s16 =	sshrl.u32 s30, $0x1F;
	s14 =	smul.u32 $0x2AAAAAAB, s14  }
0x1bd: {  	s9 =	spop (v2sf);
	s20 =	smulhi.u32 $0x2AAAAAAB, s15;
	s7 =	sshra.s32 s15, $0x1F  }
0x1be: {  	s15 =	sshrl.u32 s31, $0x1F;
	s19 =	sshrl.u32 s5, $0x1F;
	s26 =	smul.u32 $0x2AAAAAAB, s7  }
0x1bf: {  	s3 =	spop (v2sf);
	s8 =	smulhi.u32 $0x2AAAAAAB, s9;
	s12 =	sshra.s32 s9, $0x1F  }
0x1c0: {  	s7 =	sadd.s32 s21, s24;
	s2 =	spop (v2sf);
	s18 =	smul.u32 $0x2AAAAAAB, s12  }
0x1c1: {  	s13 =	smulhi.u32 $0x2AAAAAAB, s3;
	s3 =	sshra.s32 s3, $0x1F;
	s25 =	spop (v2sf)  }
0x1c2: {  	s12 =	sadd.s32 s23, s0;
	s23 =	smul.u32 $0x2AAAAAAB, s3;
	s22 =	spop (v2sf)  }
0x1c3: {  	s3 =	smulhi.u32 $0x2AAAAAAB, s2;
	s2 =	sshra.s32 s2, $0x1F;
	s17 =	spop (v2sf)  }
0x1c4: {  	s6 =	sadd.s32 s14, s10;
	s2 =	smul.u32 $0x2AAAAAAB, s2;
	s24 =	spop (v2sf)  }
0x1c5: {  	s14 =	sadd.s32 s26, s20;
	s20 =	smulhi.u32 $0x2AAAAAAB, s24;
	s10 =	sshra.s32 s24, $0x1F  }
0x1c6: {  	s9 =	sshrl.u32 s1, $0x1F;
	s21 =	sshrl.u32 s11, $0x1F;
	s10 =	smul.u32 $0x2AAAAAAB, s10  }
0x1c7: {  	s18 =	sadd.s32 s18, s8;
	s26 =	smulhi.u32 $0x2AAAAAAB, s25;
	s24 =	sshra.s32 s25, $0x1F  }
0x1c8: {  	s0 =	sadd.s32 s23, s13;
	s13 =	smul.u32 $0x2AAAAAAB, s24;
	s8 =	sadd.s32 s10, s20  }
0x1c9: {  	v27 =	vmov s19;
	s23 =	sshrl.u32 s12, $0x1F;
	s2 =	sadd.s32 s2, s3;
	s25 =	sshra.s32 s8, $0x1F  }
0x1ca: {  	v27 =	vsel vm1, s15, v27;
	s3 =	sshrl.u32 s18, $0x1F;
	s10 =	sadd.s32 s13, s26;
	s26 =	sshra.s32 s14, $0x1;
	v26 =	vmov s25  }
0x1cb: {  	v27 =	vsel vm2, s9, v27;
	s15 =	smulhi.u32 $0x2AAAAAAB, s22;
	s24 =	sshrl.u32 s14, $0x1F;
	s14 =	sshra.s32 s14, $0x1F;
	v26 =	vsel vm4, s26, v26  }
0x1cc: {  	vm10 =	vcmask $0x1714;
	v27 =	vsel vm11, s16, v27;
	s19 =	sshrl.u32 s2, $0x1F;
	s20 =	sshrl.u32 s7, $0x1F;
	s26 =	sshra.s32 s18, $0x1;
	v26 =	vsel vm9, s14, v26  }
0x1cd: {  	v29 =	vmov s23;
	v28 =	vmov s24;
	s13 =	sshrl.u32 s6, $0x1F;
	s25 =	sshra.s32 s22, $0x1F;
	s18 =	sshra.s32 s18, $0x1F;
	v26 =	vsel vm1, s26, v26  }
0x1ce: {  	v29 =	vsel vm1, s21, v29;
	v28 =	vnsel vm4, $0x0, v28;
	s21 =	sshrl.u32 s10, $0x1F;
	s24 =	smul.u32 $0x2AAAAAAB, s25;
	v26 =	vsel vm13, s18, v26;
	s18 =	sshra.s32 s0, $0x1  }
0x1cf: {  	v28 =	vsel vm1, s3, v28;
	v29 =	vsel vm2, s20, v29;
	s22 =	sshrl.u32 s0, $0x1F;
	s25 =	smulhi.u32 $0x2AAAAAAB, s17;
	s0 =	sshra.s32 s0, $0x1F;
	v26 =	vsel vm2, s18, v26  }
0x1d0: {  	v29 =	vsel vm11, s13, v29;
	v28 =	vsel vm2, s22, v28;
	s22 =	sshra.s32 s2, $0x1;
	s14 =	sshra.s32 s5, $0x1;
	s26 =	sshra.s32 s17, $0x1F;
	v26 =	vsel vm10, s0, v26  }
0x1d1: {  	v27 =	vcombine.low v29, v27;
	v28 =	vsel vm11, s19, v28;
	s9 =	sadd.s32 s24, s15;
	s24 =	sshra.s32 s2, $0x1F;
	s16 =	smul.u32 $0x2AAAAAAB, s26;
	v26 =	vsel vm11, s22, v26  }
0x1d2: {  	v28 =	vsel vm5, s21, v28;
	s15 =	sshra.s32 s12, $0x1;
	s17 =	sshra.s32 s31, $0x1;
	v49 =	vmov s14;
	s26 =	sshra.s32 s10, $0x1;
	v26 =	vsel vm14, s24, v26  }
0x1d3: {  	s23 =	sshrl.u32 s9, $0x1F;
	v30 =	vmov s15;
	s3 =	sadd.s32 s16, s25;
	s16 =	sshra.s32 s10, $0x1F;
	vm10 =	vcmask $0x2724;
	v26 =	vsel vm5, s26, v26  }
0x1d4: {  	s1 =	sshra.s32 s1, $0x1;
	s19 =	sshra.s32 s9, $0x1;
	v29 =	vsel vm1, s17, v49;
	v28 =	vsel vm6, s23, v28;
	s18 =	sshra.s32 s11, $0x1;
	v26 =	vsel vm10, s16, v26  }
0x1d5: {  	s20 =	sshra.s32 s7, $0x1;
	s21 =	sshra.s32 s9, $0x1F;
	v29 =	vsel vm2, s1, v29;
	v30 =	vsel vm1, s18, v30;
	s25 =	sshrl.u32 s3, $0x1F;
	v26 =	vsel vm6, s19, v26  }
0x1d6: {  	s23 =	sshra.s32 s6, $0x1;
	s22 =	sshra.s32 s30, $0x1;
	v30 =	vsel vm2, s20, v30;
	v28 =	vsel vm7, s25, v28;
	s24 =	sshra.s32 s3, $0x1;
	v26 =	vsel vm3, s21, v26  }
0x1d7: {  	s30 =	sshra.s32 s3, $0x1F;
	s25 =	sshrl.u32 s8, $0x1F;
	v29 =	vsel vm11, s22, v29;
	v30 =	vsel vm11, s23, v30;
	v26 =	vsel vm7, s24, v26  }
0x1d8: {  	s31 =	sshra.s32 s8, $0x1;
	v28 =	vsel vm8, s25, v28;
	v29 =	vcombine.low v30, v29;
	v26 =	vsel vm15, s30, v26  }
0x1d9: {  	v27 =	vperm.xlane v27, v5;
	v28 =	vperm.xlane v28, v6;
	v26 =	vsel vm8, s31, v26  }
0x1da: {  	v29 =	vperm.xlane v29, v5;
	v26 =	vperm.xlane v26, v6;
	_ =	sdelay $0x1  }
0x1db: {  	v27 =	vsel vm0, v28, v27;
	v26 =	vsel vm0, v26, v29  }
0x1dc: {  	v26 =	vadd.s32 v27, v26  }
0x1dd: {  	v27 =	vmul.u32 $0xFFFFFFF4, v26;
	_ =	sdelay $0x1  }
0x1de: {  	vm12 =	vmmov vm9;
	v27 =	vadd.s32 v25, v27  }
0x1df: {  	vm10 =	vlt.s32 v25, $0x1;
	vm9 =	vne.s32 v27, $0x0;
	v50 =	vshll.u32 v27, $0x2  }
0x1e0: {  	vm9 =	vmand vm10, vm9;
	vm10 =	vlt.s32 v27, $0x0;
	v27 =	vadd.s32 $0x30, v50  }
0x1e1: {  	v26 =	vadd.s32 v0, v26;
	v51 =	vsel vm9, $0xFFFFFFFF, v3;
	v27 =	vsel vm10, v27, v50  }
0x1e2: {  	v26 =	vadd.s32 v51, v26;
	v27 =	vmul.u32 $0x68, v27  }
0x1e3: {  	v52 =	vand.u32 $0xFFFFFFF8, v26  }
0x1e4: {  	v26 =	vand.u32 $0x7, v26;
	v27 =	vadd.s32 v27, v52  }
0x1e5: {  	v26 =	vor.u32 v26, v27  }
0x1e6: {  	v27 =	vadd.s32 $0xD0, v26;
	_ =	sdelay $0x1  }
0x1e7: {  	v53 =	vadd.s32 $0x138, v26  }
0x1e8: {  	v54 =	vshll.u32 v25, $0x2  }
0x1e9: {  	v31 =	vor.u32 $0x2, v54;
	s11 =	simm.s32 $0x1300  }
0x1ea: {  	v32 =	vor.u32 $0x3, v54;
	v27 =	vld.idx.msk [tilespmem:v27+s11+$0x0], $0xffff;
	_ =	sdelay $0x1  }
0x1eb: {  	v55 =	vor.u32 $0x1, v54;
	v28 =	vld.idx.msk [tilespmem:v53+s11+$0x0], $0xffff  }
0x1ec: {  	s12 =	simm.s32 $0x2680  }
0x1ed: {  	v31 =	vld.idx.msk [tilespmem:v31+s12+$0x0], $0xffff  }
0x1ee: {  	v32 =	vld.idx.msk [tilespmem:v32+s12+$0x0], $0xffff;
	v27 =	vmul.f32 $1.442695020e+00, v27  }
0x1ef: {  	v29 =	vld.idx.msk [tilespmem:v54+s12+$0x0], $0xffff  }
0x1f0: {  	v30 =	vld.idx.msk [tilespmem:v55+s12+$0x0], $0xffff;
	v28 =	vmul.f32 $1.442695020e+00, v28;
	(erf) = vpow2.f32 v27  }
0x1f1: {  	v27 =	vadd.s32 $0x68, v26  }
0x1f2: {  	(erf) = vpow2.f32 v28;
	_ =	sdelay $0x1  }
0x1f3: {  	v56 =	vsub.f32 v31, v29  }
0x1f4: {  	v57 =	vsub.f32 v32, v30;
	v26 =	vld.idx.msk [tilespmem:v26+s11+$0x0], $0xffff  }
0x1f5: {  	v28 =	vadd.f32 $1.000000000e+00, v56;
	v27 =	vld.idx.msk [tilespmem:v27+s11+$0x0], $0xffff  }
0x1f6: {  	v31 =	vadd.f32 $1.000000000e+00, v57  }
0x1f7: {  	v58 =	vmul.f32 $5.000000000e-01, v28  }
0x1f8: {  	v34 =	vmul.f32 $5.000000000e-01, v31;
	v33 =	vpop (erf)  }
0x1f9: {  	s13 =	simm.s32 $0x0;
	v26 =	vmul.f32 v28, v26;
	v29 =	vadd.f32 v58, v29;
	v28 =	vmul.f32 v28, v33  }
0x1fa: {  	v62 =	vld.idx.msk [tilespmem:v25+s13+$0x0], $0xffff;
	v30 =	vadd.f32 v34, v30;
	v59 =	vpop (erf);
	v27 =	vmul.f32 v31, v27  }
0x1fb: {  	v26 =	vadd.f32 v29, v26;
	v31 =	vmul.f32 v31, v59;
	v28 =	vmul.f32 $5.000000000e-01, v28  }
0x1fc: {  	v25 =	vadd.s32 v1, v25  }
0x1fd: {  	v27 =	vadd.f32 v30, v27;
	v60 =	vmul.f32 $5.000000000e-01, v31;
	v61 =	vsub.f32 v26, v28  }
0x1fe: {  	s26 =	rddreg [dreg:$0x12];
	v25 =	vcvt.s32.f32 v25;
	v26 =	vadd.f32 v26, v28  }
0x1ff: {  	p0 =	sne.s32 s26, $0x1;
	[tilespmem:s29+$0x100] =	vst v62;
	v31 =	vsub.f32 v27, v60;
	v30 =	vmax.f32 v61, $0.0e+00  }
.Ltmp10:
0x200: {  	[tilespmem:s29+$0x200] =	vst v25;
	v27 =	vadd.f32 v27, v60;
	v26 =	vmax.f32 v26, $0.0e+00;
	v30 =	vmin.f32 v30, v23;
	(pc) =	sbr.rel @p0 .LBB2_17-.Ltmp10, $4  }
0x201: {  	v31 =	vmax.f32 v31, $0.0e+00;
	v26 =	vmin.f32 v26, v23;
	[tilespmem:s29+$0xFFFFFD00] =	vst v30  }
0x202: {  	v27 =	vmax.f32 v27, $0.0e+00;
	v63 =	vmin.f32 v31, v24;
	[tilespmem:s29+$0xFFFFFF00] =	vst v26  }
0x203: {  	v27 =	vmin.f32 v27, v24;
	[tilespmem:s29+$0xFFFFFE00] =	vst v63  }
0x204: {  	s28 =	sadd.s32 $0x10, s28;
	s1 =	sadd.s32 $0xFFFFFFFF, s26;
	vm9 =	vmmov vm12;
	[tilespmem:s29+$0x0] =	vst v27;
	s29 =	sadd.s32 $0x10, s29  }
.Ltmp11:
0x205: {  	_ = 	snop;
	(pc) =	sbr.rel .LBB2_18-.Ltmp11, $1  }
0x206: {  	_ =	sdelay $0x3  }
.LBB2_19:
0x207: {  	_ =	sfence.sel $0x180000  }
0x208: {  	[bflag:$0x0] =	sbarrier.arrive $0xFFFF  }
0x209: {  	_ =	strace $0x90000047  }
0x20a: {  	s0 =	stileid.u32;
	[bflag:$0x2] =	sbarrier.arrive $0xFFFF  }
0x20b: {  	p0 =	sne.s32 s0, $0x0;
	s0 =	rddreg [dreg:$0x3]  }
0x20c: {  	s0 =	sadd.s32 @!p0 $0x100000, s0  }
0x20d: {  	[sflag:s0] =	ssyncadd.tile.s32 @!p0 $0x1;
	_ =	shalt  }
.Lfunc_end2:
_tile_overlayer_lowered:
.L_overlay_start_2:
0x20e: {  	(tag) =	ssettag $0x2  }
0x20f: {  	s0 =	rddreg [dreg:$0x0];
	s2 =	stileid.u32  }
0x210: {  	s1 =	rddreg [dreg:$0x1];
	p0 =	sne.s32 s2, $0x0  }
0x211: {  	s3 =	rddreg [dreg:$0x2];
	[bflag:$0x3] =	sbarrier.arrive $0xFFFF;
	s2 =	simm.s32 @!p0 $0x1C01  }
0x212: {  	[timem:s3], [sflag:s2] =	dma.local @!p0 [hbm:s0], s1  }
0x213: {  	s0 =	simm.s32 @!p0 $0x1  }
0x214: {  	_ =	swait.ge @!p0 [sflag:s0], s1  }
0x215: {  	s1 =	ssub.s32 @!p0 $0x0, s1;
	[sflag:s0] =	ssyncset.done @!p0 $0x0  }
0x216: {  	[sflag:s0] =	ssyncadd.s32 @!p0 s1  }
0x217: {  	[bflag:$0x3] =	sbarrier.arrive $0xFFFF  }
0x218: {  	_ =	shalt  }

</sc_bundles>
